<compile_context>
chip_gen: v7x
topology: tpu7x:2x2x1
jax: 0.10.2.dev20260603
libtpu: 0.0.44.dev20260713+nightly
codegen_flags: <defaults>
</compile_context>

<pallas_src>
import functools

import jax
import jax.numpy as jnp
from jax import lax
from jax.experimental import pallas as pl
from jax.experimental.pallas import tpu as pltpu
from jax.experimental.pallas import tpu_sc as plsc

N_NODES = 10000
D = 128
N_EDGES = 320000

NC = 2
NS = 16
NW = NC * NS
EPW = N_EDGES // NW
K = 100
CPW = EPW // K
N_PAD = 10240
ROWS_PT = N_PAD // NS

_MESH = plsc.VectorSubcoreMesh(core_axis_name="c", subcore_axis_name="s")


HR = N_PAD // D
EPW_PAD = N_PAD


def _deg_body(dst_hbm, zer_hbm, out_hbm, table_v, dst_v):
  c = lax.axis_index("c")
  s = lax.axis_index("s")
  w = c * NS + s
  pltpu.sync_copy(zer_hbm, table_v)
  pltpu.sync_copy(dst_hbm.at[w], dst_v)
  ones = jnp.full((16,), 1.0, dtype=jnp.float32)

  def body(r, carry):
    for g in range(D // 16):
      d = dst_v[r, pl.ds(g * 16, 16)]
      hi = lax.shift_right_logical(d, 7)
      lo = lax.bitwise_and(d, 127)
      plsc.addupdate_scatter(table_v, [hi, lo], ones)
    return carry

  lax.fori_loop(0, HR, body, 0)
  pltpu.sync_copy(table_v, out_hbm.at[w])


_deg_kernel = pl.kernel(
    _deg_body,
    out_type=jax.ShapeDtypeStruct((NW, HR, D), jnp.float32),
    mesh=_MESH,
    scratch_types=[
        pltpu.VMEM((HR, D), jnp.float32),
        pltpu.VMEM((HR, D), jnp.int32),
    ],
    compiler_params=pltpu.CompilerParams(needs_layout_passes=False),
)


def _dinv_reduce_body(degp_ref, out_ref):
  deg = jnp.sum(degp_ref[...], axis=0) + 1.0
  out_ref[...] = lax.rsqrt(deg)


_dinv_reduce = pl.pallas_call(
    _dinv_reduce_body,
    out_shape=jax.ShapeDtypeStruct((HR, D), jnp.float32),
)


NB = 2
NH = 2
HALF = CPW // NH
_TAIL = HALF - (HALF // NB) * NB


def _scatter_chunk(g_hbm, acc, src_v, dst_v, bufs, sems, j, b):
  pltpu.make_async_copy(g_hbm.at[src_v.at[j]], bufs[b], sems[b]).wait()

  @pl.when(j + NB < HALF)
  def _refill():
    pltpu.async_copy(g_hbm.at[src_v.at[j + NB]], bufs[b], sems[b])

  pltpu.sync_copy(bufs[b], acc.at[dst_v.at[j]], add=True)


def _scatter_body(g_hbm, src_hbm, dst_hbm, zer_hbm, out_hbm,
                  acc, src_v, dst_v, r0, r1, s0, s1):
  bufs = (r0, r1)
  sems = (s0, s1)
  c = lax.axis_index("c")
  s = lax.axis_index("s")
  w = c * NS + s
  pltpu.sync_copy(zer_hbm, r0)
  ZR = 40
  for z in range(ROWS_PT // ZR):
    pltpu.sync_copy(r0.at[pl.ds(0, ZR)],
                    acc.at[pl.ds(s * ROWS_PT + z * ZR, ZR)])
  plsc.subcore_barrier()

  for h in range(NH):
    pltpu.sync_copy(src_hbm.at[w, h], src_v)
    pltpu.sync_copy(dst_hbm.at[w, h], dst_v)
    for b in range(NB):
      pltpu.async_copy(g_hbm.at[src_v.at[b]], bufs[b], sems[b])

    def body(i, carry):
      for b in range(NB):
        _scatter_chunk(g_hbm, acc, src_v, dst_v, bufs, sems, i * NB + b, b)
      return carry

    lax.fori_loop(0, HALF // NB, body, 0)
    for t in range(_TAIL):
      j = (HALF // NB) * NB + t
      _scatter_chunk(g_hbm, acc, src_v, dst_v, bufs, sems,
                     jnp.int32(j), j % NB)

  plsc.subcore_barrier()
  pltpu.sync_copy(acc.at[pl.ds(s * ROWS_PT, ROWS_PT)],
                  out_hbm.at[c, pl.ds(s * ROWS_PT, ROWS_PT)])


_scatter_kernel = pl.kernel(
    _scatter_body,
    out_type=jax.ShapeDtypeStruct((NC, N_PAD, D), jnp.float32),
    mesh=_MESH,
    scratch_types=[
        pltpu.VMEM_SHARED((N_PAD, D), jnp.float32),
        pltpu.VMEM((HALF, K), jnp.int32),
        pltpu.VMEM((HALF, K), jnp.int32),
        pltpu.VMEM((K, D), jnp.float32),
        pltpu.VMEM((K, D), jnp.float32),
        pltpu.SemaphoreType.DMA,
        pltpu.SemaphoreType.DMA,
    ],
)


ROWS_TC = 1000


def _dense1_body(x_ref, w_ref, dinv_ref, g_ref):
  h = jnp.dot(x_ref[...], w_ref[...], preferred_element_type=jnp.float32)
  g_ref[...] = h * dinv_ref[...]


def _dense2_body(s_ref, g_ref, dinv_ref, b_ref, w_ref, out_ref):
  dinv = dinv_ref[...]
  pre = dinv * (s_ref[0] + s_ref[1] + g_ref[...]) + b_ref[...]
  h = jnp.maximum(pre, 0.0)
  out_ref[...] = jnp.dot(h, w_ref[...],
                         preferred_element_type=jnp.float32) * dinv


def _dense3_body(s_ref, g_ref, dinv_ref, b_ref, wfc_ref, bfc_ref, out_ref):
  h = dinv_ref[...] * (s_ref[0] + s_ref[1] + g_ref[...]) + b_ref[...]
  out_ref[...] = jnp.dot(h, wfc_ref[...],
                         preferred_element_type=jnp.float32) + bfc_ref[...]


_GRID = (N_NODES // ROWS_TC,)
_ROWBLK = pl.BlockSpec((ROWS_TC, D), lambda i: (i, 0))
_DINVBLK = pl.BlockSpec((ROWS_TC, 1), lambda i: (i, 0))
_SBLK = pl.BlockSpec((NC, ROWS_TC, D), lambda i: (0, i, 0))
_WBLK = pl.BlockSpec((D, D), lambda i: (0, 0))
_BBLK = pl.BlockSpec((1, D), lambda i: (0, 0))

_dense1 = pl.pallas_call(
    _dense1_body,
    grid=_GRID,
    in_specs=[_ROWBLK, _WBLK, _DINVBLK],
    out_specs=_ROWBLK,
    out_shape=jax.ShapeDtypeStruct((N_NODES, D), jnp.float32),
)

_dense2 = pl.pallas_call(
    _dense2_body,
    grid=_GRID,
    in_specs=[_SBLK, _ROWBLK, _DINVBLK, _BBLK, _WBLK],
    out_specs=_ROWBLK,
    out_shape=jax.ShapeDtypeStruct((N_NODES, D), jnp.float32),
)

_dense3 = pl.pallas_call(
    _dense3_body,
    grid=_GRID,
    in_specs=[_SBLK, _ROWBLK, _DINVBLK, _BBLK,
              pl.BlockSpec((D, 1), lambda i: (0, 0)),
              pl.BlockSpec((1, 1), lambda i: (0, 0))],
    out_specs=pl.BlockSpec((ROWS_TC, 1), lambda i: (i, 0)),
    out_shape=jax.ShapeDtypeStruct((N_NODES, 1), jnp.float32),
)


def kernel(x, edge_index, W1, b1, W2, b2, Wfc, bfc):
  src = edge_index[0].astype(jnp.int32).reshape(NW, NH, HALF, K)
  dst = edge_index[1].astype(jnp.int32).reshape(NW, NH, HALF, K)
  dst_pad = jnp.concatenate(
      [dst.reshape(N_EDGES),
       jnp.full((NW * EPW_PAD - N_EDGES,), N_PAD - 1, jnp.int32)]
  ).reshape(NW, HR, D)
  zer = jnp.zeros((HR, D), jnp.float32)
  zerk = jnp.zeros((K, D), jnp.float32)
  b1r = b1.reshape(1, D)
  b2r = b2.reshape(1, D)
  bfcr = bfc.reshape(1, 1)

  degp = _deg_kernel(dst_pad, zer)
  dinv = _dinv_reduce(degp).reshape(N_PAD, 1)
  g1 = _dense1(x, W1, dinv)
  s1 = _scatter_kernel(g1, src, dst, zerk)
  g2 = _dense2(s1, g1, dinv, b1r, W2)
  s2 = _scatter_kernel(g2, src, dst, zerk)
  return _dense3(s2, g2, dinv, b2r, Wfc, bfcr)

# --- scband reference (transcript-rebuilt; emitter-appended) ---
"""Pipeline reference for scband-gcnmodel-88751204205171 (READ-ONLY COPY).

The authoritative reference and input builder live on the scoring server;
editing this copy changes nothing except your own understanding.
"""

import jax, jax.numpy as jnp
import numpy as np

N_NODES = 10000
D_IN = 128
D_HID = 128
D_OUT = 128
N_EDGES = 320000


def setup_inputs(seed: int = 0) -> dict:
    key = jax.random.key(seed)
    k = jax.random.split(key, 10)
    x = jax.random.normal(k[0], (N_NODES, D_IN), dtype=jnp.float32)
    edge_index = jax.random.randint(k[1], (2, N_EDGES), 0, N_NODES, dtype=jnp.int64 if jax.config.jax_enable_x64 else jnp.int32)
    # GCNConv1 weights (glorot-style scale)
    W1 = jax.random.normal(k[2], (D_IN, D_HID), dtype=jnp.float32) * (1.0 / np.sqrt(D_IN))
    b1 = jnp.zeros((D_HID,), dtype=jnp.float32)
    # GCNConv2 weights
    W2 = jax.random.normal(k[3], (D_HID, D_OUT), dtype=jnp.float32) * (1.0 / np.sqrt(D_HID))
    b2 = jnp.zeros((D_OUT,), dtype=jnp.float32)
    # Final linear layer
    Wfc = jax.random.normal(k[4], (D_OUT, 1), dtype=jnp.float32) * (1.0 / np.sqrt(D_OUT))
    bfc = jnp.zeros((1,), dtype=jnp.float32)
    return {"x": x, "edge_index": edge_index, "W1": W1, "b1": b1, "W2": W2, "b2": b2, "Wfc": Wfc, "bfc": bfc}


def _gcn_conv(x, src, dst, W, b, num_nodes):
    # Symmetric-normalized GCN conv with self-loops (PyG GCNConv semantics):
    # out = D^{-1/2} (A + I) D^{-1/2} X W + b
    loop = jnp.arange(num_nodes, dtype=src.dtype)
    src_sl = jnp.concatenate([src, loop])
    dst_sl = jnp.concatenate([dst, loop])
    deg = jnp.zeros((num_nodes,), dtype=x.dtype).at[dst_sl].add(1.0)
    dinv = jnp.where(deg > 0, jax.lax.rsqrt(deg), 0.0)
    norm = dinv[src_sl] * dinv[dst_sl]
    h = x @ W
    msg = jnp.take(h, src_sl, axis=0) * norm[:, None]
    out = jnp.zeros((num_nodes, h.shape[1]), dtype=h.dtype).at[dst_sl].add(msg)
    return out + b


def reference(x, edge_index, W1, b1, W2, b2, Wfc, bfc):
    src = edge_index[0]
    dst = edge_index[1]
    n = x.shape[0]
    h = _gcn_conv(x, src, dst, W1, b1, n)
    h = jax.nn.relu(h)
    h = _gcn_conv(h, src, dst, W2, b2, n)
    # AdaptiveAvgPool1d(1) on [N, D, 1] is an identity; squeeze back to [N, D]
    out = h @ Wfc + bfc
    return out

if __name__ == "__main__":
    import jax
    _d = setup_inputs()
    print(jax.jit(kernel)(*tuple(_d.values())))

</pallas_src>

<mosaic_0001>
#map = affine_map<(d0, d1) -> (0, 0)>
#map1 = affine_map<(d0, d1) -> (0, 0, 0, 0)>
#map2 = affine_map<(d0, d1) -> (0, 0, 0)>
module attributes {stable_mosaic.version = 14 : i64} {
  func.func @_scatter_body(%arg0: i32, %arg1: i32, %arg2: memref<10000x128xf32, #tpu.memory_space<hbm>>, %arg3: memref<32x2x50x100xi32, #tpu.memory_space<hbm>>, %arg4: memref<32x2x50x100xi32, #tpu.memory_space<hbm>>, %arg5: memref<100x128xf32, #tpu.memory_space<hbm>>, %arg6: memref<2x10240x128xf32, #tpu.memory_space<hbm>>, %arg7: memref<10240x128xf32, #tpu.memory_space<vmem_shared>>, %arg8: memref<50x100xi32, #tpu.memory_space<vmem>>, %arg9: memref<50x100xi32, #tpu.memory_space<vmem>>, %arg10: memref<100x128xf32, #tpu.memory_space<vmem>>, %arg11: memref<100x128xf32, #tpu.memory_space<vmem>>, %arg12: memref<!tpu.dma_semaphore, #tpu.memory_space<semaphore_mem>>, %arg13: memref<!tpu.dma_semaphore, #tpu.memory_space<semaphore_mem>>) attributes {dimension_semantics = [#tpu.dimension_semantics<core_parallel>, #tpu.dimension_semantics<subcore_parallel>], iteration_bounds = array<i64: 2, 16>, scalar_prefetch = 0 : i64, scratch_operands = 7 : i64, tpu.core_type = #tpu.core_type<sc_vector_subcore>, window_params = [{transform_indices = #map}, {transform_indices = #map1}, {transform_indices = #map1}, {transform_indices = #map}, {transform_indices = #map2}]} {
    %mul3A = arith.constant 16 : i32
    %mul3A_0 = arith.muli %arg0, %mul3A : i32
    %add3A = arith.addi %mul3A_0, %arg1 : i32
    "tpu.region"() ({
      %run_scoped3A_111 = tpu.sem_alloc : memref<!tpu.dma_semaphore, #tpu.memory_space<semaphore_mem>>
      tpu.enqueue_dma source(%arg5 : memref<100x128xf32, #tpu.memory_space<hbm>>) target(%arg10 : memref<100x128xf32, #tpu.memory_space<vmem>>) target_semaphore(%run_scoped3A_111 : memref<!tpu.dma_semaphore, #tpu.memory_space<semaphore_mem>>)
      tpu.wait_dma2 semaphore(%run_scoped3A_111 : memref<!tpu.dma_semaphore, #tpu.memory_space<semaphore_mem>>) src(%arg5 : memref<100x128xf32, #tpu.memory_space<hbm>>) dst(%arg10 : memref<100x128xf32, #tpu.memory_space<vmem>>)
      tpu.yield
    }) : () -> ()
    %mul3A_1 = arith.constant 640 : i32
    %mul3A_2 = arith.muli %arg1, %mul3A_1 : i32
    %add3A_3 = arith.constant 0 : i32
    %add3A_4 = arith.addi %mul3A_2, %add3A_3 : i32
    "tpu.region"() ({
      %run_scoped3A_111 = tpu.sem_alloc : memref<!tpu.dma_semaphore, #tpu.memory_space<semaphore_mem>>
      %dma_start3A_112 = arith.constant 0 : i32
      %dma_start3A_113 = arith.constant 0 : i32
      %dma_start3A_114 = tpu.memref_slice %arg10[%dma_start3A_112, %dma_start3A_113] : memref<100x128xf32, #tpu.memory_space<vmem>> -> memref<40x128xf32, #tpu.memory_space<vmem>>
      %dma_start3A_115 = arith.constant 0 : i32
      %dma_start3A_116 = tpu.memref_slice %arg7[%add3A_4, %dma_start3A_115] : memref<10240x128xf32, #tpu.memory_space<vmem_shared>> -> memref<40x128xf32, #tpu.memory_space<vmem_shared>>
      %dma_start3A_117 = arith.constant 0 : i32
      %dma_start3A_118 = tpu.memref_slice %arg7[%add3A_4, %dma_start3A_117] : memref<10240x128xf32, #tpu.memory_space<vmem_shared>> -> memref<40x128xf32, #tpu.memory_space<vmem_shared>>
      %dma_start3A_119 = arith.constant 0 : i32
      %dma_start3A_120 = arith.constant 0 : i32
      %dma_start3A_121 = tpu.memref_slice %arg10[%dma_start3A_119, %dma_start3A_120] : memref<100x128xf32, #tpu.memory_space<vmem>> -> memref<40x128xf32, #tpu.memory_space<vmem>>
      tpu.enqueue_dma source(%dma_start3A_121 : memref<40x128xf32, #tpu.memory_space<vmem>>) target(%dma_start3A_118 : memref<40x128xf32, #tpu.memory_space<vmem_shared>>) target_semaphore(%run_scoped3A_111 : memref<!tpu.dma_semaphore, #tpu.memory_space<semaphore_mem>>)
      %dma_wait3A = arith.constant 0 : i32
      %dma_wait3A_122 = arith.constant 0 : i32
      %dma_wait3A_123 = tpu.memref_slice %arg10[%dma_wait3A, %dma_wait3A_122] : memref<100x128xf32, #tpu.memory_space<vmem>> -> memref<40x128xf32, #tpu.memory_space<vmem>>
      %dma_wait3A_124 = arith.constant 0 : i32
      %dma_wait3A_125 = tpu.memref_slice %arg7[%add3A_4, %dma_wait3A_124] : memref<10240x128xf32, #tpu.memory_space<vmem_shared>> -> memref<40x128xf32, #tpu.memory_space<vmem_shared>>
      %dma_wait3A_126 = arith.constant 0 : i32
      %dma_wait3A_127 = tpu.memref_slice %arg7[%add3A_4, %dma_wait3A_126] : memref<10240x128xf32, #tpu.memory_space<vmem_shared>> -> memref<40x128xf32, #tpu.memory_space<vmem_shared>>
      %dma_wait3A_128 = arith.constant 0 : i32
      %dma_wait3A_129 = arith.constant 0 : i32
      %dma_wait3A_130 = tpu.memref_slice %arg10[%dma_wait3A_128, %dma_wait3A_129] : memref<100x128xf32, #tpu.memory_space<vmem>> -> memref<40x128xf32, #tpu.memory_space<vmem>>
      tpu.wait_dma2 semaphore(%run_scoped3A_111 : memref<!tpu.dma_semaphore, #tpu.memory_space<semaphore_mem>>) src(%dma_wait3A_130 : memref<40x128xf32, #tpu.memory_space<vmem>>) dst(%dma_wait3A_127 : memref<40x128xf32, #tpu.memory_space<vmem_shared>>)
      tpu.yield
    }) : () -> ()
    %mul3A_5 = arith.constant 640 : i32
    %mul3A_6 = arith.muli %arg1, %mul3A_5 : i32
    %add3A_7 = arith.constant 40 : i32
    %add3A_8 = arith.addi %mul3A_6, %add3A_7 : i32
    "tpu.region"() ({
      %run_scoped3A_111 = tpu.sem_alloc : memref<!tpu.dma_semaphore, #tpu.memory_space<semaphore_mem>>
      %dma_start3A_112 = arith.constant 0 : i32
      %dma_start3A_113 = arith.constant 0 : i32
      %dma_start3A_114 = tpu.memref_slice %arg10[%dma_start3A_112, %dma_start3A_113] : memref<100x128xf32, #tpu.memory_space<vmem>> -> memref<40x128xf32, #tpu.memory_space<vmem>>
      %dma_start3A_115 = arith.constant 0 : i32
      %dma_start3A_116 = tpu.memref_slice %arg7[%add3A_8, %dma_start3A_115] : memref<10240x128xf32, #tpu.memory_space<vmem_shared>> -> memref<40x128xf32, #tpu.memory_space<vmem_shared>>
      %dma_start3A_117 = arith.constant 0 : i32
      %dma_start3A_118 = tpu.memref_slice %arg7[%add3A_8, %dma_start3A_117] : memref<10240x128xf32, #tpu.memory_space<vmem_shared>> -> memref<40x128xf32, #tpu.memory_space<vmem_shared>>
      %dma_start3A_119 = arith.constant 0 : i32
      %dma_start3A_120 = arith.constant 0 : i32
      %dma_start3A_121 = tpu.memref_slice %arg10[%dma_start3A_119, %dma_start3A_120] : memref<100x128xf32, #tpu.memory_space<vmem>> -> memref<40x128xf32, #tpu.memory_space<vmem>>
      tpu.enqueue_dma source(%dma_start3A_121 : memref<40x128xf32, #tpu.memory_space<vmem>>) target(%dma_start3A_118 : memref<40x128xf32, #tpu.memory_space<vmem_shared>>) target_semaphore(%run_scoped3A_111 : memref<!tpu.dma_semaphore, #tpu.memory_space<semaphore_mem>>)
      %dma_wait3A = arith.constant 0 : i32
      %dma_wait3A_122 = arith.constant 0 : i32
      %dma_wait3A_123 = tpu.memref_slice %arg10[%dma_wait3A, %dma_wait3A_122] : memref<100x128xf32, #tpu.memory_space<vmem>> -> memref<40x128xf32, #tpu.memory_space<vmem>>
      %dma_wait3A_124 = arith.constant 0 : i32
      %dma_wait3A_125 = tpu.memref_slice %arg7[%add3A_8, %dma_wait3A_124] : memref<10240x128xf32, #tpu.memory_space<vmem_shared>> -> memref<40x128xf32, #tpu.memory_space<vmem_shared>>
      %dma_wait3A_126 = arith.constant 0 : i32
      %dma_wait3A_127 = tpu.memref_slice %arg7[%add3A_8, %dma_wait3A_126] : memref<10240x128xf32, #tpu.memory_space<vmem_shared>> -> memref<40x128xf32, #tpu.memory_space<vmem_shared>>
      %dma_wait3A_128 = arith.constant 0 : i32
      %dma_wait3A_129 = arith.constant 0 : i32
      %dma_wait3A_130 = tpu.memref_slice %arg10[%dma_wait3A_128, %dma_wait3A_129] : memref<100x128xf32, #tpu.memory_space<vmem>> -> memref<40x128xf32, #tpu.memory_space<vmem>>
      tpu.wait_dma2 semaphore(%run_scoped3A_111 : memref<!tpu.dma_semaphore, #tpu.memory_space<semaphore_mem>>) src(%dma_wait3A_130 : memref<40x128xf32, #tpu.memory_space<vmem>>) dst(%dma_wait3A_127 : memref<40x128xf32, #tpu.memory_space<vmem_shared>>)
      tpu.yield
    }) : () -> ()
    %mul3A_9 = arith.constant 640 : i32
    %mul3A_10 = arith.muli %arg1, %mul3A_9 : i32
    %add3A_11 = arith.constant 80 : i32
    %add3A_12 = arith.addi %mul3A_10, %add3A_11 : i32
    "tpu.region"() ({
      %run_scoped3A_111 = tpu.sem_alloc : memref<!tpu.dma_semaphore, #tpu.memory_space<semaphore_mem>>
      %dma_start3A_112 = arith.constant 0 : i32
      %dma_start3A_113 = arith.constant 0 : i32
      %dma_start3A_114 = tpu.memref_slice %arg10[%dma_start3A_112, %dma_start3A_113] : memref<100x128xf32, #tpu.memory_space<vmem>> -> memref<40x128xf32, #tpu.memory_space<vmem>>
      %dma_start3A_115 = arith.constant 0 : i32
      %dma_start3A_116 = tpu.memref_slice %arg7[%add3A_12, %dma_start3A_115] : memref<10240x128xf32, #tpu.memory_space<vmem_shared>> -> memref<40x128xf32, #tpu.memory_space<vmem_shared>>
      %dma_start3A_117 = arith.constant 0 : i32
      %dma_start3A_118 = tpu.memref_slice %arg7[%add3A_12, %dma_start3A_117] : memref<10240x128xf32, #tpu.memory_space<vmem_shared>> -> memref<40x128xf32, #tpu.memory_space<vmem_shared>>
      %dma_start3A_119 = arith.constant 0 : i32
      %dma_start3A_120 = arith.constant 0 : i32
      %dma_start3A_121 = tpu.memref_slice %arg10[%dma_start3A_119, %dma_start3A_120] : memref<100x128xf32, #tpu.memory_space<vmem>> -> memref<40x128xf32, #tpu.memory_space<vmem>>
      tpu.enqueue_dma source(%dma_start3A_121 : memref<40x128xf32, #tpu.memory_space<vmem>>) target(%dma_start3A_118 : memref<40x128xf32, #tpu.memory_space<vmem_shared>>) target_semaphore(%run_scoped3A_111 : memref<!tpu.dma_semaphore, #tpu.memory_space<semaphore_mem>>)
      %dma_wait3A = arith.constant 0 : i32
      %dma_wait3A_122 = arith.constant 0 : i32
      %dma_wait3A_123 = tpu.memref_slice %arg10[%dma_wait3A, %dma_wait3A_122] : memref<100x128xf32, #tpu.memory_space<vmem>> -> memref<40x128xf32, #tpu.memory_space<vmem>>
      %dma_wait3A_124 = arith.constant 0 : i32
      %dma_wait3A_125 = tpu.memref_slice %arg7[%add3A_12, %dma_wait3A_124] : memref<10240x128xf32, #tpu.memory_space<vmem_shared>> -> memref<40x128xf32, #tpu.memory_space<vmem_shared>>
      %dma_wait3A_126 = arith.constant 0 : i32
      %dma_wait3A_127 = tpu.memref_slice %arg7[%add3A_12, %dma_wait3A_126] : memref<10240x128xf32, #tpu.memory_space<vmem_shared>> -> memref<40x128xf32, #tpu.memory_space<vmem_shared>>
      %dma_wait3A_128 = arith.constant 0 : i32
      %dma_wait3A_129 = arith.constant 0 : i32
      %dma_wait3A_130 = tpu.memref_slice %arg10[%dma_wait3A_128, %dma_wait3A_129] : memref<100x128xf32, #tpu.memory_space<vmem>> -> memref<40x128xf32, #tpu.memory_space<vmem>>
      tpu.wait_dma2 semaphore(%run_scoped3A_111 : memref<!tpu.dma_semaphore, #tpu.memory_space<semaphore_mem>>) src(%dma_wait3A_130 : memref<40x128xf32, #tpu.memory_space<vmem>>) dst(%dma_wait3A_127 : memref<40x128xf32, #tpu.memory_space<vmem_shared>>)
      tpu.yield
    }) : () -> ()
    %mul3A_13 = arith.constant 640 : i32
    %mul3A_14 = arith.muli %arg1, %mul3A_13 : i32
    %add3A_15 = arith.constant 120 : i32
    %add3A_16 = arith.addi %mul3A_14, %add3A_15 : i32
    "tpu.region"() ({
      %run_scoped3A_111 = tpu.sem_alloc : memref<!tpu.dma_semaphore, #tpu.memory_space<semaphore_mem>>
      %dma_start3A_112 = arith.constant 0 : i32
      %dma_start3A_113 = arith.constant 0 : i32
      %dma_start3A_114 = tpu.memref_slice %arg10[%dma_start3A_112, %dma_start3A_113] : memref<100x128xf32, #tpu.memory_space<vmem>> -> memref<40x128xf32, #tpu.memory_space<vmem>>
      %dma_start3A_115 = arith.constant 0 : i32
      %dma_start3A_116 = tpu.memref_slice %arg7[%add3A_16, %dma_start3A_115] : memref<10240x128xf32, #tpu.memory_space<vmem_shared>> -> memref<40x128xf32, #tpu.memory_space<vmem_shared>>
      %dma_start3A_117 = arith.constant 0 : i32
      %dma_start3A_118 = tpu.memref_slice %arg7[%add3A_16, %dma_start3A_117] : memref<10240x128xf32, #tpu.memory_space<vmem_shared>> -> memref<40x128xf32, #tpu.memory_space<vmem_shared>>
      %dma_start3A_119 = arith.constant 0 : i32
      %dma_start3A_120 = arith.constant 0 : i32
      %dma_start3A_121 = tpu.memref_slice %arg10[%dma_start3A_119, %dma_start3A_120] : memref<100x128xf32, #tpu.memory_space<vmem>> -> memref<40x128xf32, #tpu.memory_space<vmem>>
      tpu.enqueue_dma source(%dma_start3A_121 : memref<40x128xf32, #tpu.memory_space<vmem>>) target(%dma_start3A_118 : memref<40x128xf32, #tpu.memory_space<vmem_shared>>) target_semaphore(%run_scoped3A_111 : memref<!tpu.dma_semaphore, #tpu.memory_space<semaphore_mem>>)
      %dma_wait3A = arith.constant 0 : i32
      %dma_wait3A_122 = arith.constant 0 : i32
      %dma_wait3A_123 = tpu.memref_slice %arg10[%dma_wait3A, %dma_wait3A_122] : memref<100x128xf32, #tpu.memory_space<vmem>> -> memref<40x128xf32, #tpu.memory_space<vmem>>
      %dma_wait3A_124 = arith.constant 0 : i32
      %dma_wait3A_125 = tpu.memref_slice %arg7[%add3A_16, %dma_wait3A_124] : memref<10240x128xf32, #tpu.memory_space<vmem_shared>> -> memref<40x128xf32, #tpu.memory_space<vmem_shared>>
      %dma_wait3A_126 = arith.constant 0 : i32
      %dma_wait3A_127 = tpu.memref_slice %arg7[%add3A_16, %dma_wait3A_126] : memref<10240x128xf32, #tpu.memory_space<vmem_shared>> -> memref<40x128xf32, #tpu.memory_space<vmem_shared>>
      %dma_wait3A_128 = arith.constant 0 : i32
      %dma_wait3A_129 = arith.constant 0 : i32
      %dma_wait3A_130 = tpu.memref_slice %arg10[%dma_wait3A_128, %dma_wait3A_129] : memref<100x128xf32, #tpu.memory_space<vmem>> -> memref<40x128xf32, #tpu.memory_space<vmem>>
      tpu.wait_dma2 semaphore(%run_scoped3A_111 : memref<!tpu.dma_semaphore, #tpu.memory_space<semaphore_mem>>) src(%dma_wait3A_130 : memref<40x128xf32, #tpu.memory_space<vmem>>) dst(%dma_wait3A_127 : memref<40x128xf32, #tpu.memory_space<vmem_shared>>)
      tpu.yield
    }) : () -> ()
    %mul3A_17 = arith.constant 640 : i32
    %mul3A_18 = arith.muli %arg1, %mul3A_17 : i32
    %add3A_19 = arith.constant 160 : i32
    %add3A_20 = arith.addi %mul3A_18, %add3A_19 : i32
    "tpu.region"() ({
      %run_scoped3A_111 = tpu.sem_alloc : memref<!tpu.dma_semaphore, #tpu.memory_space<semaphore_mem>>
      %dma_start3A_112 = arith.constant 0 : i32
      %dma_start3A_113 = arith.constant 0 : i32
      %dma_start3A_114 = tpu.memref_slice %arg10[%dma_start3A_112, %dma_start3A_113] : memref<100x128xf32, #tpu.memory_space<vmem>> -> memref<40x128xf32, #tpu.memory_space<vmem>>
      %dma_start3A_115 = arith.constant 0 : i32
      %dma_start3A_116 = tpu.memref_slice %arg7[%add3A_20, %dma_start3A_115] : memref<10240x128xf32, #tpu.memory_space<vmem_shared>> -> memref<40x128xf32, #tpu.memory_space<vmem_shared>>
      %dma_start3A_117 = arith.constant 0 : i32
      %dma_start3A_118 = tpu.memref_slice %arg7[%add3A_20, %dma_start3A_117] : memref<10240x128xf32, #tpu.memory_space<vmem_shared>> -> memref<40x128xf32, #tpu.memory_space<vmem_shared>>
      %dma_start3A_119 = arith.constant 0 : i32
      %dma_start3A_120 = arith.constant 0 : i32
      %dma_start3A_121 = tpu.memref_slice %arg10[%dma_start3A_119, %dma_start3A_120] : memref<100x128xf32, #tpu.memory_space<vmem>> -> memref<40x128xf32, #tpu.memory_space<vmem>>
      tpu.enqueue_dma source(%dma_start3A_121 : memref<40x128xf32, #tpu.memory_space<vmem>>) target(%dma_start3A_118 : memref<40x128xf32, #tpu.memory_space<vmem_shared>>) target_semaphore(%run_scoped3A_111 : memref<!tpu.dma_semaphore, #tpu.memory_space<semaphore_mem>>)
      %dma_wait3A = arith.constant 0 : i32
      %dma_wait3A_122 = arith.constant 0 : i32
      %dma_wait3A_123 = tpu.memref_slice %arg10[%dma_wait3A, %dma_wait3A_122] : memref<100x128xf32, #tpu.memory_space<vmem>> -> memref<40x128xf32, #tpu.memory_space<vmem>>
      %dma_wait3A_124 = arith.constant 0 : i32
      %dma_wait3A_125 = tpu.memref_slice %arg7[%add3A_20, %dma_wait3A_124] : memref<10240x128xf32, #tpu.memory_space<vmem_shared>> -> memref<40x128xf32, #tpu.memory_space<vmem_shared>>
      %dma_wait3A_126 = arith.constant 0 : i32
      %dma_wait3A_127 = tpu.memref_slice %arg7[%add3A_20, %dma_wait3A_126] : memref<10240x128xf32, #tpu.memory_space<vmem_shared>> -> memref<40x128xf32, #tpu.memory_space<vmem_shared>>
      %dma_wait3A_128 = arith.constant 0 : i32
      %dma_wait3A_129 = arith.constant 0 : i32
      %dma_wait3A_130 = tpu.memref_slice %arg10[%dma_wait3A_128, %dma_wait3A_129] : memref<100x128xf32, #tpu.memory_space<vmem>> -> memref<40x128xf32, #tpu.memory_space<vmem>>
      tpu.wait_dma2 semaphore(%run_scoped3A_111 : memref<!tpu.dma_semaphore, #tpu.memory_space<semaphore_mem>>) src(%dma_wait3A_130 : memref<40x128xf32, #tpu.memory_space<vmem>>) dst(%dma_wait3A_127 : memref<40x128xf32, #tpu.memory_space<vmem_shared>>)
      tpu.yield
    }) : () -> ()
    %mul3A_21 = arith.constant 640 : i32
    %mul3A_22 = arith.muli %arg1, %mul3A_21 : i32
    %add3A_23 = arith.constant 200 : i32
    %add3A_24 = arith.addi %mul3A_22, %add3A_23 : i32
    "tpu.region"() ({
      %run_scoped3A_111 = tpu.sem_alloc : memref<!tpu.dma_semaphore, #tpu.memory_space<semaphore_mem>>
      %dma_start3A_112 = arith.constant 0 : i32
      %dma_start3A_113 = arith.constant 0 : i32
      %dma_start3A_114 = tpu.memref_slice %arg10[%dma_start3A_112, %dma_start3A_113] : memref<100x128xf32, #tpu.memory_space<vmem>> -> memref<40x128xf32, #tpu.memory_space<vmem>>
      %dma_start3A_115 = arith.constant 0 : i32
      %dma_start3A_116 = tpu.memref_slice %arg7[%add3A_24, %dma_start3A_115] : memref<10240x128xf32, #tpu.memory_space<vmem_shared>> -> memref<40x128xf32, #tpu.memory_space<vmem_shared>>
      %dma_start3A_117 = arith.constant 0 : i32
      %dma_start3A_118 = tpu.memref_slice %arg7[%add3A_24, %dma_start3A_117] : memref<10240x128xf32, #tpu.memory_space<vmem_shared>> -> memref<40x128xf32, #tpu.memory_space<vmem_shared>>
      %dma_start3A_119 = arith.constant 0 : i32
      %dma_start3A_120 = arith.constant 0 : i32
      %dma_start3A_121 = tpu.memref_slice %arg10[%dma_start3A_119, %dma_start3A_120] : memref<100x128xf32, #tpu.memory_space<vmem>> -> memref<40x128xf32, #tpu.memory_space<vmem>>
      tpu.enqueue_dma source(%dma_start3A_121 : memref<40x128xf32, #tpu.memory_space<vmem>>) target(%dma_start3A_118 : memref<40x128xf32, #tpu.memory_space<vmem_shared>>) target_semaphore(%run_scoped3A_111 : memref<!tpu.dma_semaphore, #tpu.memory_space<semaphore_mem>>)
      %dma_wait3A = arith.constant 0 : i32
      %dma_wait3A_122 = arith.constant 0 : i32
      %dma_wait3A_123 = tpu.memref_slice %arg10[%dma_wait3A, %dma_wait3A_122] : memref<100x128xf32, #tpu.memory_space<vmem>> -> memref<40x128xf32, #tpu.memory_space<vmem>>
      %dma_wait3A_124 = arith.constant 0 : i32
      %dma_wait3A_125 = tpu.memref_slice %arg7[%add3A_24, %dma_wait3A_124] : memref<10240x128xf32, #tpu.memory_space<vmem_shared>> -> memref<40x128xf32, #tpu.memory_space<vmem_shared>>
      %dma_wait3A_126 = arith.constant 0 : i32
      %dma_wait3A_127 = tpu.memref_slice %arg7[%add3A_24, %dma_wait3A_126] : memref<10240x128xf32, #tpu.memory_space<vmem_shared>> -> memref<40x128xf32, #tpu.memory_space<vmem_shared>>
      %dma_wait3A_128 = arith.constant 0 : i32
      %dma_wait3A_129 = arith.constant 0 : i32
      %dma_wait3A_130 = tpu.memref_slice %arg10[%dma_wait3A_128, %dma_wait3A_129] : memref<100x128xf32, #tpu.memory_space<vmem>> -> memref<40x128xf32, #tpu.memory_space<vmem>>
      tpu.wait_dma2 semaphore(%run_scoped3A_111 : memref<!tpu.dma_semaphore, #tpu.memory_space<semaphore_mem>>) src(%dma_wait3A_130 : memref<40x128xf32, #tpu.memory_space<vmem>>) dst(%dma_wait3A_127 : memref<40x128xf32, #tpu.memory_space<vmem_shared>>)
      tpu.yield
    }) : () -> ()
    %mul3A_25 = arith.constant 640 : i32
    %mul3A_26 = arith.muli %arg1, %mul3A_25 : i32
    %add3A_27 = arith.constant 240 : i32
    %add3A_28 = arith.addi %mul3A_26, %add3A_27 : i32
    "tpu.region"() ({
      %run_scoped3A_111 = tpu.sem_alloc : memref<!tpu.dma_semaphore, #tpu.memory_space<semaphore_mem>>
      %dma_start3A_112 = arith.constant 0 : i32
      %dma_start3A_113 = arith.constant 0 : i32
      %dma_start3A_114 = tpu.memref_slice %arg10[%dma_start3A_112, %dma_start3A_113] : memref<100x128xf32, #tpu.memory_space<vmem>> -> memref<40x128xf32, #tpu.memory_space<vmem>>
      %dma_start3A_115 = arith.constant 0 : i32
      %dma_start3A_116 = tpu.memref_slice %arg7[%add3A_28, %dma_start3A_115] : memref<10240x128xf32, #tpu.memory_space<vmem_shared>> -> memref<40x128xf32, #tpu.memory_space<vmem_shared>>
      %dma_start3A_117 = arith.constant 0 : i32
      %dma_start3A_118 = tpu.memref_slice %arg7[%add3A_28, %dma_start3A_117] : memref<10240x128xf32, #tpu.memory_space<vmem_shared>> -> memref<40x128xf32, #tpu.memory_space<vmem_shared>>
      %dma_start3A_119 = arith.constant 0 : i32
      %dma_start3A_120 = arith.constant 0 : i32
      %dma_start3A_121 = tpu.memref_slice %arg10[%dma_start3A_119, %dma_start3A_120] : memref<100x128xf32, #tpu.memory_space<vmem>> -> memref<40x128xf32, #tpu.memory_space<vmem>>
      tpu.enqueue_dma source(%dma_start3A_121 : memref<40x128xf32, #tpu.memory_space<vmem>>) target(%dma_start3A_118 : memref<40x128xf32, #tpu.memory_space<vmem_shared>>) target_semaphore(%run_scoped3A_111 : memref<!tpu.dma_semaphore, #tpu.memory_space<semaphore_mem>>)
      %dma_wait3A = arith.constant 0 : i32
      %dma_wait3A_122 = arith.constant 0 : i32
      %dma_wait3A_123 = tpu.memref_slice %arg10[%dma_wait3A, %dma_wait3A_122] : memref<100x128xf32, #tpu.memory_space<vmem>> -> memref<40x128xf32, #tpu.memory_space<vmem>>
      %dma_wait3A_124 = arith.constant 0 : i32
      %dma_wait3A_125 = tpu.memref_slice %arg7[%add3A_28, %dma_wait3A_124] : memref<10240x128xf32, #tpu.memory_space<vmem_shared>> -> memref<40x128xf32, #tpu.memory_space<vmem_shared>>
      %dma_wait3A_126 = arith.constant 0 : i32
      %dma_wait3A_127 = tpu.memref_slice %arg7[%add3A_28, %dma_wait3A_126] : memref<10240x128xf32, #tpu.memory_space<vmem_shared>> -> memref<40x128xf32, #tpu.memory_space<vmem_shared>>
      %dma_wait3A_128 = arith.constant 0 : i32
      %dma_wait3A_129 = arith.constant 0 : i32
      %dma_wait3A_130 = tpu.memref_slice %arg10[%dma_wait3A_128, %dma_wait3A_129] : memref<100x128xf32, #tpu.memory_space<vmem>> -> memref<40x128xf32, #tpu.memory_space<vmem>>
      tpu.wait_dma2 semaphore(%run_scoped3A_111 : memref<!tpu.dma_semaphore, #tpu.memory_space<semaphore_mem>>) src(%dma_wait3A_130 : memref<40x128xf32, #tpu.memory_space<vmem>>) dst(%dma_wait3A_127 : memref<40x128xf32, #tpu.memory_space<vmem_shared>>)
      tpu.yield
    }) : () -> ()
    %mul3A_29 = arith.constant 640 : i32
    %mul3A_30 = arith.muli %arg1, %mul3A_29 : i32
    %add3A_31 = arith.constant 280 : i32
    %add3A_32 = arith.addi %mul3A_30, %add3A_31 : i32
    "tpu.region"() ({
      %run_scoped3A_111 = tpu.sem_alloc : memref<!tpu.dma_semaphore, #tpu.memory_space<semaphore_mem>>
      %dma_start3A_112 = arith.constant 0 : i32
      %dma_start3A_113 = arith.constant 0 : i32
      %dma_start3A_114 = tpu.memref_slice %arg10[%dma_start3A_112, %dma_start3A_113] : memref<100x128xf32, #tpu.memory_space<vmem>> -> memref<40x128xf32, #tpu.memory_space<vmem>>
      %dma_start3A_115 = arith.constant 0 : i32
      %dma_start3A_116 = tpu.memref_slice %arg7[%add3A_32, %dma_start3A_115] : memref<10240x128xf32, #tpu.memory_space<vmem_shared>> -> memref<40x128xf32, #tpu.memory_space<vmem_shared>>
      %dma_start3A_117 = arith.constant 0 : i32
      %dma_start3A_118 = tpu.memref_slice %arg7[%add3A_32, %dma_start3A_117] : memref<10240x128xf32, #tpu.memory_space<vmem_shared>> -> memref<40x128xf32, #tpu.memory_space<vmem_shared>>
      %dma_start3A_119 = arith.constant 0 : i32
      %dma_start3A_120 = arith.constant 0 : i32
      %dma_start3A_121 = tpu.memref_slice %arg10[%dma_start3A_119, %dma_start3A_120] : memref<100x128xf32, #tpu.memory_space<vmem>> -> memref<40x128xf32, #tpu.memory_space<vmem>>
      tpu.enqueue_dma source(%dma_start3A_121 : memref<40x128xf32, #tpu.memory_space<vmem>>) target(%dma_start3A_118 : memref<40x128xf32, #tpu.memory_space<vmem_shared>>) target_semaphore(%run_scoped3A_111 : memref<!tpu.dma_semaphore, #tpu.memory_space<semaphore_mem>>)
      %dma_wait3A = arith.constant 0 : i32
      %dma_wait3A_122 = arith.constant 0 : i32
      %dma_wait3A_123 = tpu.memref_slice %arg10[%dma_wait3A, %dma_wait3A_122] : memref<100x128xf32, #tpu.memory_space<vmem>> -> memref<40x128xf32, #tpu.memory_space<vmem>>
      %dma_wait3A_124 = arith.constant 0 : i32
      %dma_wait3A_125 = tpu.memref_slice %arg7[%add3A_32, %dma_wait3A_124] : memref<10240x128xf32, #tpu.memory_space<vmem_shared>> -> memref<40x128xf32, #tpu.memory_space<vmem_shared>>
      %dma_wait3A_126 = arith.constant 0 : i32
      %dma_wait3A_127 = tpu.memref_slice %arg7[%add3A_32, %dma_wait3A_126] : memref<10240x128xf32, #tpu.memory_space<vmem_shared>> -> memref<40x128xf32, #tpu.memory_space<vmem_shared>>
      %dma_wait3A_128 = arith.constant 0 : i32
      %dma_wait3A_129 = arith.constant 0 : i32
      %dma_wait3A_130 = tpu.memref_slice %arg10[%dma_wait3A_128, %dma_wait3A_129] : memref<100x128xf32, #tpu.memory_space<vmem>> -> memref<40x128xf32, #tpu.memory_space<vmem>>
      tpu.wait_dma2 semaphore(%run_scoped3A_111 : memref<!tpu.dma_semaphore, #tpu.memory_space<semaphore_mem>>) src(%dma_wait3A_130 : memref<40x128xf32, #tpu.memory_space<vmem>>) dst(%dma_wait3A_127 : memref<40x128xf32, #tpu.memory_space<vmem_shared>>)
      tpu.yield
    }) : () -> ()
    %mul3A_33 = arith.constant 640 : i32
    %mul3A_34 = arith.muli %arg1, %mul3A_33 : i32
    %add3A_35 = arith.constant 320 : i32
    %add3A_36 = arith.addi %mul3A_34, %add3A_35 : i32
    "tpu.region"() ({
      %run_scoped3A_111 = tpu.sem_alloc : memref<!tpu.dma_semaphore, #tpu.memory_space<semaphore_mem>>
      %dma_start3A_112 = arith.constant 0 : i32
      %dma_start3A_113 = arith.constant 0 : i32
      %dma_start3A_114 = tpu.memref_slice %arg10[%dma_start3A_112, %dma_start3A_113] : memref<100x128xf32, #tpu.memory_space<vmem>> -> memref<40x128xf32, #tpu.memory_space<vmem>>
      %dma_start3A_115 = arith.constant 0 : i32
      %dma_start3A_116 = tpu.memref_slice %arg7[%add3A_36, %dma_start3A_115] : memref<10240x128xf32, #tpu.memory_space<vmem_shared>> -> memref<40x128xf32, #tpu.memory_space<vmem_shared>>
      %dma_start3A_117 = arith.constant 0 : i32
      %dma_start3A_118 = tpu.memref_slice %arg7[%add3A_36, %dma_start3A_117] : memref<10240x128xf32, #tpu.memory_space<vmem_shared>> -> memref<40x128xf32, #tpu.memory_space<vmem_shared>>
      %dma_start3A_119 = arith.constant 0 : i32
      %dma_start3A_120 = arith.constant 0 : i32
      %dma_start3A_121 = tpu.memref_slice %arg10[%dma_start3A_119, %dma_start3A_120] : memref<100x128xf32, #tpu.memory_space<vmem>> -> memref<40x128xf32, #tpu.memory_space<vmem>>
      tpu.enqueue_dma source(%dma_start3A_121 : memref<40x128xf32, #tpu.memory_space<vmem>>) target(%dma_start3A_118 : memref<40x128xf32, #tpu.memory_space<vmem_shared>>) target_semaphore(%run_scoped3A_111 : memref<!tpu.dma_semaphore, #tpu.memory_space<semaphore_mem>>)
      %dma_wait3A = arith.constant 0 : i32
      %dma_wait3A_122 = arith.constant 0 : i32
      %dma_wait3A_123 = tpu.memref_slice %arg10[%dma_wait3A, %dma_wait3A_122] : memref<100x128xf32, #tpu.memory_space<vmem>> -> memref<40x128xf32, #tpu.memory_space<vmem>>
      %dma_wait3A_124 = arith.constant 0 : i32
      %dma_wait3A_125 = tpu.memref_slice %arg7[%add3A_36, %dma_wait3A_124] : memref<10240x128xf32, #tpu.memory_space<vmem_shared>> -> memref<40x128xf32, #tpu.memory_space<vmem_shared>>
      %dma_wait3A_126 = arith.constant 0 : i32
      %dma_wait3A_127 = tpu.memref_slice %arg7[%add3A_36, %dma_wait3A_126] : memref<10240x128xf32, #tpu.memory_space<vmem_shared>> -> memref<40x128xf32, #tpu.memory_space<vmem_shared>>
      %dma_wait3A_128 = arith.constant 0 : i32
      %dma_wait3A_129 = arith.constant 0 : i32
      %dma_wait3A_130 = tpu.memref_slice %arg10[%dma_wait3A_128, %dma_wait3A_129] : memref<100x128xf32, #tpu.memory_space<vmem>> -> memref<40x128xf32, #tpu.memory_space<vmem>>
      tpu.wait_dma2 semaphore(%run_scoped3A_111 : memref<!tpu.dma_semaphore, #tpu.memory_space<semaphore_mem>>) src(%dma_wait3A_130 : memref<40x128xf32, #tpu.memory_space<vmem>>) dst(%dma_wait3A_127 : memref<40x128xf32, #tpu.memory_space<vmem_shared>>)
      tpu.yield
    }) : () -> ()
    %mul3A_37 = arith.constant 640 : i32
    %mul3A_38 = arith.muli %arg1, %mul3A_37 : i32
    %add3A_39 = arith.constant 360 : i32
    %add3A_40 = arith.addi %mul3A_38, %add3A_39 : i32
    "tpu.region"() ({
      %run_scoped3A_111 = tpu.sem_alloc : memref<!tpu.dma_semaphore, #tpu.memory_space<semaphore_mem>>
      %dma_start3A_112 = arith.constant 0 : i32
      %dma_start3A_113 = arith.constant 0 : i32
      %dma_start3A_114 = tpu.memref_slice %arg10[%dma_start3A_112, %dma_start3A_113] : memref<100x128xf32, #tpu.memory_space<vmem>> -> memref<40x128xf32, #tpu.memory_space<vmem>>
      %dma_start3A_115 = arith.constant 0 : i32
      %dma_start3A_116 = tpu.memref_slice %arg7[%add3A_40, %dma_start3A_115] : memref<10240x128xf32, #tpu.memory_space<vmem_shared>> -> memref<40x128xf32, #tpu.memory_space<vmem_shared>>
      %dma_start3A_117 = arith.constant 0 : i32
      %dma_start3A_118 = tpu.memref_slice %arg7[%add3A_40, %dma_start3A_117] : memref<10240x128xf32, #tpu.memory_space<vmem_shared>> -> memref<40x128xf32, #tpu.memory_space<vmem_shared>>
      %dma_start3A_119 = arith.constant 0 : i32
      %dma_start3A_120 = arith.constant 0 : i32
      %dma_start3A_121 = tpu.memref_slice %arg10[%dma_start3A_119, %dma_start3A_120] : memref<100x128xf32, #tpu.memory_space<vmem>> -> memref<40x128xf32, #tpu.memory_space<vmem>>
      tpu.enqueue_dma source(%dma_start3A_121 : memref<40x128xf32, #tpu.memory_space<vmem>>) target(%dma_start3A_118 : memref<40x128xf32, #tpu.memory_space<vmem_shared>>) target_semaphore(%run_scoped3A_111 : memref<!tpu.dma_semaphore, #tpu.memory_space<semaphore_mem>>)
      %dma_wait3A = arith.constant 0 : i32
      %dma_wait3A_122 = arith.constant 0 : i32
      %dma_wait3A_123 = tpu.memref_slice %arg10[%dma_wait3A, %dma_wait3A_122] : memref<100x128xf32, #tpu.memory_space<vmem>> -> memref<40x128xf32, #tpu.memory_space<vmem>>
      %dma_wait3A_124 = arith.constant 0 : i32
      %dma_wait3A_125 = tpu.memref_slice %arg7[%add3A_40, %dma_wait3A_124] : memref<10240x128xf32, #tpu.memory_space<vmem_shared>> -> memref<40x128xf32, #tpu.memory_space<vmem_shared>>
      %dma_wait3A_126 = arith.constant 0 : i32
      %dma_wait3A_127 = tpu.memref_slice %arg7[%add3A_40, %dma_wait3A_126] : memref<10240x128xf32, #tpu.memory_space<vmem_shared>> -> memref<40x128xf32, #tpu.memory_space<vmem_shared>>
      %dma_wait3A_128 = arith.constant 0 : i32
      %dma_wait3A_129 = arith.constant 0 : i32
      %dma_wait3A_130 = tpu.memref_slice %arg10[%dma_wait3A_128, %dma_wait3A_129] : memref<100x128xf32, #tpu.memory_space<vmem>> -> memref<40x128xf32, #tpu.memory_space<vmem>>
      tpu.wait_dma2 semaphore(%run_scoped3A_111 : memref<!tpu.dma_semaphore, #tpu.memory_space<semaphore_mem>>) src(%dma_wait3A_130 : memref<40x128xf32, #tpu.memory_space<vmem>>) dst(%dma_wait3A_127 : memref<40x128xf32, #tpu.memory_space<vmem_shared>>)
      tpu.yield
    }) : () -> ()
    %mul3A_41 = arith.constant 640 : i32
    %mul3A_42 = arith.muli %arg1, %mul3A_41 : i32
    %add3A_43 = arith.constant 400 : i32
    %add3A_44 = arith.addi %mul3A_42, %add3A_43 : i32
    "tpu.region"() ({
      %run_scoped3A_111 = tpu.sem_alloc : memref<!tpu.dma_semaphore, #tpu.memory_space<semaphore_mem>>
      %dma_start3A_112 = arith.constant 0 : i32
      %dma_start3A_113 = arith.constant 0 : i32
      %dma_start3A_114 = tpu.memref_slice %arg10[%dma_start3A_112, %dma_start3A_113] : memref<100x128xf32, #tpu.memory_space<vmem>> -> memref<40x128xf32, #tpu.memory_space<vmem>>
      %dma_start3A_115 = arith.constant 0 : i32
      %dma_start3A_116 = tpu.memref_slice %arg7[%add3A_44, %dma_start3A_115] : memref<10240x128xf32, #tpu.memory_space<vmem_shared>> -> memref<40x128xf32, #tpu.memory_space<vmem_shared>>
      %dma_start3A_117 = arith.constant 0 : i32
      %dma_start3A_118 = tpu.memref_slice %arg7[%add3A_44, %dma_start3A_117] : memref<10240x128xf32, #tpu.memory_space<vmem_shared>> -> memref<40x128xf32, #tpu.memory_space<vmem_shared>>
      %dma_start3A_119 = arith.constant 0 : i32
      %dma_start3A_120 = arith.constant 0 : i32
      %dma_start3A_121 = tpu.memref_slice %arg10[%dma_start3A_119, %dma_start3A_120] : memref<100x128xf32, #tpu.memory_space<vmem>> -> memref<40x128xf32, #tpu.memory_space<vmem>>
      tpu.enqueue_dma source(%dma_start3A_121 : memref<40x128xf32, #tpu.memory_space<vmem>>) target(%dma_start3A_118 : memref<40x128xf32, #tpu.memory_space<vmem_shared>>) target_semaphore(%run_scoped3A_111 : memref<!tpu.dma_semaphore, #tpu.memory_space<semaphore_mem>>)
      %dma_wait3A = arith.constant 0 : i32
      %dma_wait3A_122 = arith.constant 0 : i32
      %dma_wait3A_123 = tpu.memref_slice %arg10[%dma_wait3A, %dma_wait3A_122] : memref<100x128xf32, #tpu.memory_space<vmem>> -> memref<40x128xf32, #tpu.memory_space<vmem>>
      %dma_wait3A_124 = arith.constant 0 : i32
      %dma_wait3A_125 = tpu.memref_slice %arg7[%add3A_44, %dma_wait3A_124] : memref<10240x128xf32, #tpu.memory_space<vmem_shared>> -> memref<40x128xf32, #tpu.memory_space<vmem_shared>>
      %dma_wait3A_126 = arith.constant 0 : i32
      %dma_wait3A_127 = tpu.memref_slice %arg7[%add3A_44, %dma_wait3A_126] : memref<10240x128xf32, #tpu.memory_space<vmem_shared>> -> memref<40x128xf32, #tpu.memory_space<vmem_shared>>
      %dma_wait3A_128 = arith.constant 0 : i32
      %dma_wait3A_129 = arith.constant 0 : i32
      %dma_wait3A_130 = tpu.memref_slice %arg10[%dma_wait3A_128, %dma_wait3A_129] : memref<100x128xf32, #tpu.memory_space<vmem>> -> memref<40x128xf32, #tpu.memory_space<vmem>>
      tpu.wait_dma2 semaphore(%run_scoped3A_111 : memref<!tpu.dma_semaphore, #tpu.memory_space<semaphore_mem>>) src(%dma_wait3A_130 : memref<40x128xf32, #tpu.memory_space<vmem>>) dst(%dma_wait3A_127 : memref<40x128xf32, #tpu.memory_space<vmem_shared>>)
      tpu.yield
    }) : () -> ()
    %mul3A_45 = arith.constant 640 : i32
    %mul3A_46 = arith.muli %arg1, %mul3A_45 : i32
    %add3A_47 = arith.constant 440 : i32
    %add3A_48 = arith.addi %mul3A_46, %add3A_47 : i32
    "tpu.region"() ({
      %run_scoped3A_111 = tpu.sem_alloc : memref<!tpu.dma_semaphore, #tpu.memory_space<semaphore_mem>>
      %dma_start3A_112 = arith.constant 0 : i32
      %dma_start3A_113 = arith.constant 0 : i32
      %dma_start3A_114 = tpu.memref_slice %arg10[%dma_start3A_112, %dma_start3A_113] : memref<100x128xf32, #tpu.memory_space<vmem>> -> memref<40x128xf32, #tpu.memory_space<vmem>>
      %dma_start3A_115 = arith.constant 0 : i32
      %dma_start3A_116 = tpu.memref_slice %arg7[%add3A_48, %dma_start3A_115] : memref<10240x128xf32, #tpu.memory_space<vmem_shared>> -> memref<40x128xf32, #tpu.memory_space<vmem_shared>>
      %dma_start3A_117 = arith.constant 0 : i32
      %dma_start3A_118 = tpu.memref_slice %arg7[%add3A_48, %dma_start3A_117] : memref<10240x128xf32, #tpu.memory_space<vmem_shared>> -> memref<40x128xf32, #tpu.memory_space<vmem_shared>>
      %dma_start3A_119 = arith.constant 0 : i32
      %dma_start3A_120 = arith.constant 0 : i32
      %dma_start3A_121 = tpu.memref_slice %arg10[%dma_start3A_119, %dma_start3A_120] : memref<100x128xf32, #tpu.memory_space<vmem>> -> memref<40x128xf32, #tpu.memory_space<vmem>>
      tpu.enqueue_dma source(%dma_start3A_121 : memref<40x128xf32, #tpu.memory_space<vmem>>) target(%dma_start3A_118 : memref<40x128xf32, #tpu.memory_space<vmem_shared>>) target_semaphore(%run_scoped3A_111 : memref<!tpu.dma_semaphore, #tpu.memory_space<semaphore_mem>>)
      %dma_wait3A = arith.constant 0 : i32
      %dma_wait3A_122 = arith.constant 0 : i32
      %dma_wait3A_123 = tpu.memref_slice %arg10[%dma_wait3A, %dma_wait3A_122] : memref<100x128xf32, #tpu.memory_space<vmem>> -> memref<40x128xf32, #tpu.memory_space<vmem>>
      %dma_wait3A_124 = arith.constant 0 : i32
      %dma_wait3A_125 = tpu.memref_slice %arg7[%add3A_48, %dma_wait3A_124] : memref<10240x128xf32, #tpu.memory_space<vmem_shared>> -> memref<40x128xf32, #tpu.memory_space<vmem_shared>>
      %dma_wait3A_126 = arith.constant 0 : i32
      %dma_wait3A_127 = tpu.memref_slice %arg7[%add3A_48, %dma_wait3A_126] : memref<10240x128xf32, #tpu.memory_space<vmem_shared>> -> memref<40x128xf32, #tpu.memory_space<vmem_shared>>
      %dma_wait3A_128 = arith.constant 0 : i32
      %dma_wait3A_129 = arith.constant 0 : i32
      %dma_wait3A_130 = tpu.memref_slice %arg10[%dma_wait3A_128, %dma_wait3A_129] : memref<100x128xf32, #tpu.memory_space<vmem>> -> memref<40x128xf32, #tpu.memory_space<vmem>>
      tpu.wait_dma2 semaphore(%run_scoped3A_111 : memref<!tpu.dma_semaphore, #tpu.memory_space<semaphore_mem>>) src(%dma_wait3A_130 : memref<40x128xf32, #tpu.memory_space<vmem>>) dst(%dma_wait3A_127 : memref<40x128xf32, #tpu.memory_space<vmem_shared>>)
      tpu.yield
    }) : () -> ()
    %mul3A_49 = arith.constant 640 : i32
    %mul3A_50 = arith.muli %arg1, %mul3A_49 : i32
    %add3A_51 = arith.constant 480 : i32
    %add3A_52 = arith.addi %mul3A_50, %add3A_51 : i32
    "tpu.region"() ({
      %run_scoped3A_111 = tpu.sem_alloc : memref<!tpu.dma_semaphore, #tpu.memory_space<semaphore_mem>>
      %dma_start3A_112 = arith.constant 0 : i32
      %dma_start3A_113 = arith.constant 0 : i32
      %dma_start3A_114 = tpu.memref_slice %arg10[%dma_start3A_112, %dma_start3A_113] : memref<100x128xf32, #tpu.memory_space<vmem>> -> memref<40x128xf32, #tpu.memory_space<vmem>>
      %dma_start3A_115 = arith.constant 0 : i32
      %dma_start3A_116 = tpu.memref_slice %arg7[%add3A_52, %dma_start3A_115] : memref<10240x128xf32, #tpu.memory_space<vmem_shared>> -> memref<40x128xf32, #tpu.memory_space<vmem_shared>>
      %dma_start3A_117 = arith.constant 0 : i32
      %dma_start3A_118 = tpu.memref_slice %arg7[%add3A_52, %dma_start3A_117] : memref<10240x128xf32, #tpu.memory_space<vmem_shared>> -> memref<40x128xf32, #tpu.memory_space<vmem_shared>>
      %dma_start3A_119 = arith.constant 0 : i32
      %dma_start3A_120 = arith.constant 0 : i32
      %dma_start3A_121 = tpu.memref_slice %arg10[%dma_start3A_119, %dma_start3A_120] : memref<100x128xf32, #tpu.memory_space<vmem>> -> memref<40x128xf32, #tpu.memory_space<vmem>>
      tpu.enqueue_dma source(%dma_start3A_121 : memref<40x128xf32, #tpu.memory_space<vmem>>) target(%dma_start3A_118 : memref<40x128xf32, #tpu.memory_space<vmem_shared>>) target_semaphore(%run_scoped3A_111 : memref<!tpu.dma_semaphore, #tpu.memory_space<semaphore_mem>>)
      %dma_wait3A = arith.constant 0 : i32
      %dma_wait3A_122 = arith.constant 0 : i32
      %dma_wait3A_123 = tpu.memref_slice %arg10[%dma_wait3A, %dma_wait3A_122] : memref<100x128xf32, #tpu.memory_space<vmem>> -> memref<40x128xf32, #tpu.memory_space<vmem>>
      %dma_wait3A_124 = arith.constant 0 : i32
      %dma_wait3A_125 = tpu.memref_slice %arg7[%add3A_52, %dma_wait3A_124] : memref<10240x128xf32, #tpu.memory_space<vmem_shared>> -> memref<40x128xf32, #tpu.memory_space<vmem_shared>>
      %dma_wait3A_126 = arith.constant 0 : i32
      %dma_wait3A_127 = tpu.memref_slice %arg7[%add3A_52, %dma_wait3A_126] : memref<10240x128xf32, #tpu.memory_space<vmem_shared>> -> memref<40x128xf32, #tpu.memory_space<vmem_shared>>
      %dma_wait3A_128 = arith.constant 0 : i32
      %dma_wait3A_129 = arith.constant 0 : i32
      %dma_wait3A_130 = tpu.memref_slice %arg10[%dma_wait3A_128, %dma_wait3A_129] : memref<100x128xf32, #tpu.memory_space<vmem>> -> memref<40x128xf32, #tpu.memory_space<vmem>>
      tpu.wait_dma2 semaphore(%run_scoped3A_111 : memref<!tpu.dma_semaphore, #tpu.memory_space<semaphore_mem>>) src(%dma_wait3A_130 : memref<40x128xf32, #tpu.memory_space<vmem>>) dst(%dma_wait3A_127 : memref<40x128xf32, #tpu.memory_space<vmem_shared>>)
      tpu.yield
    }) : () -> ()
    %mul3A_53 = arith.constant 640 : i32
    %mul3A_54 = arith.muli %arg1, %mul3A_53 : i32
    %add3A_55 = arith.constant 520 : i32
    %add3A_56 = arith.addi %mul3A_54, %add3A_55 : i32
    "tpu.region"() ({
      %run_scoped3A_111 = tpu.sem_alloc : memref<!tpu.dma_semaphore, #tpu.memory_space<semaphore_mem>>
      %dma_start3A_112 = arith.constant 0 : i32
      %dma_start3A_113 = arith.constant 0 : i32
      %dma_start3A_114 = tpu.memref_slice %arg10[%dma_start3A_112, %dma_start3A_113] : memref<100x128xf32, #tpu.memory_space<vmem>> -> memref<40x128xf32, #tpu.memory_space<vmem>>
      %dma_start3A_115 = arith.constant 0 : i32
      %dma_start3A_116 = tpu.memref_slice %arg7[%add3A_56, %dma_start3A_115] : memref<10240x128xf32, #tpu.memory_space<vmem_shared>> -> memref<40x128xf32, #tpu.memory_space<vmem_shared>>
      %dma_start3A_117 = arith.constant 0 : i32
      %dma_start3A_118 = tpu.memref_slice %arg7[%add3A_56, %dma_start3A_117] : memref<10240x128xf32, #tpu.memory_space<vmem_shared>> -> memref<40x128xf32, #tpu.memory_space<vmem_shared>>
      %dma_start3A_119 = arith.constant 0 : i32
      %dma_start3A_120 = arith.constant 0 : i32
      %dma_start3A_121 = tpu.memref_slice %arg10[%dma_start3A_119, %dma_start3A_120] : memref<100x128xf32, #tpu.memory_space<vmem>> -> memref<40x128xf32, #tpu.memory_space<vmem>>
      tpu.enqueue_dma source(%dma_start3A_121 : memref<40x128xf32, #tpu.memory_space<vmem>>) target(%dma_start3A_118 : memref<40x128xf32, #tpu.memory_space<vmem_shared>>) target_semaphore(%run_scoped3A_111 : memref<!tpu.dma_semaphore, #tpu.memory_space<semaphore_mem>>)
      %dma_wait3A = arith.constant 0 : i32
      %dma_wait3A_122 = arith.constant 0 : i32
      %dma_wait3A_123 = tpu.memref_slice %arg10[%dma_wait3A, %dma_wait3A_122] : memref<100x128xf32, #tpu.memory_space<vmem>> -> memref<40x128xf32, #tpu.memory_space<vmem>>
      %dma_wait3A_124 = arith.constant 0 : i32
      %dma_wait3A_125 = tpu.memref_slice %arg7[%add3A_56, %dma_wait3A_124] : memref<10240x128xf32, #tpu.memory_space<vmem_shared>> -> memref<40x128xf32, #tpu.memory_space<vmem_shared>>
      %dma_wait3A_126 = arith.constant 0 : i32
      %dma_wait3A_127 = tpu.memref_slice %arg7[%add3A_56, %dma_wait3A_126] : memref<10240x128xf32, #tpu.memory_space<vmem_shared>> -> memref<40x128xf32, #tpu.memory_space<vmem_shared>>
      %dma_wait3A_128 = arith.constant 0 : i32
      %dma_wait3A_129 = arith.constant 0 : i32
      %dma_wait3A_130 = tpu.memref_slice %arg10[%dma_wait3A_128, %dma_wait3A_129] : memref<100x128xf32, #tpu.memory_space<vmem>> -> memref<40x128xf32, #tpu.memory_space<vmem>>
      tpu.wait_dma2 semaphore(%run_scoped3A_111 : memref<!tpu.dma_semaphore, #tpu.memory_space<semaphore_mem>>) src(%dma_wait3A_130 : memref<40x128xf32, #tpu.memory_space<vmem>>) dst(%dma_wait3A_127 : memref<40x128xf32, #tpu.memory_space<vmem_shared>>)
      tpu.yield
    }) : () -> ()
    %mul3A_57 = arith.constant 640 : i32
    %mul3A_58 = arith.muli %arg1, %mul3A_57 : i32
    %add3A_59 = arith.constant 560 : i32
    %add3A_60 = arith.addi %mul3A_58, %add3A_59 : i32
    "tpu.region"() ({
      %run_scoped3A_111 = tpu.sem_alloc : memref<!tpu.dma_semaphore, #tpu.memory_space<semaphore_mem>>
      %dma_start3A_112 = arith.constant 0 : i32
      %dma_start3A_113 = arith.constant 0 : i32
      %dma_start3A_114 = tpu.memref_slice %arg10[%dma_start3A_112, %dma_start3A_113] : memref<100x128xf32, #tpu.memory_space<vmem>> -> memref<40x128xf32, #tpu.memory_space<vmem>>
      %dma_start3A_115 = arith.constant 0 : i32
      %dma_start3A_116 = tpu.memref_slice %arg7[%add3A_60, %dma_start3A_115] : memref<10240x128xf32, #tpu.memory_space<vmem_shared>> -> memref<40x128xf32, #tpu.memory_space<vmem_shared>>
      %dma_start3A_117 = arith.constant 0 : i32
      %dma_start3A_118 = tpu.memref_slice %arg7[%add3A_60, %dma_start3A_117] : memref<10240x128xf32, #tpu.memory_space<vmem_shared>> -> memref<40x128xf32, #tpu.memory_space<vmem_shared>>
      %dma_start3A_119 = arith.constant 0 : i32
      %dma_start3A_120 = arith.constant 0 : i32
      %dma_start3A_121 = tpu.memref_slice %arg10[%dma_start3A_119, %dma_start3A_120] : memref<100x128xf32, #tpu.memory_space<vmem>> -> memref<40x128xf32, #tpu.memory_space<vmem>>
      tpu.enqueue_dma source(%dma_start3A_121 : memref<40x128xf32, #tpu.memory_space<vmem>>) target(%dma_start3A_118 : memref<40x128xf32, #tpu.memory_space<vmem_shared>>) target_semaphore(%run_scoped3A_111 : memref<!tpu.dma_semaphore, #tpu.memory_space<semaphore_mem>>)
      %dma_wait3A = arith.constant 0 : i32
      %dma_wait3A_122 = arith.constant 0 : i32
      %dma_wait3A_123 = tpu.memref_slice %arg10[%dma_wait3A, %dma_wait3A_122] : memref<100x128xf32, #tpu.memory_space<vmem>> -> memref<40x128xf32, #tpu.memory_space<vmem>>
      %dma_wait3A_124 = arith.constant 0 : i32
      %dma_wait3A_125 = tpu.memref_slice %arg7[%add3A_60, %dma_wait3A_124] : memref<10240x128xf32, #tpu.memory_space<vmem_shared>> -> memref<40x128xf32, #tpu.memory_space<vmem_shared>>
      %dma_wait3A_126 = arith.constant 0 : i32
      %dma_wait3A_127 = tpu.memref_slice %arg7[%add3A_60, %dma_wait3A_126] : memref<10240x128xf32, #tpu.memory_space<vmem_shared>> -> memref<40x128xf32, #tpu.memory_space<vmem_shared>>
      %dma_wait3A_128 = arith.constant 0 : i32
      %dma_wait3A_129 = arith.constant 0 : i32
      %dma_wait3A_130 = tpu.memref_slice %arg10[%dma_wait3A_128, %dma_wait3A_129] : memref<100x128xf32, #tpu.memory_space<vmem>> -> memref<40x128xf32, #tpu.memory_space<vmem>>
      tpu.wait_dma2 semaphore(%run_scoped3A_111 : memref<!tpu.dma_semaphore, #tpu.memory_space<semaphore_mem>>) src(%dma_wait3A_130 : memref<40x128xf32, #tpu.memory_space<vmem>>) dst(%dma_wait3A_127 : memref<40x128xf32, #tpu.memory_space<vmem_shared>>)
      tpu.yield
    }) : () -> ()
    %mul3A_61 = arith.constant 640 : i32
    %mul3A_62 = arith.muli %arg1, %mul3A_61 : i32
    %add3A_63 = arith.constant 600 : i32
    %add3A_64 = arith.addi %mul3A_62, %add3A_63 : i32
    "tpu.region"() ({
      %run_scoped3A_111 = tpu.sem_alloc : memref<!tpu.dma_semaphore, #tpu.memory_space<semaphore_mem>>
      %dma_start3A_112 = arith.constant 0 : i32
      %dma_start3A_113 = arith.constant 0 : i32
      %dma_start3A_114 = tpu.memref_slice %arg10[%dma_start3A_112, %dma_start3A_113] : memref<100x128xf32, #tpu.memory_space<vmem>> -> memref<40x128xf32, #tpu.memory_space<vmem>>
      %dma_start3A_115 = arith.constant 0 : i32
      %dma_start3A_116 = tpu.memref_slice %arg7[%add3A_64, %dma_start3A_115] : memref<10240x128xf32, #tpu.memory_space<vmem_shared>> -> memref<40x128xf32, #tpu.memory_space<vmem_shared>>
      %dma_start3A_117 = arith.constant 0 : i32
      %dma_start3A_118 = tpu.memref_slice %arg7[%add3A_64, %dma_start3A_117] : memref<10240x128xf32, #tpu.memory_space<vmem_shared>> -> memref<40x128xf32, #tpu.memory_space<vmem_shared>>
      %dma_start3A_119 = arith.constant 0 : i32
      %dma_start3A_120 = arith.constant 0 : i32
      %dma_start3A_121 = tpu.memref_slice %arg10[%dma_start3A_119, %dma_start3A_120] : memref<100x128xf32, #tpu.memory_space<vmem>> -> memref<40x128xf32, #tpu.memory_space<vmem>>
      tpu.enqueue_dma source(%dma_start3A_121 : memref<40x128xf32, #tpu.memory_space<vmem>>) target(%dma_start3A_118 : memref<40x128xf32, #tpu.memory_space<vmem_shared>>) target_semaphore(%run_scoped3A_111 : memref<!tpu.dma_semaphore, #tpu.memory_space<semaphore_mem>>)
      %dma_wait3A = arith.constant 0 : i32
      %dma_wait3A_122 = arith.constant 0 : i32
      %dma_wait3A_123 = tpu.memref_slice %arg10[%dma_wait3A, %dma_wait3A_122] : memref<100x128xf32, #tpu.memory_space<vmem>> -> memref<40x128xf32, #tpu.memory_space<vmem>>
      %dma_wait3A_124 = arith.constant 0 : i32
      %dma_wait3A_125 = tpu.memref_slice %arg7[%add3A_64, %dma_wait3A_124] : memref<10240x128xf32, #tpu.memory_space<vmem_shared>> -> memref<40x128xf32, #tpu.memory_space<vmem_shared>>
      %dma_wait3A_126 = arith.constant 0 : i32
      %dma_wait3A_127 = tpu.memref_slice %arg7[%add3A_64, %dma_wait3A_126] : memref<10240x128xf32, #tpu.memory_space<vmem_shared>> -> memref<40x128xf32, #tpu.memory_space<vmem_shared>>
      %dma_wait3A_128 = arith.constant 0 : i32
      %dma_wait3A_129 = arith.constant 0 : i32
      %dma_wait3A_130 = tpu.memref_slice %arg10[%dma_wait3A_128, %dma_wait3A_129] : memref<100x128xf32, #tpu.memory_space<vmem>> -> memref<40x128xf32, #tpu.memory_space<vmem>>
      tpu.wait_dma2 semaphore(%run_scoped3A_111 : memref<!tpu.dma_semaphore, #tpu.memory_space<semaphore_mem>>) src(%dma_wait3A_130 : memref<40x128xf32, #tpu.memory_space<vmem>>) dst(%dma_wait3A_127 : memref<40x128xf32, #tpu.memory_space<vmem_shared>>)
      tpu.yield
    }) : () -> ()
    %barrier3A = arith.constant 0 : index
    tpu.barrier barrier_id(%barrier3A)
    %run_scoped3A = arith.constant 0 : i32
    "tpu.region"() ({
      %run_scoped3A_111 = tpu.sem_alloc : memref<!tpu.dma_semaphore, #tpu.memory_space<semaphore_mem>>
      %dma_start3A_112 = arith.constant 0 : i32
      %dma_start3A_113 = arith.constant 0 : i32
      %dma_start3A_114 = tpu.memref_slice %arg3[%add3A, %run_scoped3A, %dma_start3A_112, %dma_start3A_113] : memref<32x2x50x100xi32, #tpu.memory_space<hbm>> -> memref<1x1x50x100xi32, #tpu.memory_space<hbm>>
      %dma_start3A_115 = tpu.memref_squeeze %dma_start3A_114 : memref<1x1x50x100xi32, #tpu.memory_space<hbm>> -> memref<50x100xi32, #tpu.memory_space<hbm>>
      %dma_start3A_116 = arith.constant 0 : i32
      %dma_start3A_117 = arith.constant 0 : i32
      %dma_start3A_118 = tpu.memref_slice %arg3[%add3A, %run_scoped3A, %dma_start3A_116, %dma_start3A_117] : memref<32x2x50x100xi32, #tpu.memory_space<hbm>> -> memref<1x1x50x100xi32, #tpu.memory_space<hbm>>
      %dma_start3A_119 = tpu.memref_squeeze %dma_start3A_118 : memref<1x1x50x100xi32, #tpu.memory_space<hbm>> -> memref<50x100xi32, #tpu.memory_space<hbm>>
      tpu.enqueue_dma source(%dma_start3A_119 : memref<50x100xi32, #tpu.memory_space<hbm>>) target(%arg8 : memref<50x100xi32, #tpu.memory_space<vmem>>) target_semaphore(%run_scoped3A_111 : memref<!tpu.dma_semaphore, #tpu.memory_space<semaphore_mem>>)
      %dma_wait3A = arith.constant 0 : i32
      %dma_wait3A_120 = arith.constant 0 : i32
      %dma_wait3A_121 = tpu.memref_slice %arg3[%add3A, %run_scoped3A, %dma_wait3A, %dma_wait3A_120] : memref<32x2x50x100xi32, #tpu.memory_space<hbm>> -> memref<1x1x50x100xi32, #tpu.memory_space<hbm>>
      %dma_wait3A_122 = tpu.memref_squeeze %dma_wait3A_121 : memref<1x1x50x100xi32, #tpu.memory_space<hbm>> -> memref<50x100xi32, #tpu.memory_space<hbm>>
      %dma_wait3A_123 = arith.constant 0 : i32
      %dma_wait3A_124 = arith.constant 0 : i32
      %dma_wait3A_125 = tpu.memref_slice %arg3[%add3A, %run_scoped3A, %dma_wait3A_123, %dma_wait3A_124] : memref<32x2x50x100xi32, #tpu.memory_space<hbm>> -> memref<1x1x50x100xi32, #tpu.memory_space<hbm>>
      %dma_wait3A_126 = tpu.memref_squeeze %dma_wait3A_125 : memref<1x1x50x100xi32, #tpu.memory_space<hbm>> -> memref<50x100xi32, #tpu.memory_space<hbm>>
      tpu.wait_dma2 semaphore(%run_scoped3A_111 : memref<!tpu.dma_semaphore, #tpu.memory_space<semaphore_mem>>) src(%dma_wait3A_126 : memref<50x100xi32, #tpu.memory_space<hbm>>) dst(%arg8 : memref<50x100xi32, #tpu.memory_space<vmem>>)
      tpu.yield
    }) : () -> ()
    %run_scoped3A_65 = arith.constant 0 : i32
    "tpu.region"() ({
      %run_scoped3A_111 = tpu.sem_alloc : memref<!tpu.dma_semaphore, #tpu.memory_space<semaphore_mem>>
      %dma_start3A_112 = arith.constant 0 : i32
      %dma_start3A_113 = arith.constant 0 : i32
      %dma_start3A_114 = tpu.memref_slice %arg4[%add3A, %run_scoped3A_65, %dma_start3A_112, %dma_start3A_113] : memref<32x2x50x100xi32, #tpu.memory_space<hbm>> -> memref<1x1x50x100xi32, #tpu.memory_space<hbm>>
      %dma_start3A_115 = tpu.memref_squeeze %dma_start3A_114 : memref<1x1x50x100xi32, #tpu.memory_space<hbm>> -> memref<50x100xi32, #tpu.memory_space<hbm>>
      %dma_start3A_116 = arith.constant 0 : i32
      %dma_start3A_117 = arith.constant 0 : i32
      %dma_start3A_118 = tpu.memref_slice %arg4[%add3A, %run_scoped3A_65, %dma_start3A_116, %dma_start3A_117] : memref<32x2x50x100xi32, #tpu.memory_space<hbm>> -> memref<1x1x50x100xi32, #tpu.memory_space<hbm>>
      %dma_start3A_119 = tpu.memref_squeeze %dma_start3A_118 : memref<1x1x50x100xi32, #tpu.memory_space<hbm>> -> memref<50x100xi32, #tpu.memory_space<hbm>>
      tpu.enqueue_dma source(%dma_start3A_119 : memref<50x100xi32, #tpu.memory_space<hbm>>) target(%arg9 : memref<50x100xi32, #tpu.memory_space<vmem>>) target_semaphore(%run_scoped3A_111 : memref<!tpu.dma_semaphore, #tpu.memory_space<semaphore_mem>>)
      %dma_wait3A = arith.constant 0 : i32
      %dma_wait3A_120 = arith.constant 0 : i32
      %dma_wait3A_121 = tpu.memref_slice %arg4[%add3A, %run_scoped3A_65, %dma_wait3A, %dma_wait3A_120] : memref<32x2x50x100xi32, #tpu.memory_space<hbm>> -> memref<1x1x50x100xi32, #tpu.memory_space<hbm>>
      %dma_wait3A_122 = tpu.memref_squeeze %dma_wait3A_121 : memref<1x1x50x100xi32, #tpu.memory_space<hbm>> -> memref<50x100xi32, #tpu.memory_space<hbm>>
      %dma_wait3A_123 = arith.constant 0 : i32
      %dma_wait3A_124 = arith.constant 0 : i32
      %dma_wait3A_125 = tpu.memref_slice %arg4[%add3A, %run_scoped3A_65, %dma_wait3A_123, %dma_wait3A_124] : memref<32x2x50x100xi32, #tpu.memory_space<hbm>> -> memref<1x1x50x100xi32, #tpu.memory_space<hbm>>
      %dma_wait3A_126 = tpu.memref_squeeze %dma_wait3A_125 : memref<1x1x50x100xi32, #tpu.memory_space<hbm>> -> memref<50x100xi32, #tpu.memory_space<hbm>>
      tpu.wait_dma2 semaphore(%run_scoped3A_111 : memref<!tpu.dma_semaphore, #tpu.memory_space<semaphore_mem>>) src(%dma_wait3A_126 : memref<50x100xi32, #tpu.memory_space<hbm>>) dst(%arg9 : memref<50x100xi32, #tpu.memory_space<vmem>>)
      tpu.yield
    }) : () -> ()
    %dma_start3A = arith.constant 0 : i32
    %dma_start3A_66 = arith.constant 0 : i32
    %dma_start3A_67 = tpu.memref_slice %arg8[%dma_start3A, %dma_start3A_66] : memref<50x100xi32, #tpu.memory_space<vmem>> -> memref<1x100xi32, #tpu.memory_space<vmem>>
    %dma_start3A_68 = tpu.memref_squeeze %dma_start3A_67 : memref<1x100xi32, #tpu.memory_space<vmem>> -> memref<100xi32, #tpu.memory_space<vmem>>
    %dma_start3A_69 = arith.constant 0 : i32
    %dma_start3A_70 = arith.constant 0 : i32
    %dma_start3A_71 = tpu.memref_slice %arg2[%dma_start3A_69, %dma_start3A_70] : memref<10000x128xf32, #tpu.memory_space<hbm>> -> memref<10000x128xf32, #tpu.memory_space<hbm>>
    tpu.enqueue_indirect_dma source(%dma_start3A_71 : memref<10000x128xf32, #tpu.memory_space<hbm>>) target(%arg10 : memref<100x128xf32, #tpu.memory_space<vmem>>) offsets(%dma_start3A_68 : memref<100xi32, #tpu.memory_space<vmem>>) semaphore(%arg12 : memref<!tpu.dma_semaphore, #tpu.memory_space<semaphore_mem>>)
    %dma_start3A_72 = arith.constant 1 : i32
    %dma_start3A_73 = arith.constant 0 : i32
    %dma_start3A_74 = tpu.memref_slice %arg8[%dma_start3A_72, %dma_start3A_73] : memref<50x100xi32, #tpu.memory_space<vmem>> -> memref<1x100xi32, #tpu.memory_space<vmem>>
    %dma_start3A_75 = tpu.memref_squeeze %dma_start3A_74 : memref<1x100xi32, #tpu.memory_space<vmem>> -> memref<100xi32, #tpu.memory_space<vmem>>
    %dma_start3A_76 = arith.constant 0 : i32
    %dma_start3A_77 = arith.constant 0 : i32
    %dma_start3A_78 = tpu.memref_slice %arg2[%dma_start3A_76, %dma_start3A_77] : memref<10000x128xf32, #tpu.memory_space<hbm>> -> memref<10000x128xf32, #tpu.memory_space<hbm>>
    tpu.enqueue_indirect_dma source(%dma_start3A_78 : memref<10000x128xf32, #tpu.memory_space<hbm>>) target(%arg11 : memref<100x128xf32, #tpu.memory_space<vmem>>) offsets(%dma_start3A_75 : memref<100xi32, #tpu.memory_space<vmem>>) semaphore(%arg13 : memref<!tpu.dma_semaphore, #tpu.memory_space<semaphore_mem>>)
    %scan3A = arith.constant 0 : i32
    %scan3A_79 = arith.constant 0 : i32
    %scan3A_80 = arith.constant 25 : i32
    %scan3A_81 = arith.addi %scan3A_79, %scan3A_80 : i32
    %scan3A_82 = arith.constant 1 : i32
    scf.for %scan3A_111 = %scan3A_79 to %scan3A_81 step %scan3A_82  : i32 {
      %mul3A_112 = arith.constant 2 : i32
      %mul3A_113 = arith.muli %scan3A_111, %mul3A_112 : i32
      %add3A_114 = arith.constant 0 : i32
      %add3A_115 = arith.addi %mul3A_113, %add3A_114 : i32
      %dma_wait3A = arith.constant 0 : i32
      %dma_wait3A_116 = tpu.memref_slice %arg8[%add3A_115, %dma_wait3A] : memref<50x100xi32, #tpu.memory_space<vmem>> -> memref<1x100xi32, #tpu.memory_space<vmem>>
      %dma_wait3A_117 = tpu.memref_squeeze %dma_wait3A_116 : memref<1x100xi32, #tpu.memory_space<vmem>> -> memref<100xi32, #tpu.memory_space<vmem>>
      %dma_wait3A_118 = arith.constant 0 : i32
      %dma_wait3A_119 = arith.constant 0 : i32
      %dma_wait3A_120 = tpu.memref_slice %arg2[%dma_wait3A_118, %dma_wait3A_119] : memref<10000x128xf32, #tpu.memory_space<hbm>> -> memref<10000x128xf32, #tpu.memory_space<hbm>>
      tpu.wait_indirect_dma semaphore(%arg12 : memref<!tpu.dma_semaphore, #tpu.memory_space<semaphore_mem>>) src(%dma_wait3A_120 : memref<10000x128xf32, #tpu.memory_space<hbm>>) dst(%arg10 : memref<100x128xf32, #tpu.memory_space<vmem>>)
      %add3A_121 = arith.constant 2 : i32
      %add3A_122 = arith.addi %add3A_115, %add3A_121 : i32
      %lt3A = arith.constant 50 : i32
      %lt3A_123 = arith.cmpi slt, %add3A_122, %lt3A : i32
      %convert_element_type3A = arith.extui %lt3A_123 : i1 to i32
      %cond3A = arith.constant 0 : i32
      %cond3A_124 = arith.cmpi ne, %convert_element_type3A, %cond3A : i32
      scf.if %cond3A_124 {
        %add3A_142 = arith.constant 2 : i32
        %add3A_143 = arith.addi %add3A_115, %add3A_142 : i32
        %dma_start3A_144 = arith.constant 0 : i32
        %dma_start3A_145 = tpu.memref_slice %arg8[%add3A_143, %dma_start3A_144] : memref<50x100xi32, #tpu.memory_space<vmem>> -> memref<1x100xi32, #tpu.memory_space<vmem>>
        %dma_start3A_146 = tpu.memref_squeeze %dma_start3A_145 : memref<1x100xi32, #tpu.memory_space<vmem>> -> memref<100xi32, #tpu.memory_space<vmem>>
        %dma_start3A_147 = arith.constant 0 : i32
        %dma_start3A_148 = arith.constant 0 : i32
        %dma_start3A_149 = tpu.memref_slice %arg2[%dma_start3A_147, %dma_start3A_148] : memref<10000x128xf32, #tpu.memory_space<hbm>> -> memref<10000x128xf32, #tpu.memory_space<hbm>>
        tpu.enqueue_indirect_dma source(%dma_start3A_149 : memref<10000x128xf32, #tpu.memory_space<hbm>>) target(%arg10 : memref<100x128xf32, #tpu.memory_space<vmem>>) offsets(%dma_start3A_146 : memref<100xi32, #tpu.memory_space<vmem>>) semaphore(%arg12 : memref<!tpu.dma_semaphore, #tpu.memory_space<semaphore_mem>>)
      } else {
      }
      "tpu.region"() ({
        %run_scoped3A_142 = tpu.sem_alloc : memref<!tpu.dma_semaphore, #tpu.memory_space<semaphore_mem>>
        %dma_start3A_143 = arith.constant 0 : i32
        %dma_start3A_144 = tpu.memref_slice %arg9[%add3A_115, %dma_start3A_143] : memref<50x100xi32, #tpu.memory_space<vmem>> -> memref<1x100xi32, #tpu.memory_space<vmem>>
        %dma_start3A_145 = tpu.memref_squeeze %dma_start3A_144 : memref<1x100xi32, #tpu.memory_space<vmem>> -> memref<100xi32, #tpu.memory_space<vmem>>
        %dma_start3A_146 = arith.constant 0 : i32
        %dma_start3A_147 = arith.constant 0 : i32
        %dma_start3A_148 = tpu.memref_slice %arg7[%dma_start3A_146, %dma_start3A_147] : memref<10240x128xf32, #tpu.memory_space<vmem_shared>> -> memref<10240x128xf32, #tpu.memory_space<vmem_shared>>
        tpu.enqueue_indirect_dma source(%arg10 : memref<100x128xf32, #tpu.memory_space<vmem>>) target(%dma_start3A_148 : memref<10240x128xf32, #tpu.memory_space<vmem_shared>>) offsets(%dma_start3A_145 : memref<100xi32, #tpu.memory_space<vmem>>) semaphore(%run_scoped3A_142 : memref<!tpu.dma_semaphore, #tpu.memory_space<semaphore_mem>>) {add = true}
        %dma_wait3A_149 = arith.constant 0 : i32
        %dma_wait3A_150 = tpu.memref_slice %arg9[%add3A_115, %dma_wait3A_149] : memref<50x100xi32, #tpu.memory_space<vmem>> -> memref<1x100xi32, #tpu.memory_space<vmem>>
        %dma_wait3A_151 = tpu.memref_squeeze %dma_wait3A_150 : memref<1x100xi32, #tpu.memory_space<vmem>> -> memref<100xi32, #tpu.memory_space<vmem>>
        %dma_wait3A_152 = arith.constant 0 : i32
        %dma_wait3A_153 = arith.constant 0 : i32
        %dma_wait3A_154 = tpu.memref_slice %arg7[%dma_wait3A_152, %dma_wait3A_153] : memref<10240x128xf32, #tpu.memory_space<vmem_shared>> -> memref<10240x128xf32, #tpu.memory_space<vmem_shared>>
        tpu.wait_indirect_dma semaphore(%run_scoped3A_142 : memref<!tpu.dma_semaphore, #tpu.memory_space<semaphore_mem>>) src(%arg10 : memref<100x128xf32, #tpu.memory_space<vmem>>) dst(%dma_wait3A_154 : memref<10240x128xf32, #tpu.memory_space<vmem_shared>>)
        tpu.yield
      }) : () -> ()
      %mul3A_125 = arith.constant 2 : i32
      %mul3A_126 = arith.muli %scan3A_111, %mul3A_125 : i32
      %add3A_127 = arith.constant 1 : i32
      %add3A_128 = arith.addi %mul3A_126, %add3A_127 : i32
      %dma_wait3A_129 = arith.constant 0 : i32
      %dma_wait3A_130 = tpu.memref_slice %arg8[%add3A_128, %dma_wait3A_129] : memref<50x100xi32, #tpu.memory_space<vmem>> -> memref<1x100xi32, #tpu.memory_space<vmem>>
      %dma_wait3A_131 = tpu.memref_squeeze %dma_wait3A_130 : memref<1x100xi32, #tpu.memory_space<vmem>> -> memref<100xi32, #tpu.memory_space<vmem>>
      %dma_wait3A_132 = arith.constant 0 : i32
      %dma_wait3A_133 = arith.constant 0 : i32
      %dma_wait3A_134 = tpu.memref_slice %arg2[%dma_wait3A_132, %dma_wait3A_133] : memref<10000x128xf32, #tpu.memory_space<hbm>> -> memref<10000x128xf32, #tpu.memory_space<hbm>>
      tpu.wait_indirect_dma semaphore(%arg13 : memref<!tpu.dma_semaphore, #tpu.memory_space<semaphore_mem>>) src(%dma_wait3A_134 : memref<10000x128xf32, #tpu.memory_space<hbm>>) dst(%arg11 : memref<100x128xf32, #tpu.memory_space<vmem>>)
      %add3A_135 = arith.constant 2 : i32
      %add3A_136 = arith.addi %add3A_128, %add3A_135 : i32
      %lt3A_137 = arith.constant 50 : i32
      %lt3A_138 = arith.cmpi slt, %add3A_136, %lt3A_137 : i32
      %convert_element_type3A_139 = arith.extui %lt3A_138 : i1 to i32
      %cond3A_140 = arith.constant 0 : i32
      %cond3A_141 = arith.cmpi ne, %convert_element_type3A_139, %cond3A_140 : i32
      scf.if %cond3A_141 {
        %add3A_142 = arith.constant 2 : i32
        %add3A_143 = arith.addi %add3A_128, %add3A_142 : i32
        %dma_start3A_144 = arith.constant 0 : i32
        %dma_start3A_145 = tpu.memref_slice %arg8[%add3A_143, %dma_start3A_144] : memref<50x100xi32, #tpu.memory_space<vmem>> -> memref<1x100xi32, #tpu.memory_space<vmem>>
        %dma_start3A_146 = tpu.memref_squeeze %dma_start3A_145 : memref<1x100xi32, #tpu.memory_space<vmem>> -> memref<100xi32, #tpu.memory_space<vmem>>
        %dma_start3A_147 = arith.constant 0 : i32
        %dma_start3A_148 = arith.constant 0 : i32
        %dma_start3A_149 = tpu.memref_slice %arg2[%dma_start3A_147, %dma_start3A_148] : memref<10000x128xf32, #tpu.memory_space<hbm>> -> memref<10000x128xf32, #tpu.memory_space<hbm>>
        tpu.enqueue_indirect_dma source(%dma_start3A_149 : memref<10000x128xf32, #tpu.memory_space<hbm>>) target(%arg11 : memref<100x128xf32, #tpu.memory_space<vmem>>) offsets(%dma_start3A_146 : memref<100xi32, #tpu.memory_space<vmem>>) semaphore(%arg13 : memref<!tpu.dma_semaphore, #tpu.memory_space<semaphore_mem>>)
      } else {
      }
      "tpu.region"() ({
        %run_scoped3A_142 = tpu.sem_alloc : memref<!tpu.dma_semaphore, #tpu.memory_space<semaphore_mem>>
        %dma_start3A_143 = arith.constant 0 : i32
        %dma_start3A_144 = tpu.memref_slice %arg9[%add3A_128, %dma_start3A_143] : memref<50x100xi32, #tpu.memory_space<vmem>> -> memref<1x100xi32, #tpu.memory_space<vmem>>
        %dma_start3A_145 = tpu.memref_squeeze %dma_start3A_144 : memref<1x100xi32, #tpu.memory_space<vmem>> -> memref<100xi32, #tpu.memory_space<vmem>>
        %dma_start3A_146 = arith.constant 0 : i32
        %dma_start3A_147 = arith.constant 0 : i32
        %dma_start3A_148 = tpu.memref_slice %arg7[%dma_start3A_146, %dma_start3A_147] : memref<10240x128xf32, #tpu.memory_space<vmem_shared>> -> memref<10240x128xf32, #tpu.memory_space<vmem_shared>>
        tpu.enqueue_indirect_dma source(%arg11 : memref<100x128xf32, #tpu.memory_space<vmem>>) target(%dma_start3A_148 : memref<10240x128xf32, #tpu.memory_space<vmem_shared>>) offsets(%dma_start3A_145 : memref<100xi32, #tpu.memory_space<vmem>>) semaphore(%run_scoped3A_142 : memref<!tpu.dma_semaphore, #tpu.memory_space<semaphore_mem>>) {add = true}
        %dma_wait3A_149 = arith.constant 0 : i32
        %dma_wait3A_150 = tpu.memref_slice %arg9[%add3A_128, %dma_wait3A_149] : memref<50x100xi32, #tpu.memory_space<vmem>> -> memref<1x100xi32, #tpu.memory_space<vmem>>
        %dma_wait3A_151 = tpu.memref_squeeze %dma_wait3A_150 : memref<1x100xi32, #tpu.memory_space<vmem>> -> memref<100xi32, #tpu.memory_space<vmem>>
        %dma_wait3A_152 = arith.constant 0 : i32
        %dma_wait3A_153 = arith.constant 0 : i32
        %dma_wait3A_154 = tpu.memref_slice %arg7[%dma_wait3A_152, %dma_wait3A_153] : memref<10240x128xf32, #tpu.memory_space<vmem_shared>> -> memref<10240x128xf32, #tpu.memory_space<vmem_shared>>
        tpu.wait_indirect_dma semaphore(%run_scoped3A_142 : memref<!tpu.dma_semaphore, #tpu.memory_space<semaphore_mem>>) src(%arg11 : memref<100x128xf32, #tpu.memory_space<vmem>>) dst(%dma_wait3A_154 : memref<10240x128xf32, #tpu.memory_space<vmem_shared>>)
        tpu.yield
      }) : () -> ()
    }
    %scan3A_83 = arith.constant 25 : i32
    %run_scoped3A_84 = arith.constant 1 : i32
    "tpu.region"() ({
      %run_scoped3A_111 = tpu.sem_alloc : memref<!tpu.dma_semaphore, #tpu.memory_space<semaphore_mem>>
      %dma_start3A_112 = arith.constant 0 : i32
      %dma_start3A_113 = arith.constant 0 : i32
      %dma_start3A_114 = tpu.memref_slice %arg3[%add3A, %run_scoped3A_84, %dma_start3A_112, %dma_start3A_113] : memref<32x2x50x100xi32, #tpu.memory_space<hbm>> -> memref<1x1x50x100xi32, #tpu.memory_space<hbm>>
      %dma_start3A_115 = tpu.memref_squeeze %dma_start3A_114 : memref<1x1x50x100xi32, #tpu.memory_space<hbm>> -> memref<50x100xi32, #tpu.memory_space<hbm>>
      %dma_start3A_116 = arith.constant 0 : i32
      %dma_start3A_117 = arith.constant 0 : i32
      %dma_start3A_118 = tpu.memref_slice %arg3[%add3A, %run_scoped3A_84, %dma_start3A_116, %dma_start3A_117] : memref<32x2x50x100xi32, #tpu.memory_space<hbm>> -> memref<1x1x50x100xi32, #tpu.memory_space<hbm>>
      %dma_start3A_119 = tpu.memref_squeeze %dma_start3A_118 : memref<1x1x50x100xi32, #tpu.memory_space<hbm>> -> memref<50x100xi32, #tpu.memory_space<hbm>>
      tpu.enqueue_dma source(%dma_start3A_119 : memref<50x100xi32, #tpu.memory_space<hbm>>) target(%arg8 : memref<50x100xi32, #tpu.memory_space<vmem>>) target_semaphore(%run_scoped3A_111 : memref<!tpu.dma_semaphore, #tpu.memory_space<semaphore_mem>>)
      %dma_wait3A = arith.constant 0 : i32
      %dma_wait3A_120 = arith.constant 0 : i32
      %dma_wait3A_121 = tpu.memref_slice %arg3[%add3A, %run_scoped3A_84, %dma_wait3A, %dma_wait3A_120] : memref<32x2x50x100xi32, #tpu.memory_space<hbm>> -> memref<1x1x50x100xi32, #tpu.memory_space<hbm>>
      %dma_wait3A_122 = tpu.memref_squeeze %dma_wait3A_121 : memref<1x1x50x100xi32, #tpu.memory_space<hbm>> -> memref<50x100xi32, #tpu.memory_space<hbm>>
      %dma_wait3A_123 = arith.constant 0 : i32
      %dma_wait3A_124 = arith.constant 0 : i32
      %dma_wait3A_125 = tpu.memref_slice %arg3[%add3A, %run_scoped3A_84, %dma_wait3A_123, %dma_wait3A_124] : memref<32x2x50x100xi32, #tpu.memory_space<hbm>> -> memref<1x1x50x100xi32, #tpu.memory_space<hbm>>
      %dma_wait3A_126 = tpu.memref_squeeze %dma_wait3A_125 : memref<1x1x50x100xi32, #tpu.memory_space<hbm>> -> memref<50x100xi32, #tpu.memory_space<hbm>>
      tpu.wait_dma2 semaphore(%run_scoped3A_111 : memref<!tpu.dma_semaphore, #tpu.memory_space<semaphore_mem>>) src(%dma_wait3A_126 : memref<50x100xi32, #tpu.memory_space<hbm>>) dst(%arg8 : memref<50x100xi32, #tpu.memory_space<vmem>>)
      tpu.yield
    }) : () -> ()
    %run_scoped3A_85 = arith.constant 1 : i32
    "tpu.region"() ({
      %run_scoped3A_111 = tpu.sem_alloc : memref<!tpu.dma_semaphore, #tpu.memory_space<semaphore_mem>>
      %dma_start3A_112 = arith.constant 0 : i32
      %dma_start3A_113 = arith.constant 0 : i32
      %dma_start3A_114 = tpu.memref_slice %arg4[%add3A, %run_scoped3A_85, %dma_start3A_112, %dma_start3A_113] : memref<32x2x50x100xi32, #tpu.memory_space<hbm>> -> memref<1x1x50x100xi32, #tpu.memory_space<hbm>>
      %dma_start3A_115 = tpu.memref_squeeze %dma_start3A_114 : memref<1x1x50x100xi32, #tpu.memory_space<hbm>> -> memref<50x100xi32, #tpu.memory_space<hbm>>
      %dma_start3A_116 = arith.constant 0 : i32
      %dma_start3A_117 = arith.constant 0 : i32
      %dma_start3A_118 = tpu.memref_slice %arg4[%add3A, %run_scoped3A_85, %dma_start3A_116, %dma_start3A_117] : memref<32x2x50x100xi32, #tpu.memory_space<hbm>> -> memref<1x1x50x100xi32, #tpu.memory_space<hbm>>
      %dma_start3A_119 = tpu.memref_squeeze %dma_start3A_118 : memref<1x1x50x100xi32, #tpu.memory_space<hbm>> -> memref<50x100xi32, #tpu.memory_space<hbm>>
      tpu.enqueue_dma source(%dma_start3A_119 : memref<50x100xi32, #tpu.memory_space<hbm>>) target(%arg9 : memref<50x100xi32, #tpu.memory_space<vmem>>) target_semaphore(%run_scoped3A_111 : memref<!tpu.dma_semaphore, #tpu.memory_space<semaphore_mem>>)
      %dma_wait3A = arith.constant 0 : i32
      %dma_wait3A_120 = arith.constant 0 : i32
      %dma_wait3A_121 = tpu.memref_slice %arg4[%add3A, %run_scoped3A_85, %dma_wait3A, %dma_wait3A_120] : memref<32x2x50x100xi32, #tpu.memory_space<hbm>> -> memref<1x1x50x100xi32, #tpu.memory_space<hbm>>
      %dma_wait3A_122 = tpu.memref_squeeze %dma_wait3A_121 : memref<1x1x50x100xi32, #tpu.memory_space<hbm>> -> memref<50x100xi32, #tpu.memory_space<hbm>>
      %dma_wait3A_123 = arith.constant 0 : i32
      %dma_wait3A_124 = arith.constant 0 : i32
      %dma_wait3A_125 = tpu.memref_slice %arg4[%add3A, %run_scoped3A_85, %dma_wait3A_123, %dma_wait3A_124] : memref<32x2x50x100xi32, #tpu.memory_space<hbm>> -> memref<1x1x50x100xi32, #tpu.memory_space<hbm>>
      %dma_wait3A_126 = tpu.memref_squeeze %dma_wait3A_125 : memref<1x1x50x100xi32, #tpu.memory_space<hbm>> -> memref<50x100xi32, #tpu.memory_space<hbm>>
      tpu.wait_dma2 semaphore(%run_scoped3A_111 : memref<!tpu.dma_semaphore, #tpu.memory_space<semaphore_mem>>) src(%dma_wait3A_126 : memref<50x100xi32, #tpu.memory_space<hbm>>) dst(%arg9 : memref<50x100xi32, #tpu.memory_space<vmem>>)
      tpu.yield
    }) : () -> ()
    %dma_start3A_86 = arith.constant 0 : i32
    %dma_start3A_87 = arith.constant 0 : i32
    %dma_start3A_88 = tpu.memref_slice %arg8[%dma_start3A_86, %dma_start3A_87] : memref<50x100xi32, #tpu.memory_space<vmem>> -> memref<1x100xi32, #tpu.memory_space<vmem>>
    %dma_start3A_89 = tpu.memref_squeeze %dma_start3A_88 : memref<1x100xi32, #tpu.memory_space<vmem>> -> memref<100xi32, #tpu.memory_space<vmem>>
    %dma_start3A_90 = arith.constant 0 : i32
    %dma_start3A_91 = arith.constant 0 : i32
    %dma_start3A_92 = tpu.memref_slice %arg2[%dma_start3A_90, %dma_start3A_91] : memref<10000x128xf32, #tpu.memory_space<hbm>> -> memref<10000x128xf32, #tpu.memory_space<hbm>>
    tpu.enqueue_indirect_dma source(%dma_start3A_92 : memref<10000x128xf32, #tpu.memory_space<hbm>>) target(%arg10 : memref<100x128xf32, #tpu.memory_space<vmem>>) offsets(%dma_start3A_89 : memref<100xi32, #tpu.memory_space<vmem>>) semaphore(%arg12 : memref<!tpu.dma_semaphore, #tpu.memory_space<semaphore_mem>>)
    %dma_start3A_93 = arith.constant 1 : i32
    %dma_start3A_94 = arith.constant 0 : i32
    %dma_start3A_95 = tpu.memref_slice %arg8[%dma_start3A_93, %dma_start3A_94] : memref<50x100xi32, #tpu.memory_space<vmem>> -> memref<1x100xi32, #tpu.memory_space<vmem>>
    %dma_start3A_96 = tpu.memref_squeeze %dma_start3A_95 : memref<1x100xi32, #tpu.memory_space<vmem>> -> memref<100xi32, #tpu.memory_space<vmem>>
    %dma_start3A_97 = arith.constant 0 : i32
    %dma_start3A_98 = arith.constant 0 : i32
    %dma_start3A_99 = tpu.memref_slice %arg2[%dma_start3A_97, %dma_start3A_98] : memref<10000x128xf32, #tpu.memory_space<hbm>> -> memref<10000x128xf32, #tpu.memory_space<hbm>>
    tpu.enqueue_indirect_dma source(%dma_start3A_99 : memref<10000x128xf32, #tpu.memory_space<hbm>>) target(%arg11 : memref<100x128xf32, #tpu.memory_space<vmem>>) offsets(%dma_start3A_96 : memref<100xi32, #tpu.memory_space<vmem>>) semaphore(%arg13 : memref<!tpu.dma_semaphore, #tpu.memory_space<semaphore_mem>>)
    %scan3A_100 = arith.constant 0 : i32
    %scan3A_101 = arith.constant 0 : i32
    %scan3A_102 = arith.constant 25 : i32
    %scan3A_103 = arith.addi %scan3A_101, %scan3A_102 : i32
    %scan3A_104 = arith.constant 1 : i32
    scf.for %scan3A_111 = %scan3A_101 to %scan3A_103 step %scan3A_104  : i32 {
      %mul3A_112 = arith.constant 2 : i32
      %mul3A_113 = arith.muli %scan3A_111, %mul3A_112 : i32
      %add3A_114 = arith.constant 0 : i32
      %add3A_115 = arith.addi %mul3A_113, %add3A_114 : i32
      %dma_wait3A = arith.constant 0 : i32
      %dma_wait3A_116 = tpu.memref_slice %arg8[%add3A_115, %dma_wait3A] : memref<50x100xi32, #tpu.memory_space<vmem>> -> memref<1x100xi32, #tpu.memory_space<vmem>>
      %dma_wait3A_117 = tpu.memref_squeeze %dma_wait3A_116 : memref<1x100xi32, #tpu.memory_space<vmem>> -> memref<100xi32, #tpu.memory_space<vmem>>
      %dma_wait3A_118 = arith.constant 0 : i32
      %dma_wait3A_119 = arith.constant 0 : i32
      %dma_wait3A_120 = tpu.memref_slice %arg2[%dma_wait3A_118, %dma_wait3A_119] : memref<10000x128xf32, #tpu.memory_space<hbm>> -> memref<10000x128xf32, #tpu.memory_space<hbm>>
      tpu.wait_indirect_dma semaphore(%arg12 : memref<!tpu.dma_semaphore, #tpu.memory_space<semaphore_mem>>) src(%dma_wait3A_120 : memref<10000x128xf32, #tpu.memory_space<hbm>>) dst(%arg10 : memref<100x128xf32, #tpu.memory_space<vmem>>)
      %add3A_121 = arith.constant 2 : i32
      %add3A_122 = arith.addi %add3A_115, %add3A_121 : i32
      %lt3A = arith.constant 50 : i32
      %lt3A_123 = arith.cmpi slt, %add3A_122, %lt3A : i32
      %convert_element_type3A = arith.extui %lt3A_123 : i1 to i32
      %cond3A = arith.constant 0 : i32
      %cond3A_124 = arith.cmpi ne, %convert_element_type3A, %cond3A : i32
      scf.if %cond3A_124 {
        %add3A_142 = arith.constant 2 : i32
        %add3A_143 = arith.addi %add3A_115, %add3A_142 : i32
        %dma_start3A_144 = arith.constant 0 : i32
        %dma_start3A_145 = tpu.memref_slice %arg8[%add3A_143, %dma_start3A_144] : memref<50x100xi32, #tpu.memory_space<vmem>> -> memref<1x100xi32, #tpu.memory_space<vmem>>
        %dma_start3A_146 = tpu.memref_squeeze %dma_start3A_145 : memref<1x100xi32, #tpu.memory_space<vmem>> -> memref<100xi32, #tpu.memory_space<vmem>>
        %dma_start3A_147 = arith.constant 0 : i32
        %dma_start3A_148 = arith.constant 0 : i32
        %dma_start3A_149 = tpu.memref_slice %arg2[%dma_start3A_147, %dma_start3A_148] : memref<10000x128xf32, #tpu.memory_space<hbm>> -> memref<10000x128xf32, #tpu.memory_space<hbm>>
        tpu.enqueue_indirect_dma source(%dma_start3A_149 : memref<10000x128xf32, #tpu.memory_space<hbm>>) target(%arg10 : memref<100x128xf32, #tpu.memory_space<vmem>>) offsets(%dma_start3A_146 : memref<100xi32, #tpu.memory_space<vmem>>) semaphore(%arg12 : memref<!tpu.dma_semaphore, #tpu.memory_space<semaphore_mem>>)
      } else {
      }
      "tpu.region"() ({
        %run_scoped3A_142 = tpu.sem_alloc : memref<!tpu.dma_semaphore, #tpu.memory_space<semaphore_mem>>
        %dma_start3A_143 = arith.constant 0 : i32
        %dma_start3A_144 = tpu.memref_slice %arg9[%add3A_115, %dma_start3A_143] : memref<50x100xi32, #tpu.memory_space<vmem>> -> memref<1x100xi32, #tpu.memory_space<vmem>>
        %dma_start3A_145 = tpu.memref_squeeze %dma_start3A_144 : memref<1x100xi32, #tpu.memory_space<vmem>> -> memref<100xi32, #tpu.memory_space<vmem>>
        %dma_start3A_146 = arith.constant 0 : i32
        %dma_start3A_147 = arith.constant 0 : i32
        %dma_start3A_148 = tpu.memref_slice %arg7[%dma_start3A_146, %dma_start3A_147] : memref<10240x128xf32, #tpu.memory_space<vmem_shared>> -> memref<10240x128xf32, #tpu.memory_space<vmem_shared>>
        tpu.enqueue_indirect_dma source(%arg10 : memref<100x128xf32, #tpu.memory_space<vmem>>) target(%dma_start3A_148 : memref<10240x128xf32, #tpu.memory_space<vmem_shared>>) offsets(%dma_start3A_145 : memref<100xi32, #tpu.memory_space<vmem>>) semaphore(%run_scoped3A_142 : memref<!tpu.dma_semaphore, #tpu.memory_space<semaphore_mem>>) {add = true}
        %dma_wait3A_149 = arith.constant 0 : i32
        %dma_wait3A_150 = tpu.memref_slice %arg9[%add3A_115, %dma_wait3A_149] : memref<50x100xi32, #tpu.memory_space<vmem>> -> memref<1x100xi32, #tpu.memory_space<vmem>>
        %dma_wait3A_151 = tpu.memref_squeeze %dma_wait3A_150 : memref<1x100xi32, #tpu.memory_space<vmem>> -> memref<100xi32, #tpu.memory_space<vmem>>
        %dma_wait3A_152 = arith.constant 0 : i32
        %dma_wait3A_153 = arith.constant 0 : i32
        %dma_wait3A_154 = tpu.memref_slice %arg7[%dma_wait3A_152, %dma_wait3A_153] : memref<10240x128xf32, #tpu.memory_space<vmem_shared>> -> memref<10240x128xf32, #tpu.memory_space<vmem_shared>>
        tpu.wait_indirect_dma semaphore(%run_scoped3A_142 : memref<!tpu.dma_semaphore, #tpu.memory_space<semaphore_mem>>) src(%arg10 : memref<100x128xf32, #tpu.memory_space<vmem>>) dst(%dma_wait3A_154 : memref<10240x128xf32, #tpu.memory_space<vmem_shared>>)
        tpu.yield
      }) : () -> ()
      %mul3A_125 = arith.constant 2 : i32
      %mul3A_126 = arith.muli %scan3A_111, %mul3A_125 : i32
      %add3A_127 = arith.constant 1 : i32
      %add3A_128 = arith.addi %mul3A_126, %add3A_127 : i32
      %dma_wait3A_129 = arith.constant 0 : i32
      %dma_wait3A_130 = tpu.memref_slice %arg8[%add3A_128, %dma_wait3A_129] : memref<50x100xi32, #tpu.memory_space<vmem>> -> memref<1x100xi32, #tpu.memory_space<vmem>>
      %dma_wait3A_131 = tpu.memref_squeeze %dma_wait3A_130 : memref<1x100xi32, #tpu.memory_space<vmem>> -> memref<100xi32, #tpu.memory_space<vmem>>
      %dma_wait3A_132 = arith.constant 0 : i32
      %dma_wait3A_133 = arith.constant 0 : i32
      %dma_wait3A_134 = tpu.memref_slice %arg2[%dma_wait3A_132, %dma_wait3A_133] : memref<10000x128xf32, #tpu.memory_space<hbm>> -> memref<10000x128xf32, #tpu.memory_space<hbm>>
      tpu.wait_indirect_dma semaphore(%arg13 : memref<!tpu.dma_semaphore, #tpu.memory_space<semaphore_mem>>) src(%dma_wait3A_134 : memref<10000x128xf32, #tpu.memory_space<hbm>>) dst(%arg11 : memref<100x128xf32, #tpu.memory_space<vmem>>)
      %add3A_135 = arith.constant 2 : i32
      %add3A_136 = arith.addi %add3A_128, %add3A_135 : i32
      %lt3A_137 = arith.constant 50 : i32
      %lt3A_138 = arith.cmpi slt, %add3A_136, %lt3A_137 : i32
      %convert_element_type3A_139 = arith.extui %lt3A_138 : i1 to i32
      %cond3A_140 = arith.constant 0 : i32
      %cond3A_141 = arith.cmpi ne, %convert_element_type3A_139, %cond3A_140 : i32
      scf.if %cond3A_141 {
        %add3A_142 = arith.constant 2 : i32
        %add3A_143 = arith.addi %add3A_128, %add3A_142 : i32
        %dma_start3A_144 = arith.constant 0 : i32
        %dma_start3A_145 = tpu.memref_slice %arg8[%add3A_143, %dma_start3A_144] : memref<50x100xi32, #tpu.memory_space<vmem>> -> memref<1x100xi32, #tpu.memory_space<vmem>>
        %dma_start3A_146 = tpu.memref_squeeze %dma_start3A_145 : memref<1x100xi32, #tpu.memory_space<vmem>> -> memref<100xi32, #tpu.memory_space<vmem>>
        %dma_start3A_147 = arith.constant 0 : i32
        %dma_start3A_148 = arith.constant 0 : i32
        %dma_start3A_149 = tpu.memref_slice %arg2[%dma_start3A_147, %dma_start3A_148] : memref<10000x128xf32, #tpu.memory_space<hbm>> -> memref<10000x128xf32, #tpu.memory_space<hbm>>
        tpu.enqueue_indirect_dma source(%dma_start3A_149 : memref<10000x128xf32, #tpu.memory_space<hbm>>) target(%arg11 : memref<100x128xf32, #tpu.memory_space<vmem>>) offsets(%dma_start3A_146 : memref<100xi32, #tpu.memory_space<vmem>>) semaphore(%arg13 : memref<!tpu.dma_semaphore, #tpu.memory_space<semaphore_mem>>)
      } else {
      }
      "tpu.region"() ({
        %run_scoped3A_142 = tpu.sem_alloc : memref<!tpu.dma_semaphore, #tpu.memory_space<semaphore_mem>>
        %dma_start3A_143 = arith.constant 0 : i32
        %dma_start3A_144 = tpu.memref_slice %arg9[%add3A_128, %dma_start3A_143] : memref<50x100xi32, #tpu.memory_space<vmem>> -> memref<1x100xi32, #tpu.memory_space<vmem>>
        %dma_start3A_145 = tpu.memref_squeeze %dma_start3A_144 : memref<1x100xi32, #tpu.memory_space<vmem>> -> memref<100xi32, #tpu.memory_space<vmem>>
        %dma_start3A_146 = arith.constant 0 : i32
        %dma_start3A_147 = arith.constant 0 : i32
        %dma_start3A_148 = tpu.memref_slice %arg7[%dma_start3A_146, %dma_start3A_147] : memref<10240x128xf32, #tpu.memory_space<vmem_shared>> -> memref<10240x128xf32, #tpu.memory_space<vmem_shared>>
        tpu.enqueue_indirect_dma source(%arg11 : memref<100x128xf32, #tpu.memory_space<vmem>>) target(%dma_start3A_148 : memref<10240x128xf32, #tpu.memory_space<vmem_shared>>) offsets(%dma_start3A_145 : memref<100xi32, #tpu.memory_space<vmem>>) semaphore(%run_scoped3A_142 : memref<!tpu.dma_semaphore, #tpu.memory_space<semaphore_mem>>) {add = true}
        %dma_wait3A_149 = arith.constant 0 : i32
        %dma_wait3A_150 = tpu.memref_slice %arg9[%add3A_128, %dma_wait3A_149] : memref<50x100xi32, #tpu.memory_space<vmem>> -> memref<1x100xi32, #tpu.memory_space<vmem>>
        %dma_wait3A_151 = tpu.memref_squeeze %dma_wait3A_150 : memref<1x100xi32, #tpu.memory_space<vmem>> -> memref<100xi32, #tpu.memory_space<vmem>>
        %dma_wait3A_152 = arith.constant 0 : i32
        %dma_wait3A_153 = arith.constant 0 : i32
        %dma_wait3A_154 = tpu.memref_slice %arg7[%dma_wait3A_152, %dma_wait3A_153] : memref<10240x128xf32, #tpu.memory_space<vmem_shared>> -> memref<10240x128xf32, #tpu.memory_space<vmem_shared>>
        tpu.wait_indirect_dma semaphore(%run_scoped3A_142 : memref<!tpu.dma_semaphore, #tpu.memory_space<semaphore_mem>>) src(%arg11 : memref<100x128xf32, #tpu.memory_space<vmem>>) dst(%dma_wait3A_154 : memref<10240x128xf32, #tpu.memory_space<vmem_shared>>)
        tpu.yield
      }) : () -> ()
    }
    %scan3A_105 = arith.constant 25 : i32
    %barrier3A_106 = arith.constant 0 : index
    tpu.barrier barrier_id(%barrier3A_106)
    %mul3A_107 = arith.constant 640 : i32
    %mul3A_108 = arith.muli %arg1, %mul3A_107 : i32
    %mul3A_109 = arith.constant 640 : i32
    %mul3A_110 = arith.muli %arg1, %mul3A_109 : i32
    "tpu.region"() ({
      %run_scoped3A_111 = tpu.sem_alloc : memref<!tpu.dma_semaphore, #tpu.memory_space<semaphore_mem>>
      %dma_start3A_112 = arith.constant 0 : i32
      %dma_start3A_113 = tpu.memref_slice %arg6[%arg0, %mul3A_110, %dma_start3A_112] : memref<2x10240x128xf32, #tpu.memory_space<hbm>> -> memref<1x640x128xf32, #tpu.memory_space<hbm>>
      %dma_start3A_114 = tpu.memref_squeeze %dma_start3A_113 : memref<1x640x128xf32, #tpu.memory_space<hbm>> -> memref<640x128xf32, #tpu.memory_space<hbm>>
      %dma_start3A_115 = arith.constant 0 : i32
      %dma_start3A_116 = tpu.memref_slice %arg7[%mul3A_108, %dma_start3A_115] : memref<10240x128xf32, #tpu.memory_space<vmem_shared>> -> memref<640x128xf32, #tpu.memory_space<vmem_shared>>
      tpu.enqueue_dma source(%dma_start3A_116 : memref<640x128xf32, #tpu.memory_space<vmem_shared>>) target(%dma_start3A_114 : memref<640x128xf32, #tpu.memory_space<hbm>>) target_semaphore(%run_scoped3A_111 : memref<!tpu.dma_semaphore, #tpu.memory_space<semaphore_mem>>)
      %dma_wait3A = arith.constant 0 : i32
      %dma_wait3A_117 = tpu.memref_slice %arg6[%arg0, %mul3A_110, %dma_wait3A] : memref<2x10240x128xf32, #tpu.memory_space<hbm>> -> memref<1x640x128xf32, #tpu.memory_space<hbm>>
      %dma_wait3A_118 = tpu.memref_squeeze %dma_wait3A_117 : memref<1x640x128xf32, #tpu.memory_space<hbm>> -> memref<640x128xf32, #tpu.memory_space<hbm>>
      %dma_wait3A_119 = arith.constant 0 : i32
      %dma_wait3A_120 = tpu.memref_slice %arg7[%mul3A_108, %dma_wait3A_119] : memref<10240x128xf32, #tpu.memory_space<vmem_shared>> -> memref<640x128xf32, #tpu.memory_space<vmem_shared>>
      tpu.wait_dma2 semaphore(%run_scoped3A_111 : memref<!tpu.dma_semaphore, #tpu.memory_space<semaphore_mem>>) src(%dma_wait3A_120 : memref<640x128xf32, #tpu.memory_space<vmem_shared>>) dst(%dma_wait3A_118 : memref<640x128xf32, #tpu.memory_space<hbm>>)
      tpu.yield
    }) : () -> ()
    return
  }
}

#map = affine_map<(d0, d1) -> (0, 0, 0)>
#map1 = affine_map<(d0, d1) -> (0, 0)>
module attributes {stable_mosaic.version = 14 : i64} {
  func.func @_deg_body(%arg0: i32, %arg1: i32, %arg2: memref<32x80x128xi32, #tpu.memory_space<hbm>>, %arg3: memref<80x128xf32, #tpu.memory_space<hbm>>, %arg4: memref<32x80x128xf32, #tpu.memory_space<hbm>>, %arg5: memref<80x128xf32, #tpu.memory_space<vmem>>, %arg6: memref<80x128xi32, #tpu.memory_space<vmem>>) attributes {dimension_semantics = [#tpu.dimension_semantics<core_parallel>, #tpu.dimension_semantics<subcore_parallel>], iteration_bounds = array<i64: 2, 16>, scalar_prefetch = 0 : i64, scratch_operands = 2 : i64, tpu.core_type = #tpu.core_type<sc_vector_subcore>, window_params = [{transform_indices = #map}, {transform_indices = #map1}, {transform_indices = #map}]} {
    %mul3A = arith.constant 16 : i32
    %mul3A_0 = arith.muli %arg0, %mul3A : i32
    %add3A = arith.addi %mul3A_0, %arg1 : i32
    "tpu.region"() ({
      %run_scoped3A = tpu.sem_alloc : memref<!tpu.dma_semaphore, #tpu.memory_space<semaphore_mem>>
      tpu.enqueue_dma source(%arg3 : memref<80x128xf32, #tpu.memory_space<hbm>>) target(%arg5 : memref<80x128xf32, #tpu.memory_space<vmem>>) target_semaphore(%run_scoped3A : memref<!tpu.dma_semaphore, #tpu.memory_space<semaphore_mem>>)
      tpu.wait_dma2 semaphore(%run_scoped3A : memref<!tpu.dma_semaphore, #tpu.memory_space<semaphore_mem>>) src(%arg3 : memref<80x128xf32, #tpu.memory_space<hbm>>) dst(%arg5 : memref<80x128xf32, #tpu.memory_space<vmem>>)
      tpu.yield
    }) : () -> ()
    "tpu.region"() ({
      %run_scoped3A = tpu.sem_alloc : memref<!tpu.dma_semaphore, #tpu.memory_space<semaphore_mem>>
      %dma_start3A = arith.constant 0 : i32
      %dma_start3A_7 = arith.constant 0 : i32
      %dma_start3A_8 = tpu.memref_slice %arg2[%add3A, %dma_start3A, %dma_start3A_7] : memref<32x80x128xi32, #tpu.memory_space<hbm>> -> memref<1x80x128xi32, #tpu.memory_space<hbm>>
      %dma_start3A_9 = tpu.memref_squeeze %dma_start3A_8 : memref<1x80x128xi32, #tpu.memory_space<hbm>> -> memref<80x128xi32, #tpu.memory_space<hbm>>
      %dma_start3A_10 = arith.constant 0 : i32
      %dma_start3A_11 = arith.constant 0 : i32
      %dma_start3A_12 = tpu.memref_slice %arg2[%add3A, %dma_start3A_10, %dma_start3A_11] : memref<32x80x128xi32, #tpu.memory_space<hbm>> -> memref<1x80x128xi32, #tpu.memory_space<hbm>>
      %dma_start3A_13 = tpu.memref_squeeze %dma_start3A_12 : memref<1x80x128xi32, #tpu.memory_space<hbm>> -> memref<80x128xi32, #tpu.memory_space<hbm>>
      tpu.enqueue_dma source(%dma_start3A_13 : memref<80x128xi32, #tpu.memory_space<hbm>>) target(%arg6 : memref<80x128xi32, #tpu.memory_space<vmem>>) target_semaphore(%run_scoped3A : memref<!tpu.dma_semaphore, #tpu.memory_space<semaphore_mem>>)
      %dma_wait3A = arith.constant 0 : i32
      %dma_wait3A_14 = arith.constant 0 : i32
      %dma_wait3A_15 = tpu.memref_slice %arg2[%add3A, %dma_wait3A, %dma_wait3A_14] : memref<32x80x128xi32, #tpu.memory_space<hbm>> -> memref<1x80x128xi32, #tpu.memory_space<hbm>>
      %dma_wait3A_16 = tpu.memref_squeeze %dma_wait3A_15 : memref<1x80x128xi32, #tpu.memory_space<hbm>> -> memref<80x128xi32, #tpu.memory_space<hbm>>
      %dma_wait3A_17 = arith.constant 0 : i32
      %dma_wait3A_18 = arith.constant 0 : i32
      %dma_wait3A_19 = tpu.memref_slice %arg2[%add3A, %dma_wait3A_17, %dma_wait3A_18] : memref<32x80x128xi32, #tpu.memory_space<hbm>> -> memref<1x80x128xi32, #tpu.memory_space<hbm>>
      %dma_wait3A_20 = tpu.memref_squeeze %dma_wait3A_19 : memref<1x80x128xi32, #tpu.memory_space<hbm>> -> memref<80x128xi32, #tpu.memory_space<hbm>>
      tpu.wait_dma2 semaphore(%run_scoped3A : memref<!tpu.dma_semaphore, #tpu.memory_space<semaphore_mem>>) src(%dma_wait3A_20 : memref<80x128xi32, #tpu.memory_space<hbm>>) dst(%arg6 : memref<80x128xi32, #tpu.memory_space<vmem>>)
      tpu.yield
    }) : () -> ()
    %broadcast_in_dim3A = arith.constant 1.000000e+00 : f32
    %broadcast_in_dim3A_1 = vector.broadcast %broadcast_in_dim3A : f32 to vector<16xf32>
    %scan3A = arith.constant 0 : i32
    %scan3A_2 = arith.constant 0 : i32
    %scan3A_3 = arith.constant 80 : i32
    %scan3A_4 = arith.addi %scan3A_2, %scan3A_3 : i32
    %scan3A_5 = arith.constant 1 : i32
    scf.for %scan3A_7 = %scan3A_2 to %scan3A_4 step %scan3A_5  : i32 {
      %get3A = arith.index_cast %scan3A_7 : i32 to index
      %get3A_8 = arith.constant 0 : index
      %get3A_9 = tpu.vector_load %arg6[%get3A, %get3A_8] {strides = array<i32>} : memref<80x128xi32, #tpu.memory_space<vmem>>, vector<16xi32>,
      %shift_right_logical3A = arith.constant 7 : i32
      %shift_right_logical3A_10 = vector.broadcast %shift_right_logical3A : i32 to vector<16xi32>
      %shift_right_logical3A_11 = arith.shrui %get3A_9, %shift_right_logical3A_10 : vector<16xi32>
      %and3A = arith.constant 127 : i32
      %and3A_12 = vector.broadcast %and3A : i32 to vector<16xi32>
      %and3A_13 = arith.andi %get3A_9, %and3A_12 : vector<16xi32>
      tpu.vector_store_idx %arg5[%shift_right_logical3A_11, %and3A_13], %broadcast_in_dim3A_1 {add = true} : memref<80x128xf32, #tpu.memory_space<vmem>>[vector<16xi32>, vector<16xi32>], vector<16xf32>,
      %get3A_14 = arith.index_cast %scan3A_7 : i32 to index
      %get3A_15 = arith.constant 16 : index
      %get3A_16 = tpu.vector_load %arg6[%get3A_14, %get3A_15] {strides = array<i32>} : memref<80x128xi32, #tpu.memory_space<vmem>>, vector<16xi32>,
      %shift_right_logical3A_17 = arith.constant 7 : i32
      %shift_right_logical3A_18 = vector.broadcast %shift_right_logical3A_17 : i32 to vector<16xi32>
      %shift_right_logical3A_19 = arith.shrui %get3A_16, %shift_right_logical3A_18 : vector<16xi32>
      %and3A_20 = arith.constant 127 : i32
      %and3A_21 = vector.broadcast %and3A_20 : i32 to vector<16xi32>
      %and3A_22 = arith.andi %get3A_16, %and3A_21 : vector<16xi32>
      tpu.vector_store_idx %arg5[%shift_right_logical3A_19, %and3A_22], %broadcast_in_dim3A_1 {add = true} : memref<80x128xf32, #tpu.memory_space<vmem>>[vector<16xi32>, vector<16xi32>], vector<16xf32>,
      %get3A_23 = arith.index_cast %scan3A_7 : i32 to index
      %get3A_24 = arith.constant 32 : index
      %get3A_25 = tpu.vector_load %arg6[%get3A_23, %get3A_24] {strides = array<i32>} : memref<80x128xi32, #tpu.memory_space<vmem>>, vector<16xi32>,
      %shift_right_logical3A_26 = arith.constant 7 : i32
      %shift_right_logical3A_27 = vector.broadcast %shift_right_logical3A_26 : i32 to vector<16xi32>
      %shift_right_logical3A_28 = arith.shrui %get3A_25, %shift_right_logical3A_27 : vector<16xi32>
      %and3A_29 = arith.constant 127 : i32
      %and3A_30 = vector.broadcast %and3A_29 : i32 to vector<16xi32>
      %and3A_31 = arith.andi %get3A_25, %and3A_30 : vector<16xi32>
      tpu.vector_store_idx %arg5[%shift_right_logical3A_28, %and3A_31], %broadcast_in_dim3A_1 {add = true} : memref<80x128xf32, #tpu.memory_space<vmem>>[vector<16xi32>, vector<16xi32>], vector<16xf32>,
      %get3A_32 = arith.index_cast %scan3A_7 : i32 to index
      %get3A_33 = arith.constant 48 : index
      %get3A_34 = tpu.vector_load %arg6[%get3A_32, %get3A_33] {strides = array<i32>} : memref<80x128xi32, #tpu.memory_space<vmem>>, vector<16xi32>,
      %shift_right_logical3A_35 = arith.constant 7 : i32
      %shift_right_logical3A_36 = vector.broadcast %shift_right_logical3A_35 : i32 to vector<16xi32>
      %shift_right_logical3A_37 = arith.shrui %get3A_34, %shift_right_logical3A_36 : vector<16xi32>
      %and3A_38 = arith.constant 127 : i32
      %and3A_39 = vector.broadcast %and3A_38 : i32 to vector<16xi32>
      %and3A_40 = arith.andi %get3A_34, %and3A_39 : vector<16xi32>
      tpu.vector_store_idx %arg5[%shift_right_logical3A_37, %and3A_40], %broadcast_in_dim3A_1 {add = true} : memref<80x128xf32, #tpu.memory_space<vmem>>[vector<16xi32>, vector<16xi32>], vector<16xf32>,
      %get3A_41 = arith.index_cast %scan3A_7 : i32 to index
      %get3A_42 = arith.constant 64 : index
      %get3A_43 = tpu.vector_load %arg6[%get3A_41, %get3A_42] {strides = array<i32>} : memref<80x128xi32, #tpu.memory_space<vmem>>, vector<16xi32>,
      %shift_right_logical3A_44 = arith.constant 7 : i32
      %shift_right_logical3A_45 = vector.broadcast %shift_right_logical3A_44 : i32 to vector<16xi32>
      %shift_right_logical3A_46 = arith.shrui %get3A_43, %shift_right_logical3A_45 : vector<16xi32>
      %and3A_47 = arith.constant 127 : i32
      %and3A_48 = vector.broadcast %and3A_47 : i32 to vector<16xi32>
      %and3A_49 = arith.andi %get3A_43, %and3A_48 : vector<16xi32>
      tpu.vector_store_idx %arg5[%shift_right_logical3A_46, %and3A_49], %broadcast_in_dim3A_1 {add = true} : memref<80x128xf32, #tpu.memory_space<vmem>>[vector<16xi32>, vector<16xi32>], vector<16xf32>,
      %get3A_50 = arith.index_cast %scan3A_7 : i32 to index
      %get3A_51 = arith.constant 80 : index
      %get3A_52 = tpu.vector_load %arg6[%get3A_50, %get3A_51] {strides = array<i32>} : memref<80x128xi32, #tpu.memory_space<vmem>>, vector<16xi32>,
      %shift_right_logical3A_53 = arith.constant 7 : i32
      %shift_right_logical3A_54 = vector.broadcast %shift_right_logical3A_53 : i32 to vector<16xi32>
      %shift_right_logical3A_55 = arith.shrui %get3A_52, %shift_right_logical3A_54 : vector<16xi32>
      %and3A_56 = arith.constant 127 : i32
      %and3A_57 = vector.broadcast %and3A_56 : i32 to vector<16xi32>
      %and3A_58 = arith.andi %get3A_52, %and3A_57 : vector<16xi32>
      tpu.vector_store_idx %arg5[%shift_right_logical3A_55, %and3A_58], %broadcast_in_dim3A_1 {add = true} : memref<80x128xf32, #tpu.memory_space<vmem>>[vector<16xi32>, vector<16xi32>], vector<16xf32>,
      %get3A_59 = arith.index_cast %scan3A_7 : i32 to index
      %get3A_60 = arith.constant 96 : index
      %get3A_61 = tpu.vector_load %arg6[%get3A_59, %get3A_60] {strides = array<i32>} : memref<80x128xi32, #tpu.memory_space<vmem>>, vector<16xi32>,
      %shift_right_logical3A_62 = arith.constant 7 : i32
      %shift_right_logical3A_63 = vector.broadcast %shift_right_logical3A_62 : i32 to vector<16xi32>
      %shift_right_logical3A_64 = arith.shrui %get3A_61, %shift_right_logical3A_63 : vector<16xi32>
      %and3A_65 = arith.constant 127 : i32
      %and3A_66 = vector.broadcast %and3A_65 : i32 to vector<16xi32>
      %and3A_67 = arith.andi %get3A_61, %and3A_66 : vector<16xi32>
      tpu.vector_store_idx %arg5[%shift_right_logical3A_64, %and3A_67], %broadcast_in_dim3A_1 {add = true} : memref<80x128xf32, #tpu.memory_space<vmem>>[vector<16xi32>, vector<16xi32>], vector<16xf32>,
      %get3A_68 = arith.index_cast %scan3A_7 : i32 to index
      %get3A_69 = arith.constant 112 : index
      %get3A_70 = tpu.vector_load %arg6[%get3A_68, %get3A_69] {strides = array<i32>} : memref<80x128xi32, #tpu.memory_space<vmem>>, vector<16xi32>,
      %shift_right_logical3A_71 = arith.constant 7 : i32
      %shift_right_logical3A_72 = vector.broadcast %shift_right_logical3A_71 : i32 to vector<16xi32>
      %shift_right_logical3A_73 = arith.shrui %get3A_70, %shift_right_logical3A_72 : vector<16xi32>
      %and3A_74 = arith.constant 127 : i32
      %and3A_75 = vector.broadcast %and3A_74 : i32 to vector<16xi32>
      %and3A_76 = arith.andi %get3A_70, %and3A_75 : vector<16xi32>
      tpu.vector_store_idx %arg5[%shift_right_logical3A_73, %and3A_76], %broadcast_in_dim3A_1 {add = true} : memref<80x128xf32, #tpu.memory_space<vmem>>[vector<16xi32>, vector<16xi32>], vector<16xf32>,
    }
    %scan3A_6 = arith.constant 80 : i32
    "tpu.region"() ({
      %run_scoped3A = tpu.sem_alloc : memref<!tpu.dma_semaphore, #tpu.memory_space<semaphore_mem>>
      %dma_start3A = arith.constant 0 : i32
      %dma_start3A_7 = arith.constant 0 : i32
      %dma_start3A_8 = tpu.memref_slice %arg4[%add3A, %dma_start3A, %dma_start3A_7] : memref<32x80x128xf32, #tpu.memory_space<hbm>> -> memref<1x80x128xf32, #tpu.memory_space<hbm>>
      %dma_start3A_9 = tpu.memref_squeeze %dma_start3A_8 : memref<1x80x128xf32, #tpu.memory_space<hbm>> -> memref<80x128xf32, #tpu.memory_space<hbm>>
      %dma_start3A_10 = arith.constant 0 : i32
      %dma_start3A_11 = arith.constant 0 : i32
      %dma_start3A_12 = tpu.memref_slice %arg4[%add3A, %dma_start3A_10, %dma_start3A_11] : memref<32x80x128xf32, #tpu.memory_space<hbm>> -> memref<1x80x128xf32, #tpu.memory_space<hbm>>
      %dma_start3A_13 = tpu.memref_squeeze %dma_start3A_12 : memref<1x80x128xf32, #tpu.memory_space<hbm>> -> memref<80x128xf32, #tpu.memory_space<hbm>>
      tpu.enqueue_dma source(%arg5 : memref<80x128xf32, #tpu.memory_space<vmem>>) target(%dma_start3A_13 : memref<80x128xf32, #tpu.memory_space<hbm>>) target_semaphore(%run_scoped3A : memref<!tpu.dma_semaphore, #tpu.memory_space<semaphore_mem>>)
      %dma_wait3A = arith.constant 0 : i32
      %dma_wait3A_14 = arith.constant 0 : i32
      %dma_wait3A_15 = tpu.memref_slice %arg4[%add3A, %dma_wait3A, %dma_wait3A_14] : memref<32x80x128xf32, #tpu.memory_space<hbm>> -> memref<1x80x128xf32, #tpu.memory_space<hbm>>
      %dma_wait3A_16 = tpu.memref_squeeze %dma_wait3A_15 : memref<1x80x128xf32, #tpu.memory_space<hbm>> -> memref<80x128xf32, #tpu.memory_space<hbm>>
      %dma_wait3A_17 = arith.constant 0 : i32
      %dma_wait3A_18 = arith.constant 0 : i32
      %dma_wait3A_19 = tpu.memref_slice %arg4[%add3A, %dma_wait3A_17, %dma_wait3A_18] : memref<32x80x128xf32, #tpu.memory_space<hbm>> -> memref<1x80x128xf32, #tpu.memory_space<hbm>>
      %dma_wait3A_20 = tpu.memref_squeeze %dma_wait3A_19 : memref<1x80x128xf32, #tpu.memory_space<hbm>> -> memref<80x128xf32, #tpu.memory_space<hbm>>
      tpu.wait_dma2 semaphore(%run_scoped3A : memref<!tpu.dma_semaphore, #tpu.memory_space<semaphore_mem>>) src(%arg5 : memref<80x128xf32, #tpu.memory_space<vmem>>) dst(%dma_wait3A_20 : memref<80x128xf32, #tpu.memory_space<hbm>>)
      tpu.yield
    }) : () -> ()
    return
  }
}

#map = affine_map<(d0, d1) -> (0, 0)>
#map1 = affine_map<(d0, d1) -> (0, 0, 0, 0)>
#map2 = affine_map<(d0, d1) -> (0, 0, 0)>
module attributes {stable_mosaic.version = 14 : i64} {
  func.func @_scatter_body(%arg0: i32, %arg1: i32, %arg2: memref<10000x128xf32, #tpu.memory_space<hbm>>, %arg3: memref<32x2x50x100xi32, #tpu.memory_space<hbm>>, %arg4: memref<32x2x50x100xi32, #tpu.memory_space<hbm>>, %arg5: memref<100x128xf32, #tpu.memory_space<hbm>>, %arg6: memref<2x10240x128xf32, #tpu.memory_space<hbm>>, %arg7: memref<10240x128xf32, #tpu.memory_space<vmem_shared>>, %arg8: memref<50x100xi32, #tpu.memory_space<vmem>>, %arg9: memref<50x100xi32, #tpu.memory_space<vmem>>, %arg10: memref<100x128xf32, #tpu.memory_space<vmem>>, %arg11: memref<100x128xf32, #tpu.memory_space<vmem>>, %arg12: memref<!tpu.dma_semaphore, #tpu.memory_space<semaphore_mem>>, %arg13: memref<!tpu.dma_semaphore, #tpu.memory_space<semaphore_mem>>) attributes {dimension_semantics = [#tpu.dimension_semantics<core_parallel>, #tpu.dimension_semantics<subcore_parallel>], iteration_bounds = array<i64: 2, 16>, scalar_prefetch = 0 : i64, scratch_operands = 7 : i64, tpu.core_type = #tpu.core_type<sc_vector_subcore>, window_params = [{transform_indices = #map}, {transform_indices = #map1}, {transform_indices = #map1}, {transform_indices = #map}, {transform_indices = #map2}]} {
    %mul3A = arith.constant 16 : i32
    %mul3A_0 = arith.muli %arg0, %mul3A : i32
    %add3A = arith.addi %mul3A_0, %arg1 : i32
    "tpu.region"() ({
      %run_scoped3A_111 = tpu.sem_alloc : memref<!tpu.dma_semaphore, #tpu.memory_space<semaphore_mem>>
      tpu.enqueue_dma source(%arg5 : memref<100x128xf32, #tpu.memory_space<hbm>>) target(%arg10 : memref<100x128xf32, #tpu.memory_space<vmem>>) target_semaphore(%run_scoped3A_111 : memref<!tpu.dma_semaphore, #tpu.memory_space<semaphore_mem>>)
      tpu.wait_dma2 semaphore(%run_scoped3A_111 : memref<!tpu.dma_semaphore, #tpu.memory_space<semaphore_mem>>) src(%arg5 : memref<100x128xf32, #tpu.memory_space<hbm>>) dst(%arg10 : memref<100x128xf32, #tpu.memory_space<vmem>>)
      tpu.yield
    }) : () -> ()
    %mul3A_1 = arith.constant 640 : i32
    %mul3A_2 = arith.muli %arg1, %mul3A_1 : i32
    %add3A_3 = arith.constant 0 : i32
    %add3A_4 = arith.addi %mul3A_2, %add3A_3 : i32
    "tpu.region"() ({
      %run_scoped3A_111 = tpu.sem_alloc : memref<!tpu.dma_semaphore, #tpu.memory_space<semaphore_mem>>
      %dma_start3A_112 = arith.constant 0 : i32
      %dma_start3A_113 = arith.constant 0 : i32
      %dma_start3A_114 = tpu.memref_slice %arg10[%dma_start3A_112, %dma_start3A_113] : memref<100x128xf32, #tpu.memory_space<vmem>> -> memref<40x128xf32, #tpu.memory_space<vmem>>
      %dma_start3A_115 = arith.constant 0 : i32
      %dma_start3A_116 = tpu.memref_slice %arg7[%add3A_4, %dma_start3A_115] : memref<10240x128xf32, #tpu.memory_space<vmem_shared>> -> memref<40x128xf32, #tpu.memory_space<vmem_shared>>
      %dma_start3A_117 = arith.constant 0 : i32
      %dma_start3A_118 = tpu.memref_slice %arg7[%add3A_4, %dma_start3A_117] : memref<10240x128xf32, #tpu.memory_space<vmem_shared>> -> memref<40x128xf32, #tpu.memory_space<vmem_shared>>
      %dma_start3A_119 = arith.constant 0 : i32
      %dma_start3A_120 = arith.constant 0 : i32
      %dma_start3A_121 = tpu.memref_slice %arg10[%dma_start3A_119, %dma_start3A_120] : memref<100x128xf32, #tpu.memory_space<vmem>> -> memref<40x128xf32, #tpu.memory_space<vmem>>
      tpu.enqueue_dma source(%dma_start3A_121 : memref<40x128xf32, #tpu.memory_space<vmem>>) target(%dma_start3A_118 : memref<40x128xf32, #tpu.memory_space<vmem_shared>>) target_semaphore(%run_scoped3A_111 : memref<!tpu.dma_semaphore, #tpu.memory_space<semaphore_mem>>)
      %dma_wait3A = arith.constant 0 : i32
      %dma_wait3A_122 = arith.constant 0 : i32
      %dma_wait3A_123 = tpu.memref_slice %arg10[%dma_wait3A, %dma_wait3A_122] : memref<100x128xf32, #tpu.memory_space<vmem>> -> memref<40x128xf32, #tpu.memory_space<vmem>>
      %dma_wait3A_124 = arith.constant 0 : i32
      %dma_wait3A_125 = tpu.memref_slice %arg7[%add3A_4, %dma_wait3A_124] : memref<10240x128xf32, #tpu.memory_space<vmem_shared>> -> memref<40x128xf32, #tpu.memory_space<vmem_shared>>
      %dma_wait3A_126 = arith.constant 0 : i32
      %dma_wait3A_127 = tpu.memref_slice %arg7[%add3A_4, %dma_wait3A_126] : memref<10240x128xf32, #tpu.memory_space<vmem_shared>> -> memref<40x128xf32, #tpu.memory_space<vmem_shared>>
      %dma_wait3A_128 = arith.constant 0 : i32
      %dma_wait3A_129 = arith.constant 0 : i32
      %dma_wait3A_130 = tpu.memref_slice %arg10[%dma_wait3A_128, %dma_wait3A_129] : memref<100x128xf32, #tpu.memory_space<vmem>> -> memref<40x128xf32, #tpu.memory_space<vmem>>
      tpu.wait_dma2 semaphore(%run_scoped3A_111 : memref<!tpu.dma_semaphore, #tpu.memory_space<semaphore_mem>>) src(%dma_wait3A_130 : memref<40x128xf32, #tpu.memory_space<vmem>>) dst(%dma_wait3A_127 : memref<40x128xf32, #tpu.memory_space<vmem_shared>>)
      tpu.yield
    }) : () -> ()
    %mul3A_5 = arith.constant 640 : i32
    %mul3A_6 = arith.muli %arg1, %mul3A_5 : i32
    %add3A_7 = arith.constant 40 : i32
    %add3A_8 = arith.addi %mul3A_6, %add3A_7 : i32
    "tpu.region"() ({
      %run_scoped3A_111 = tpu.sem_alloc : memref<!tpu.dma_semaphore, #tpu.memory_space<semaphore_mem>>
      %dma_start3A_112 = arith.constant 0 : i32
      %dma_start3A_113 = arith.constant 0 : i32
      %dma_start3A_114 = tpu.memref_slice %arg10[%dma_start3A_112, %dma_start3A_113] : memref<100x128xf32, #tpu.memory_space<vmem>> -> memref<40x128xf32, #tpu.memory_space<vmem>>
      %dma_start3A_115 = arith.constant 0 : i32
      %dma_start3A_116 = tpu.memref_slice %arg7[%add3A_8, %dma_start3A_115] : memref<10240x128xf32, #tpu.memory_space<vmem_shared>> -> memref<40x128xf32, #tpu.memory_space<vmem_shared>>
      %dma_start3A_117 = arith.constant 0 : i32
      %dma_start3A_118 = tpu.memref_slice %arg7[%add3A_8, %dma_start3A_117] : memref<10240x128xf32, #tpu.memory_space<vmem_shared>> -> memref<40x128xf32, #tpu.memory_space<vmem_shared>>
      %dma_start3A_119 = arith.constant 0 : i32
      %dma_start3A_120 = arith.constant 0 : i32
      %dma_start3A_121 = tpu.memref_slice %arg10[%dma_start3A_119, %dma_start3A_120] : memref<100x128xf32, #tpu.memory_space<vmem>> -> memref<40x128xf32, #tpu.memory_space<vmem>>
      tpu.enqueue_dma source(%dma_start3A_121 : memref<40x128xf32, #tpu.memory_space<vmem>>) target(%dma_start3A_118 : memref<40x128xf32, #tpu.memory_space<vmem_shared>>) target_semaphore(%run_scoped3A_111 : memref<!tpu.dma_semaphore, #tpu.memory_space<semaphore_mem>>)
      %dma_wait3A = arith.constant 0 : i32
      %dma_wait3A_122 = arith.constant 0 : i32
      %dma_wait3A_123 = tpu.memref_slice %arg10[%dma_wait3A, %dma_wait3A_122] : memref<100x128xf32, #tpu.memory_space<vmem>> -> memref<40x128xf32, #tpu.memory_space<vmem>>
      %dma_wait3A_124 = arith.constant 0 : i32
      %dma_wait3A_125 = tpu.memref_slice %arg7[%add3A_8, %dma_wait3A_124] : memref<10240x128xf32, #tpu.memory_space<vmem_shared>> -> memref<40x128xf32, #tpu.memory_space<vmem_shared>>
      %dma_wait3A_126 = arith.constant 0 : i32
      %dma_wait3A_127 = tpu.memref_slice %arg7[%add3A_8, %dma_wait3A_126] : memref<10240x128xf32, #tpu.memory_space<vmem_shared>> -> memref<40x128xf32, #tpu.memory_space<vmem_shared>>
      %dma_wait3A_128 = arith.constant 0 : i32
      %dma_wait3A_129 = arith.constant 0 : i32
      %dma_wait3A_130 = tpu.memref_slice %arg10[%dma_wait3A_128, %dma_wait3A_129] : memref<100x128xf32, #tpu.memory_space<vmem>> -> memref<40x128xf32, #tpu.memory_space<vmem>>
      tpu.wait_dma2 semaphore(%run_scoped3A_111 : memref<!tpu.dma_semaphore, #tpu.memory_space<semaphore_mem>>) src(%dma_wait3A_130 : memref<40x128xf32, #tpu.memory_space<vmem>>) dst(%dma_wait3A_127 : memref<40x128xf32, #tpu.memory_space<vmem_shared>>)
      tpu.yield
    }) : () -> ()
    %mul3A_9 = arith.constant 640 : i32
    %mul3A_10 = arith.muli %arg1, %mul3A_9 : i32
    %add3A_11 = arith.constant 80 : i32
    %add3A_12 = arith.addi %mul3A_10, %add3A_11 : i32
    "tpu.region"() ({
      %run_scoped3A_111 = tpu.sem_alloc : memref<!tpu.dma_semaphore, #tpu.memory_space<semaphore_mem>>
      %dma_start3A_112 = arith.constant 0 : i32
      %dma_start3A_113 = arith.constant 0 : i32
      %dma_start3A_114 = tpu.memref_slice %arg10[%dma_start3A_112, %dma_start3A_113] : memref<100x128xf32, #tpu.memory_space<vmem>> -> memref<40x128xf32, #tpu.memory_space<vmem>>
      %dma_start3A_115 = arith.constant 0 : i32
      %dma_start3A_116 = tpu.memref_slice %arg7[%add3A_12, %dma_start3A_115] : memref<10240x128xf32, #tpu.memory_space<vmem_shared>> -> memref<40x128xf32, #tpu.memory_space<vmem_shared>>
      %dma_start3A_117 = arith.constant 0 : i32
      %dma_start3A_118 = tpu.memref_slice %arg7[%add3A_12, %dma_start3A_117] : memref<10240x128xf32, #tpu.memory_space<vmem_shared>> -> memref<40x128xf32, #tpu.memory_space<vmem_shared>>
      %dma_start3A_119 = arith.constant 0 : i32
      %dma_start3A_120 = arith.constant 0 : i32
      %dma_start3A_121 = tpu.memref_slice %arg10[%dma_start3A_119, %dma_start3A_120] : memref<100x128xf32, #tpu.memory_space<vmem>> -> memref<40x128xf32, #tpu.memory_space<vmem>>
      tpu.enqueue_dma source(%dma_start3A_121 : memref<40x128xf32, #tpu.memory_space<vmem>>) target(%dma_start3A_118 : memref<40x128xf32, #tpu.memory_space<vmem_shared>>) target_semaphore(%run_scoped3A_111 : memref<!tpu.dma_semaphore, #tpu.memory_space<semaphore_mem>>)
      %dma_wait3A = arith.constant 0 : i32
      %dma_wait3A_122 = arith.constant 0 : i32
      %dma_wait3A_123 = tpu.memref_slice %arg10[%dma_wait3A, %dma_wait3A_122] : memref<100x128xf32, #tpu.memory_space<vmem>> -> memref<40x128xf32, #tpu.memory_space<vmem>>
      %dma_wait3A_124 = arith.constant 0 : i32
      %dma_wait3A_125 = tpu.memref_slice %arg7[%add3A_12, %dma_wait3A_124] : memref<10240x128xf32, #tpu.memory_space<vmem_shared>> -> memref<40x128xf32, #tpu.memory_space<vmem_shared>>
      %dma_wait3A_126 = arith.constant 0 : i32
      %dma_wait3A_127 = tpu.memref_slice %arg7[%add3A_12, %dma_wait3A_126] : memref<10240x128xf32, #tpu.memory_space<vmem_shared>> -> memref<40x128xf32, #tpu.memory_space<vmem_shared>>
      %dma_wait3A_128 = arith.constant 0 : i32
      %dma_wait3A_129 = arith.constant 0 : i32
      %dma_wait3A_130 = tpu.memref_slice %arg10[%dma_wait3A_128, %dma_wait3A_129] : memref<100x128xf32, #tpu.memory_space<vmem>> -> memref<40x128xf32, #tpu.memory_space<vmem>>
      tpu.wait_dma2 semaphore(%run_scoped3A_111 : memref<!tpu.dma_semaphore, #tpu.memory_space<semaphore_mem>>) src(%dma_wait3A_130 : memref<40x128xf32, #tpu.memory_space<vmem>>) dst(%dma_wait3A_127 : memref<40x128xf32, #tpu.memory_space<vmem_shared>>)
      tpu.yield
    }) : () -> ()
    %mul3A_13 = arith.constant 640 : i32
    %mul3A_14 = arith.muli %arg1, %mul3A_13 : i32
    %add3A_15 = arith.constant 120 : i32
    %add3A_16 = arith.addi %mul3A_14, %add3A_15 : i32
    "tpu.region"() ({
      %run_scoped3A_111 = tpu.sem_alloc : memref<!tpu.dma_semaphore, #tpu.memory_space<semaphore_mem>>
      %dma_start3A_112 = arith.constant 0 : i32
      %dma_start3A_113 = arith.constant 0 : i32
      %dma_start3A_114 = tpu.memref_slice %arg10[%dma_start3A_112, %dma_start3A_113] : memref<100x128xf32, #tpu.memory_space<vmem>> -> memref<40x128xf32, #tpu.memory_space<vmem>>
      %dma_start3A_115 = arith.constant 0 : i32
      %dma_start3A_116 = tpu.memref_slice %arg7[%add3A_16, %dma_start3A_115] : memref<10240x128xf32, #tpu.memory_space<vmem_shared>> -> memref<40x128xf32, #tpu.memory_space<vmem_shared>>
      %dma_start3A_117 = arith.constant 0 : i32
      %dma_start3A_118 = tpu.memref_slice %arg7[%add3A_16, %dma_start3A_117] : memref<10240x128xf32, #tpu.memory_space<vmem_shared>> -> memref<40x128xf32, #tpu.memory_space<vmem_shared>>
      %dma_start3A_119 = arith.constant 0 : i32
      %dma_start3A_120 = arith.constant 0 : i32
      %dma_start3A_121 = tpu.memref_slice %arg10[%dma_start3A_119, %dma_start3A_120] : memref<100x128xf32, #tpu.memory_space<vmem>> -> memref<40x128xf32, #tpu.memory_space<vmem>>
      tpu.enqueue_dma source(%dma_start3A_121 : memref<40x128xf32, #tpu.memory_space<vmem>>) target(%dma_start3A_118 : memref<40x128xf32, #tpu.memory_space<vmem_shared>>) target_semaphore(%run_scoped3A_111 : memref<!tpu.dma_semaphore, #tpu.memory_space<semaphore_mem>>)
      %dma_wait3A = arith.constant 0 : i32
      %dma_wait3A_122 = arith.constant 0 : i32
      %dma_wait3A_123 = tpu.memref_slice %arg10[%dma_wait3A, %dma_wait3A_122] : memref<100x128xf32, #tpu.memory_space<vmem>> -> memref<40x128xf32, #tpu.memory_space<vmem>>
      %dma_wait3A_124 = arith.constant 0 : i32
      %dma_wait3A_125 = tpu.memref_slice %arg7[%add3A_16, %dma_wait3A_124] : memref<10240x128xf32, #tpu.memory_space<vmem_shared>> -> memref<40x128xf32, #tpu.memory_space<vmem_shared>>
      %dma_wait3A_126 = arith.constant 0 : i32
      %dma_wait3A_127 = tpu.memref_slice %arg7[%add3A_16, %dma_wait3A_126] : memref<10240x128xf32, #tpu.memory_space<vmem_shared>> -> memref<40x128xf32, #tpu.memory_space<vmem_shared>>
      %dma_wait3A_128 = arith.constant 0 : i32
      %dma_wait3A_129 = arith.constant 0 : i32
      %dma_wait3A_130 = tpu.memref_slice %arg10[%dma_wait3A_128, %dma_wait3A_129] : memref<100x128xf32, #tpu.memory_space<vmem>> -> memref<40x128xf32, #tpu.memory_space<vmem>>
      tpu.wait_dma2 semaphore(%run_scoped3A_111 : memref<!tpu.dma_semaphore, #tpu.memory_space<semaphore_mem>>) src(%dma_wait3A_130 : memref<40x128xf32, #tpu.memory_space<vmem>>) dst(%dma_wait3A_127 : memref<40x128xf32, #tpu.memory_space<vmem_shared>>)
      tpu.yield
    }) : () -> ()
    %mul3A_17 = arith.constant 640 : i32
    %mul3A_18 = arith.muli %arg1, %mul3A_17 : i32
    %add3A_19 = arith.constant 160 : i32
    %add3A_20 = arith.addi %mul3A_18, %add3A_19 : i32
    "tpu.region"() ({
      %run_scoped3A_111 = tpu.sem_alloc : memref<!tpu.dma_semaphore, #tpu.memory_space<semaphore_mem>>
      %dma_start3A_112 = arith.constant 0 : i32
      %dma_start3A_113 = arith.constant 0 : i32
      %dma_start3A_114 = tpu.memref_slice %arg10[%dma_start3A_112, %dma_start3A_113] : memref<100x128xf32, #tpu.memory_space<vmem>> -> memref<40x128xf32, #tpu.memory_space<vmem>>
      %dma_start3A_115 = arith.constant 0 : i32
      %dma_start3A_116 = tpu.memref_slice %arg7[%add3A_20, %dma_start3A_115] : memref<10240x128xf32, #tpu.memory_space<vmem_shared>> -> memref<40x128xf32, #tpu.memory_space<vmem_shared>>
      %dma_start3A_117 = arith.constant 0 : i32
      %dma_start3A_118 = tpu.memref_slice %arg7[%add3A_20, %dma_start3A_117] : memref<10240x128xf32, #tpu.memory_space<vmem_shared>> -> memref<40x128xf32, #tpu.memory_space<vmem_shared>>
      %dma_start3A_119 = arith.constant 0 : i32
      %dma_start3A_120 = arith.constant 0 : i32
      %dma_start3A_121 = tpu.memref_slice %arg10[%dma_start3A_119, %dma_start3A_120] : memref<100x128xf32, #tpu.memory_space<vmem>> -> memref<40x128xf32, #tpu.memory_space<vmem>>
      tpu.enqueue_dma source(%dma_start3A_121 : memref<40x128xf32, #tpu.memory_space<vmem>>) target(%dma_start3A_118 : memref<40x128xf32, #tpu.memory_space<vmem_shared>>) target_semaphore(%run_scoped3A_111 : memref<!tpu.dma_semaphore, #tpu.memory_space<semaphore_mem>>)
      %dma_wait3A = arith.constant 0 : i32
      %dma_wait3A_122 = arith.constant 0 : i32
      %dma_wait3A_123 = tpu.memref_slice %arg10[%dma_wait3A, %dma_wait3A_122] : memref<100x128xf32, #tpu.memory_space<vmem>> -> memref<40x128xf32, #tpu.memory_space<vmem>>
      %dma_wait3A_124 = arith.constant 0 : i32
      %dma_wait3A_125 = tpu.memref_slice %arg7[%add3A_20, %dma_wait3A_124] : memref<10240x128xf32, #tpu.memory_space<vmem_shared>> -> memref<40x128xf32, #tpu.memory_space<vmem_shared>>
      %dma_wait3A_126 = arith.constant 0 : i32
      %dma_wait3A_127 = tpu.memref_slice %arg7[%add3A_20, %dma_wait3A_126] : memref<10240x128xf32, #tpu.memory_space<vmem_shared>> -> memref<40x128xf32, #tpu.memory_space<vmem_shared>>
      %dma_wait3A_128 = arith.constant 0 : i32
      %dma_wait3A_129 = arith.constant 0 : i32
      %dma_wait3A_130 = tpu.memref_slice %arg10[%dma_wait3A_128, %dma_wait3A_129] : memref<100x128xf32, #tpu.memory_space<vmem>> -> memref<40x128xf32, #tpu.memory_space<vmem>>
      tpu.wait_dma2 semaphore(%run_scoped3A_111 : memref<!tpu.dma_semaphore, #tpu.memory_space<semaphore_mem>>) src(%dma_wait3A_130 : memref<40x128xf32, #tpu.memory_space<vmem>>) dst(%dma_wait3A_127 : memref<40x128xf32, #tpu.memory_space<vmem_shared>>)
      tpu.yield
    }) : () -> ()
    %mul3A_21 = arith.constant 640 : i32
    %mul3A_22 = arith.muli %arg1, %mul3A_21 : i32
    %add3A_23 = arith.constant 200 : i32
    %add3A_24 = arith.addi %mul3A_22, %add3A_23 : i32
    "tpu.region"() ({
      %run_scoped3A_111 = tpu.sem_alloc : memref<!tpu.dma_semaphore, #tpu.memory_space<semaphore_mem>>
      %dma_start3A_112 = arith.constant 0 : i32
      %dma_start3A_113 = arith.constant 0 : i32
      %dma_start3A_114 = tpu.memref_slice %arg10[%dma_start3A_112, %dma_start3A_113] : memref<100x128xf32, #tpu.memory_space<vmem>> -> memref<40x128xf32, #tpu.memory_space<vmem>>
      %dma_start3A_115 = arith.constant 0 : i32
      %dma_start3A_116 = tpu.memref_slice %arg7[%add3A_24, %dma_start3A_115] : memref<10240x128xf32, #tpu.memory_space<vmem_shared>> -> memref<40x128xf32, #tpu.memory_space<vmem_shared>>
      %dma_start3A_117 = arith.constant 0 : i32
      %dma_start3A_118 = tpu.memref_slice %arg7[%add3A_24, %dma_start3A_117] : memref<10240x128xf32, #tpu.memory_space<vmem_shared>> -> memref<40x128xf32, #tpu.memory_space<vmem_shared>>
      %dma_start3A_119 = arith.constant 0 : i32
      %dma_start3A_120 = arith.constant 0 : i32
      %dma_start3A_121 = tpu.memref_slice %arg10[%dma_start3A_119, %dma_start3A_120] : memref<100x128xf32, #tpu.memory_space<vmem>> -> memref<40x128xf32, #tpu.memory_space<vmem>>
      tpu.enqueue_dma source(%dma_start3A_121 : memref<40x128xf32, #tpu.memory_space<vmem>>) target(%dma_start3A_118 : memref<40x128xf32, #tpu.memory_space<vmem_shared>>) target_semaphore(%run_scoped3A_111 : memref<!tpu.dma_semaphore, #tpu.memory_space<semaphore_mem>>)
      %dma_wait3A = arith.constant 0 : i32
      %dma_wait3A_122 = arith.constant 0 : i32
      %dma_wait3A_123 = tpu.memref_slice %arg10[%dma_wait3A, %dma_wait3A_122] : memref<100x128xf32, #tpu.memory_space<vmem>> -> memref<40x128xf32, #tpu.memory_space<vmem>>
      %dma_wait3A_124 = arith.constant 0 : i32
      %dma_wait3A_125 = tpu.memref_slice %arg7[%add3A_24, %dma_wait3A_124] : memref<10240x128xf32, #tpu.memory_space<vmem_shared>> -> memref<40x128xf32, #tpu.memory_space<vmem_shared>>
      %dma_wait3A_126 = arith.constant 0 : i32
      %dma_wait3A_127 = tpu.memref_slice %arg7[%add3A_24, %dma_wait3A_126] : memref<10240x128xf32, #tpu.memory_space<vmem_shared>> -> memref<40x128xf32, #tpu.memory_space<vmem_shared>>
      %dma_wait3A_128 = arith.constant 0 : i32
      %dma_wait3A_129 = arith.constant 0 : i32
      %dma_wait3A_130 = tpu.memref_slice %arg10[%dma_wait3A_128, %dma_wait3A_129] : memref<100x128xf32, #tpu.memory_space<vmem>> -> memref<40x128xf32, #tpu.memory_space<vmem>>
      tpu.wait_dma2 semaphore(%run_scoped3A_111 : memref<!tpu.dma_semaphore, #tpu.memory_space<semaphore_mem>>) src(%dma_wait3A_130 : memref<40x128xf32, #tpu.memory_space<vmem>>) dst(%dma_wait3A_127 : memref<40x128xf32, #tpu.memory_space<vmem_shared>>)
      tpu.yield
    }) : () -> ()
    %mul3A_25 = arith.constant 640 : i32
    %mul3A_26 = arith.muli %arg1, %mul3A_25 : i32
    %add3A_27 = arith.constant 240 : i32
    %add3A_28 = arith.addi %mul3A_26, %add3A_27 : i32
    "tpu.region"() ({
      %run_scoped3A_111 = tpu.sem_alloc : memref<!tpu.dma_semaphore, #tpu.memory_space<semaphore_mem>>
      %dma_start3A_112 = arith.constant 0 : i32
      %dma_start3A_113 = arith.constant 0 : i32
      %dma_start3A_114 = tpu.memref_slice %arg10[%dma_start3A_112, %dma_start3A_113] : memref<100x128xf32, #tpu.memory_space<vmem>> -> memref<40x128xf32, #tpu.memory_space<vmem>>
      %dma_start3A_115 = arith.constant 0 : i32
      %dma_start3A_116 = tpu.memref_slice %arg7[%add3A_28, %dma_start3A_115] : memref<10240x128xf32, #tpu.memory_space<vmem_shared>> -> memref<40x128xf32, #tpu.memory_space<vmem_shared>>
      %dma_start3A_117 = arith.constant 0 : i32
      %dma_start3A_118 = tpu.memref_slice %arg7[%add3A_28, %dma_start3A_117] : memref<10240x128xf32, #tpu.memory_space<vmem_shared>> -> memref<40x128xf32, #tpu.memory_space<vmem_shared>>
      %dma_start3A_119 = arith.constant 0 : i32
      %dma_start3A_120 = arith.constant 0 : i32
      %dma_start3A_121 = tpu.memref_slice %arg10[%dma_start3A_119, %dma_start3A_120] : memref<100x128xf32, #tpu.memory_space<vmem>> -> memref<40x128xf32, #tpu.memory_space<vmem>>
      tpu.enqueue_dma source(%dma_start3A_121 : memref<40x128xf32, #tpu.memory_space<vmem>>) target(%dma_start3A_118 : memref<40x128xf32, #tpu.memory_space<vmem_shared>>) target_semaphore(%run_scoped3A_111 : memref<!tpu.dma_semaphore, #tpu.memory_space<semaphore_mem>>)
      %dma_wait3A = arith.constant 0 : i32
      %dma_wait3A_122 = arith.constant 0 : i32
      %dma_wait3A_123 = tpu.memref_slice %arg10[%dma_wait3A, %dma_wait3A_122] : memref<100x128xf32, #tpu.memory_space<vmem>> -> memref<40x128xf32, #tpu.memory_space<vmem>>
      %dma_wait3A_124 = arith.constant 0 : i32
      %dma_wait3A_125 = tpu.memref_slice %arg7[%add3A_28, %dma_wait3A_124] : memref<10240x128xf32, #tpu.memory_space<vmem_shared>> -> memref<40x128xf32, #tpu.memory_space<vmem_shared>>
      %dma_wait3A_126 = arith.constant 0 : i32
      %dma_wait3A_127 = tpu.memref_slice %arg7[%add3A_28, %dma_wait3A_126] : memref<10240x128xf32, #tpu.memory_space<vmem_shared>> -> memref<40x128xf32, #tpu.memory_space<vmem_shared>>
      %dma_wait3A_128 = arith.constant 0 : i32
      %dma_wait3A_129 = arith.constant 0 : i32
      %dma_wait3A_130 = tpu.memref_slice %arg10[%dma_wait3A_128, %dma_wait3A_129] : memref<100x128xf32, #tpu.memory_space<vmem>> -> memref<40x128xf32, #tpu.memory_space<vmem>>
      tpu.wait_dma2 semaphore(%run_scoped3A_111 : memref<!tpu.dma_semaphore, #tpu.memory_space<semaphore_mem>>) src(%dma_wait3A_130 : memref<40x128xf32, #tpu.memory_space<vmem>>) dst(%dma_wait3A_127 : memref<40x128xf32, #tpu.memory_space<vmem_shared>>)
      tpu.yield
    }) : () -> ()
    %mul3A_29 = arith.constant 640 : i32
    %mul3A_30 = arith.muli %arg1, %mul3A_29 : i32
    %add3A_31 = arith.constant 280 : i32
    %add3A_32 = arith.addi %mul3A_30, %add3A_31 : i32
    "tpu.region"() ({
      %run_scoped3A_111 = tpu.sem_alloc : memref<!tpu.dma_semaphore, #tpu.memory_space<semaphore_mem>>
      %dma_start3A_112 = arith.constant 0 : i32
      %dma_start3A_113 = arith.constant 0 : i32
      %dma_start3A_114 = tpu.memref_slice %arg10[%dma_start3A_112, %dma_start3A_113] : memref<100x128xf32, #tpu.memory_space<vmem>> -> memref<40x128xf32, #tpu.memory_space<vmem>>
      %dma_start3A_115 = arith.constant 0 : i32
      %dma_start3A_116 = tpu.memref_slice %arg7[%add3A_32, %dma_start3A_115] : memref<10240x128xf32, #tpu.memory_space<vmem_shared>> -> memref<40x128xf32, #tpu.memory_space<vmem_shared>>
      %dma_start3A_117 = arith.constant 0 : i32
      %dma_start3A_118 = tpu.memref_slice %arg7[%add3A_32, %dma_start3A_117] : memref<10240x128xf32, #tpu.memory_space<vmem_shared>> -> memref<40x128xf32, #tpu.memory_space<vmem_shared>>
      %dma_start3A_119 = arith.constant 0 : i32
      %dma_start3A_120 = arith.constant 0 : i32
      %dma_start3A_121 = tpu.memref_slice %arg10[%dma_start3A_119, %dma_start3A_120] : memref<100x128xf32, #tpu.memory_space<vmem>> -> memref<40x128xf32, #tpu.memory_space<vmem>>
      tpu.enqueue_dma source(%dma_start3A_121 : memref<40x128xf32, #tpu.memory_space<vmem>>) target(%dma_start3A_118 : memref<40x128xf32, #tpu.memory_space<vmem_shared>>) target_semaphore(%run_scoped3A_111 : memref<!tpu.dma_semaphore, #tpu.memory_space<semaphore_mem>>)
      %dma_wait3A = arith.constant 0 : i32
      %dma_wait3A_122 = arith.constant 0 : i32
      %dma_wait3A_123 = tpu.memref_slice %arg10[%dma_wait3A, %dma_wait3A_122] : memref<100x128xf32, #tpu.memory_space<vmem>> -> memref<40x128xf32, #tpu.memory_space<vmem>>
      %dma_wait3A_124 = arith.constant 0 : i32
      %dma_wait3A_125 = tpu.memref_slice %arg7[%add3A_32, %dma_wait3A_124] : memref<10240x128xf32, #tpu.memory_space<vmem_shared>> -> memref<40x128xf32, #tpu.memory_space<vmem_shared>>
      %dma_wait3A_126 = arith.constant 0 : i32
      %dma_wait3A_127 = tpu.memref_slice %arg7[%add3A_32, %dma_wait3A_126] : memref<10240x128xf32, #tpu.memory_space<vmem_shared>> -> memref<40x128xf32, #tpu.memory_space<vmem_shared>>
      %dma_wait3A_128 = arith.constant 0 : i32
      %dma_wait3A_129 = arith.constant 0 : i32
      %dma_wait3A_130 = tpu.memref_slice %arg10[%dma_wait3A_128, %dma_wait3A_129] : memref<100x128xf32, #tpu.memory_space<vmem>> -> memref<40x128xf32, #tpu.memory_space<vmem>>
      tpu.wait_dma2 semaphore(%run_scoped3A_111 : memref<!tpu.dma_semaphore, #tpu.memory_space<semaphore_mem>>) src(%dma_wait3A_130 : memref<40x128xf32, #tpu.memory_space<vmem>>) dst(%dma_wait3A_127 : memref<40x128xf32, #tpu.memory_space<vmem_shared>>)
      tpu.yield
    }) : () -> ()
    %mul3A_33 = arith.constant 640 : i32
    %mul3A_34 = arith.muli %arg1, %mul3A_33 : i32
    %add3A_35 = arith.constant 320 : i32
    %add3A_36 = arith.addi %mul3A_34, %add3A_35 : i32
    "tpu.region"() ({
      %run_scoped3A_111 = tpu.sem_alloc : memref<!tpu.dma_semaphore, #tpu.memory_space<semaphore_mem>>
      %dma_start3A_112 = arith.constant 0 : i32
      %dma_start3A_113 = arith.constant 0 : i32
      %dma_start3A_114 = tpu.memref_slice %arg10[%dma_start3A_112, %dma_start3A_113] : memref<100x128xf32, #tpu.memory_space<vmem>> -> memref<40x128xf32, #tpu.memory_space<vmem>>
      %dma_start3A_115 = arith.constant 0 : i32
      %dma_start3A_116 = tpu.memref_slice %arg7[%add3A_36, %dma_start3A_115] : memref<10240x128xf32, #tpu.memory_space<vmem_shared>> -> memref<40x128xf32, #tpu.memory_space<vmem_shared>>
      %dma_start3A_117 = arith.constant 0 : i32
      %dma_start3A_118 = tpu.memref_slice %arg7[%add3A_36, %dma_start3A_117] : memref<10240x128xf32, #tpu.memory_space<vmem_shared>> -> memref<40x128xf32, #tpu.memory_space<vmem_shared>>
      %dma_start3A_119 = arith.constant 0 : i32
      %dma_start3A_120 = arith.constant 0 : i32
      %dma_start3A_121 = tpu.memref_slice %arg10[%dma_start3A_119, %dma_start3A_120] : memref<100x128xf32, #tpu.memory_space<vmem>> -> memref<40x128xf32, #tpu.memory_space<vmem>>
      tpu.enqueue_dma source(%dma_start3A_121 : memref<40x128xf32, #tpu.memory_space<vmem>>) target(%dma_start3A_118 : memref<40x128xf32, #tpu.memory_space<vmem_shared>>) target_semaphore(%run_scoped3A_111 : memref<!tpu.dma_semaphore, #tpu.memory_space<semaphore_mem>>)
      %dma_wait3A = arith.constant 0 : i32
      %dma_wait3A_122 = arith.constant 0 : i32
      %dma_wait3A_123 = tpu.memref_slice %arg10[%dma_wait3A, %dma_wait3A_122] : memref<100x128xf32, #tpu.memory_space<vmem>> -> memref<40x128xf32, #tpu.memory_space<vmem>>
      %dma_wait3A_124 = arith.constant 0 : i32
      %dma_wait3A_125 = tpu.memref_slice %arg7[%add3A_36, %dma_wait3A_124] : memref<10240x128xf32, #tpu.memory_space<vmem_shared>> -> memref<40x128xf32, #tpu.memory_space<vmem_shared>>
      %dma_wait3A_126 = arith.constant 0 : i32
      %dma_wait3A_127 = tpu.memref_slice %arg7[%add3A_36, %dma_wait3A_126] : memref<10240x128xf32, #tpu.memory_space<vmem_shared>> -> memref<40x128xf32, #tpu.memory_space<vmem_shared>>
      %dma_wait3A_128 = arith.constant 0 : i32
      %dma_wait3A_129 = arith.constant 0 : i32
      %dma_wait3A_130 = tpu.memref_slice %arg10[%dma_wait3A_128, %dma_wait3A_129] : memref<100x128xf32, #tpu.memory_space<vmem>> -> memref<40x128xf32, #tpu.memory_space<vmem>>
      tpu.wait_dma2 semaphore(%run_scoped3A_111 : memref<!tpu.dma_semaphore, #tpu.memory_space<semaphore_mem>>) src(%dma_wait3A_130 : memref<40x128xf32, #tpu.memory_space<vmem>>) dst(%dma_wait3A_127 : memref<40x128xf32, #tpu.memory_space<vmem_shared>>)
      tpu.yield
    }) : () -> ()
    %mul3A_37 = arith.constant 640 : i32
    %mul3A_38 = arith.muli %arg1, %mul3A_37 : i32
    %add3A_39 = arith.constant 360 : i32
    %add3A_40 = arith.addi %mul3A_38, %add3A_39 : i32
    "tpu.region"() ({
      %run_scoped3A_111 = tpu.sem_alloc : memref<!tpu.dma_semaphore, #tpu.memory_space<semaphore_mem>>
      %dma_start3A_112 = arith.constant 0 : i32
      %dma_start3A_113 = arith.constant 0 : i32
      %dma_start3A_114 = tpu.memref_slice %arg10[%dma_start3A_112, %dma_start3A_113] : memref<100x128xf32, #tpu.memory_space<vmem>> -> memref<40x128xf32, #tpu.memory_space<vmem>>
      %dma_start3A_115 = arith.constant 0 : i32
      %dma_start3A_116 = tpu.memref_slice %arg7[%add3A_40, %dma_start3A_115] : memref<10240x128xf32, #tpu.memory_space<vmem_shared>> -> memref<40x128xf32, #tpu.memory_space<vmem_shared>>
      %dma_start3A_117 = arith.constant 0 : i32
      %dma_start3A_118 = tpu.memref_slice %arg7[%add3A_40, %dma_start3A_117] : memref<10240x128xf32, #tpu.memory_space<vmem_shared>> -> memref<40x128xf32, #tpu.memory_space<vmem_shared>>
      %dma_start3A_119 = arith.constant 0 : i32
      %dma_start3A_120 = arith.constant 0 : i32
      %dma_start3A_121 = tpu.memref_slice %arg10[%dma_start3A_119, %dma_start3A_120] : memref<100x128xf32, #tpu.memory_space<vmem>> -> memref<40x128xf32, #tpu.memory_space<vmem>>
      tpu.enqueue_dma source(%dma_start3A_121 : memref<40x128xf32, #tpu.memory_space<vmem>>) target(%dma_start3A_118 : memref<40x128xf32, #tpu.memory_space<vmem_shared>>) target_semaphore(%run_scoped3A_111 : memref<!tpu.dma_semaphore, #tpu.memory_space<semaphore_mem>>)
      %dma_wait3A = arith.constant 0 : i32
      %dma_wait3A_122 = arith.constant 0 : i32
      %dma_wait3A_123 = tpu.memref_slice %arg10[%dma_wait3A, %dma_wait3A_122] : memref<100x128xf32, #tpu.memory_space<vmem>> -> memref<40x128xf32, #tpu.memory_space<vmem>>
      %dma_wait3A_124 = arith.constant 0 : i32
      %dma_wait3A_125 = tpu.memref_slice %arg7[%add3A_40, %dma_wait3A_124] : memref<10240x128xf32, #tpu.memory_space<vmem_shared>> -> memref<40x128xf32, #tpu.memory_space<vmem_shared>>
      %dma_wait3A_126 = arith.constant 0 : i32
      %dma_wait3A_127 = tpu.memref_slice %arg7[%add3A_40, %dma_wait3A_126] : memref<10240x128xf32, #tpu.memory_space<vmem_shared>> -> memref<40x128xf32, #tpu.memory_space<vmem_shared>>
      %dma_wait3A_128 = arith.constant 0 : i32
      %dma_wait3A_129 = arith.constant 0 : i32
      %dma_wait3A_130 = tpu.memref_slice %arg10[%dma_wait3A_128, %dma_wait3A_129] : memref<100x128xf32, #tpu.memory_space<vmem>> -> memref<40x128xf32, #tpu.memory_space<vmem>>
      tpu.wait_dma2 semaphore(%run_scoped3A_111 : memref<!tpu.dma_semaphore, #tpu.memory_space<semaphore_mem>>) src(%dma_wait3A_130 : memref<40x128xf32, #tpu.memory_space<vmem>>) dst(%dma_wait3A_127 : memref<40x128xf32, #tpu.memory_space<vmem_shared>>)
      tpu.yield
    }) : () -> ()
    %mul3A_41 = arith.constant 640 : i32
    %mul3A_42 = arith.muli %arg1, %mul3A_41 : i32
    %add3A_43 = arith.constant 400 : i32
    %add3A_44 = arith.addi %mul3A_42, %add3A_43 : i32
    "tpu.region"() ({
      %run_scoped3A_111 = tpu.sem_alloc : memref<!tpu.dma_semaphore, #tpu.memory_space<semaphore_mem>>
      %dma_start3A_112 = arith.constant 0 : i32
      %dma_start3A_113 = arith.constant 0 : i32
      %dma_start3A_114 = tpu.memref_slice %arg10[%dma_start3A_112, %dma_start3A_113] : memref<100x128xf32, #tpu.memory_space<vmem>> -> memref<40x128xf32, #tpu.memory_space<vmem>>
      %dma_start3A_115 = arith.constant 0 : i32
      %dma_start3A_116 = tpu.memref_slice %arg7[%add3A_44, %dma_start3A_115] : memref<10240x128xf32, #tpu.memory_space<vmem_shared>> -> memref<40x128xf32, #tpu.memory_space<vmem_shared>>
      %dma_start3A_117 = arith.constant 0 : i32
      %dma_start3A_118 = tpu.memref_slice %arg7[%add3A_44, %dma_start3A_117] : memref<10240x128xf32, #tpu.memory_space<vmem_shared>> -> memref<40x128xf32, #tpu.memory_space<vmem_shared>>
      %dma_start3A_119 = arith.constant 0 : i32
      %dma_start3A_120 = arith.constant 0 : i32
      %dma_start3A_121 = tpu.memref_slice %arg10[%dma_start3A_119, %dma_start3A_120] : memref<100x128xf32, #tpu.memory_space<vmem>> -> memref<40x128xf32, #tpu.memory_space<vmem>>
      tpu.enqueue_dma source(%dma_start3A_121 : memref<40x128xf32, #tpu.memory_space<vmem>>) target(%dma_start3A_118 : memref<40x128xf32, #tpu.memory_space<vmem_shared>>) target_semaphore(%run_scoped3A_111 : memref<!tpu.dma_semaphore, #tpu.memory_space<semaphore_mem>>)
      %dma_wait3A = arith.constant 0 : i32
      %dma_wait3A_122 = arith.constant 0 : i32
      %dma_wait3A_123 = tpu.memref_slice %arg10[%dma_wait3A, %dma_wait3A_122] : memref<100x128xf32, #tpu.memory_space<vmem>> -> memref<40x128xf32, #tpu.memory_space<vmem>>
      %dma_wait3A_124 = arith.constant 0 : i32
      %dma_wait3A_125 = tpu.memref_slice %arg7[%add3A_44, %dma_wait3A_124] : memref<10240x128xf32, #tpu.memory_space<vmem_shared>> -> memref<40x128xf32, #tpu.memory_space<vmem_shared>>
      %dma_wait3A_126 = arith.constant 0 : i32
      %dma_wait3A_127 = tpu.memref_slice %arg7[%add3A_44, %dma_wait3A_126] : memref<10240x128xf32, #tpu.memory_space<vmem_shared>> -> memref<40x128xf32, #tpu.memory_space<vmem_shared>>
      %dma_wait3A_128 = arith.constant 0 : i32
      %dma_wait3A_129 = arith.constant 0 : i32
      %dma_wait3A_130 = tpu.memref_slice %arg10[%dma_wait3A_128, %dma_wait3A_129] : memref<100x128xf32, #tpu.memory_space<vmem>> -> memref<40x128xf32, #tpu.memory_space<vmem>>
      tpu.wait_dma2 semaphore(%run_scoped3A_111 : memref<!tpu.dma_semaphore, #tpu.memory_space<semaphore_mem>>) src(%dma_wait3A_130 : memref<40x128xf32, #tpu.memory_space<vmem>>) dst(%dma_wait3A_127 : memref<40x128xf32, #tpu.memory_space<vmem_shared>>)
      tpu.yield
    }) : () -> ()
    %mul3A_45 = arith.constant 640 : i32
    %mul3A_46 = arith.muli %arg1, %mul3A_45 : i32
    %add3A_47 = arith.constant 440 : i32
    %add3A_48 = arith.addi %mul3A_46, %add3A_47 : i32
    "tpu.region"() ({
      %run_scoped3A_111 = tpu.sem_alloc : memref<!tpu.dma_semaphore, #tpu.memory_space<semaphore_mem>>
      %dma_start3A_112 = arith.constant 0 : i32
      %dma_start3A_113 = arith.constant 0 : i32
      %dma_start3A_114 = tpu.memref_slice %arg10[%dma_start3A_112, %dma_start3A_113] : memref<100x128xf32, #tpu.memory_space<vmem>> -> memref<40x128xf32, #tpu.memory_space<vmem>>
      %dma_start3A_115 = arith.constant 0 : i32
      %dma_start3A_116 = tpu.memref_slice %arg7[%add3A_48, %dma_start3A_115] : memref<10240x128xf32, #tpu.memory_space<vmem_shared>> -> memref<40x128xf32, #tpu.memory_space<vmem_shared>>
      %dma_start3A_117 = arith.constant 0 : i32
      %dma_start3A_118 = tpu.memref_slice %arg7[%add3A_48, %dma_start3A_117] : memref<10240x128xf32, #tpu.memory_space<vmem_shared>> -> memref<40x128xf32, #tpu.memory_space<vmem_shared>>
      %dma_start3A_119 = arith.constant 0 : i32
      %dma_start3A_120 = arith.constant 0 : i32
      %dma_start3A_121 = tpu.memref_slice %arg10[%dma_start3A_119, %dma_start3A_120] : memref<100x128xf32, #tpu.memory_space<vmem>> -> memref<40x128xf32, #tpu.memory_space<vmem>>
      tpu.enqueue_dma source(%dma_start3A_121 : memref<40x128xf32, #tpu.memory_space<vmem>>) target(%dma_start3A_118 : memref<40x128xf32, #tpu.memory_space<vmem_shared>>) target_semaphore(%run_scoped3A_111 : memref<!tpu.dma_semaphore, #tpu.memory_space<semaphore_mem>>)
      %dma_wait3A = arith.constant 0 : i32
      %dma_wait3A_122 = arith.constant 0 : i32
      %dma_wait3A_123 = tpu.memref_slice %arg10[%dma_wait3A, %dma_wait3A_122] : memref<100x128xf32, #tpu.memory_space<vmem>> -> memref<40x128xf32, #tpu.memory_space<vmem>>
      %dma_wait3A_124 = arith.constant 0 : i32
      %dma_wait3A_125 = tpu.memref_slice %arg7[%add3A_48, %dma_wait3A_124] : memref<10240x128xf32, #tpu.memory_space<vmem_shared>> -> memref<40x128xf32, #tpu.memory_space<vmem_shared>>
      %dma_wait3A_126 = arith.constant 0 : i32
      %dma_wait3A_127 = tpu.memref_slice %arg7[%add3A_48, %dma_wait3A_126] : memref<10240x128xf32, #tpu.memory_space<vmem_shared>> -> memref<40x128xf32, #tpu.memory_space<vmem_shared>>
      %dma_wait3A_128 = arith.constant 0 : i32
      %dma_wait3A_129 = arith.constant 0 : i32
      %dma_wait3A_130 = tpu.memref_slice %arg10[%dma_wait3A_128, %dma_wait3A_129] : memref<100x128xf32, #tpu.memory_space<vmem>> -> memref<40x128xf32, #tpu.memory_space<vmem>>
      tpu.wait_dma2 semaphore(%run_scoped3A_111 : memref<!tpu.dma_semaphore, #tpu.memory_space<semaphore_mem>>) src(%dma_wait3A_130 : memref<40x128xf32, #tpu.memory_space<vmem>>) dst(%dma_wait3A_127 : memref<40x128xf32, #tpu.memory_space<vmem_shared>>)
      tpu.yield
    }) : () -> ()
    %mul3A_49 = arith.constant 640 : i32
    %mul3A_50 = arith.muli %arg1, %mul3A_49 : i32
    %add3A_51 = arith.constant 480 : i32
    %add3A_52 = arith.addi %mul3A_50, %add3A_51 : i32
    "tpu.region"() ({
      %run_scoped3A_111 = tpu.sem_alloc : memref<!tpu.dma_semaphore, #tpu.memory_space<semaphore_mem>>
      %dma_start3A_112 = arith.constant 0 : i32
      %dma_start3A_113 = arith.constant 0 : i32
      %dma_start3A_114 = tpu.memref_slice %arg10[%dma_start3A_112, %dma_start3A_113] : memref<100x128xf32, #tpu.memory_space<vmem>> -> memref<40x128xf32, #tpu.memory_space<vmem>>
      %dma_start3A_115 = arith.constant 0 : i32
      %dma_start3A_116 = tpu.memref_slice %arg7[%add3A_52, %dma_start3A_115] : memref<10240x128xf32, #tpu.memory_space<vmem_shared>> -> memref<40x128xf32, #tpu.memory_space<vmem_shared>>
      %dma_start3A_117 = arith.constant 0 : i32
      %dma_start3A_118 = tpu.memref_slice %arg7[%add3A_52, %dma_start3A_117] : memref<10240x128xf32, #tpu.memory_space<vmem_shared>> -> memref<40x128xf32, #tpu.memory_space<vmem_shared>>
      %dma_start3A_119 = arith.constant 0 : i32
      %dma_start3A_120 = arith.constant 0 : i32
      %dma_start3A_121 = tpu.memref_slice %arg10[%dma_start3A_119, %dma_start3A_120] : memref<100x128xf32, #tpu.memory_space<vmem>> -> memref<40x128xf32, #tpu.memory_space<vmem>>
      tpu.enqueue_dma source(%dma_start3A_121 : memref<40x128xf32, #tpu.memory_space<vmem>>) target(%dma_start3A_118 : memref<40x128xf32, #tpu.memory_space<vmem_shared>>) target_semaphore(%run_scoped3A_111 : memref<!tpu.dma_semaphore, #tpu.memory_space<semaphore_mem>>)
      %dma_wait3A = arith.constant 0 : i32
      %dma_wait3A_122 = arith.constant 0 : i32
      %dma_wait3A_123 = tpu.memref_slice %arg10[%dma_wait3A, %dma_wait3A_122] : memref<100x128xf32, #tpu.memory_space<vmem>> -> memref<40x128xf32, #tpu.memory_space<vmem>>
      %dma_wait3A_124 = arith.constant 0 : i32
      %dma_wait3A_125 = tpu.memref_slice %arg7[%add3A_52, %dma_wait3A_124] : memref<10240x128xf32, #tpu.memory_space<vmem_shared>> -> memref<40x128xf32, #tpu.memory_space<vmem_shared>>
      %dma_wait3A_126 = arith.constant 0 : i32
      %dma_wait3A_127 = tpu.memref_slice %arg7[%add3A_52, %dma_wait3A_126] : memref<10240x128xf32, #tpu.memory_space<vmem_shared>> -> memref<40x128xf32, #tpu.memory_space<vmem_shared>>
      %dma_wait3A_128 = arith.constant 0 : i32
      %dma_wait3A_129 = arith.constant 0 : i32
      %dma_wait3A_130 = tpu.memref_slice %arg10[%dma_wait3A_128, %dma_wait3A_129] : memref<100x128xf32, #tpu.memory_space<vmem>> -> memref<40x128xf32, #tpu.memory_space<vmem>>
      tpu.wait_dma2 semaphore(%run_scoped3A_111 : memref<!tpu.dma_semaphore, #tpu.memory_space<semaphore_mem>>) src(%dma_wait3A_130 : memref<40x128xf32, #tpu.memory_space<vmem>>) dst(%dma_wait3A_127 : memref<40x128xf32, #tpu.memory_space<vmem_shared>>)
      tpu.yield
    }) : () -> ()
    %mul3A_53 = arith.constant 640 : i32
    %mul3A_54 = arith.muli %arg1, %mul3A_53 : i32
    %add3A_55 = arith.constant 520 : i32
    %add3A_56 = arith.addi %mul3A_54, %add3A_55 : i32
    "tpu.region"() ({
      %run_scoped3A_111 = tpu.sem_alloc : memref<!tpu.dma_semaphore, #tpu.memory_space<semaphore_mem>>
      %dma_start3A_112 = arith.constant 0 : i32
      %dma_start3A_113 = arith.constant 0 : i32
      %dma_start3A_114 = tpu.memref_slice %arg10[%dma_start3A_112, %dma_start3A_113] : memref<100x128xf32, #tpu.memory_space<vmem>> -> memref<40x128xf32, #tpu.memory_space<vmem>>
      %dma_start3A_115 = arith.constant 0 : i32
      %dma_start3A_116 = tpu.memref_slice %arg7[%add3A_56, %dma_start3A_115] : memref<10240x128xf32, #tpu.memory_space<vmem_shared>> -> memref<40x128xf32, #tpu.memory_space<vmem_shared>>
      %dma_start3A_117 = arith.constant 0 : i32
      %dma_start3A_118 = tpu.memref_slice %arg7[%add3A_56, %dma_start3A_117] : memref<10240x128xf32, #tpu.memory_space<vmem_shared>> -> memref<40x128xf32, #tpu.memory_space<vmem_shared>>
      %dma_start3A_119 = arith.constant 0 : i32
      %dma_start3A_120 = arith.constant 0 : i32
      %dma_start3A_121 = tpu.memref_slice %arg10[%dma_start3A_119, %dma_start3A_120] : memref<100x128xf32, #tpu.memory_space<vmem>> -> memref<40x128xf32, #tpu.memory_space<vmem>>
      tpu.enqueue_dma source(%dma_start3A_121 : memref<40x128xf32, #tpu.memory_space<vmem>>) target(%dma_start3A_118 : memref<40x128xf32, #tpu.memory_space<vmem_shared>>) target_semaphore(%run_scoped3A_111 : memref<!tpu.dma_semaphore, #tpu.memory_space<semaphore_mem>>)
      %dma_wait3A = arith.constant 0 : i32
      %dma_wait3A_122 = arith.constant 0 : i32
      %dma_wait3A_123 = tpu.memref_slice %arg10[%dma_wait3A, %dma_wait3A_122] : memref<100x128xf32, #tpu.memory_space<vmem>> -> memref<40x128xf32, #tpu.memory_space<vmem>>
      %dma_wait3A_124 = arith.constant 0 : i32
      %dma_wait3A_125 = tpu.memref_slice %arg7[%add3A_56, %dma_wait3A_124] : memref<10240x128xf32, #tpu.memory_space<vmem_shared>> -> memref<40x128xf32, #tpu.memory_space<vmem_shared>>
      %dma_wait3A_126 = arith.constant 0 : i32
      %dma_wait3A_127 = tpu.memref_slice %arg7[%add3A_56, %dma_wait3A_126] : memref<10240x128xf32, #tpu.memory_space<vmem_shared>> -> memref<40x128xf32, #tpu.memory_space<vmem_shared>>
      %dma_wait3A_128 = arith.constant 0 : i32
      %dma_wait3A_129 = arith.constant 0 : i32
      %dma_wait3A_130 = tpu.memref_slice %arg10[%dma_wait3A_128, %dma_wait3A_129] : memref<100x128xf32, #tpu.memory_space<vmem>> -> memref<40x128xf32, #tpu.memory_space<vmem>>
      tpu.wait_dma2 semaphore(%run_scoped3A_111 : memref<!tpu.dma_semaphore, #tpu.memory_space<semaphore_mem>>) src(%dma_wait3A_130 : memref<40x128xf32, #tpu.memory_space<vmem>>) dst(%dma_wait3A_127 : memref<40x128xf32, #tpu.memory_space<vmem_shared>>)
      tpu.yield
    }) : () -> ()
    %mul3A_57 = arith.constant 640 : i32
    %mul3A_58 = arith.muli %arg1, %mul3A_57 : i32
    %add3A_59 = arith.constant 560 : i32
    %add3A_60 = arith.addi %mul3A_58, %add3A_59 : i32
    "tpu.region"() ({
      %run_scoped3A_111 = tpu.sem_alloc : memref<!tpu.dma_semaphore, #tpu.memory_space<semaphore_mem>>
      %dma_start3A_112 = arith.constant 0 : i32
      %dma_start3A_113 = arith.constant 0 : i32
      %dma_start3A_114 = tpu.memref_slice %arg10[%dma_start3A_112, %dma_start3A_113] : memref<100x128xf32, #tpu.memory_space<vmem>> -> memref<40x128xf32, #tpu.memory_space<vmem>>
      %dma_start3A_115 = arith.constant 0 : i32
      %dma_start3A_116 = tpu.memref_slice %arg7[%add3A_60, %dma_start3A_115] : memref<10240x128xf32, #tpu.memory_space<vmem_shared>> -> memref<40x128xf32, #tpu.memory_space<vmem_shared>>
      %dma_start3A_117 = arith.constant 0 : i32
      %dma_start3A_118 = tpu.memref_slice %arg7[%add3A_60, %dma_start3A_117] : memref<10240x128xf32, #tpu.memory_space<vmem_shared>> -> memref<40x128xf32, #tpu.memory_space<vmem_shared>>
      %dma_start3A_119 = arith.constant 0 : i32
      %dma_start3A_120 = arith.constant 0 : i32
      %dma_start3A_121 = tpu.memref_slice %arg10[%dma_start3A_119, %dma_start3A_120] : memref<100x128xf32, #tpu.memory_space<vmem>> -> memref<40x128xf32, #tpu.memory_space<vmem>>
      tpu.enqueue_dma source(%dma_start3A_121 : memref<40x128xf32, #tpu.memory_space<vmem>>) target(%dma_start3A_118 : memref<40x128xf32, #tpu.memory_space<vmem_shared>>) target_semaphore(%run_scoped3A_111 : memref<!tpu.dma_semaphore, #tpu.memory_space<semaphore_mem>>)
      %dma_wait3A = arith.constant 0 : i32
      %dma_wait3A_122 = arith.constant 0 : i32
      %dma_wait3A_123 = tpu.memref_slice %arg10[%dma_wait3A, %dma_wait3A_122] : memref<100x128xf32, #tpu.memory_space<vmem>> -> memref<40x128xf32, #tpu.memory_space<vmem>>
      %dma_wait3A_124 = arith.constant 0 : i32
      %dma_wait3A_125 = tpu.memref_slice %arg7[%add3A_60, %dma_wait3A_124] : memref<10240x128xf32, #tpu.memory_space<vmem_shared>> -> memref<40x128xf32, #tpu.memory_space<vmem_shared>>
      %dma_wait3A_126 = arith.constant 0 : i32
      %dma_wait3A_127 = tpu.memref_slice %arg7[%add3A_60, %dma_wait3A_126] : memref<10240x128xf32, #tpu.memory_space<vmem_shared>> -> memref<40x128xf32, #tpu.memory_space<vmem_shared>>
      %dma_wait3A_128 = arith.constant 0 : i32
      %dma_wait3A_129 = arith.constant 0 : i32
      %dma_wait3A_130 = tpu.memref_slice %arg10[%dma_wait3A_128, %dma_wait3A_129] : memref<100x128xf32, #tpu.memory_space<vmem>> -> memref<40x128xf32, #tpu.memory_space<vmem>>
      tpu.wait_dma2 semaphore(%run_scoped3A_111 : memref<!tpu.dma_semaphore, #tpu.memory_space<semaphore_mem>>) src(%dma_wait3A_130 : memref<40x128xf32, #tpu.memory_space<vmem>>) dst(%dma_wait3A_127 : memref<40x128xf32, #tpu.memory_space<vmem_shared>>)
      tpu.yield
    }) : () -> ()
    %mul3A_61 = arith.constant 640 : i32
    %mul3A_62 = arith.muli %arg1, %mul3A_61 : i32
    %add3A_63 = arith.constant 600 : i32
    %add3A_64 = arith.addi %mul3A_62, %add3A_63 : i32
    "tpu.region"() ({
      %run_scoped3A_111 = tpu.sem_alloc : memref<!tpu.dma_semaphore, #tpu.memory_space<semaphore_mem>>
      %dma_start3A_112 = arith.constant 0 : i32
      %dma_start3A_113 = arith.constant 0 : i32
      %dma_start3A_114 = tpu.memref_slice %arg10[%dma_start3A_112, %dma_start3A_113] : memref<100x128xf32, #tpu.memory_space<vmem>> -> memref<40x128xf32, #tpu.memory_space<vmem>>
      %dma_start3A_115 = arith.constant 0 : i32
      %dma_start3A_116 = tpu.memref_slice %arg7[%add3A_64, %dma_start3A_115] : memref<10240x128xf32, #tpu.memory_space<vmem_shared>> -> memref<40x128xf32, #tpu.memory_space<vmem_shared>>
      %dma_start3A_117 = arith.constant 0 : i32
      %dma_start3A_118 = tpu.memref_slice %arg7[%add3A_64, %dma_start3A_117] : memref<10240x128xf32, #tpu.memory_space<vmem_shared>> -> memref<40x128xf32, #tpu.memory_space<vmem_shared>>
      %dma_start3A_119 = arith.constant 0 : i32
      %dma_start3A_120 = arith.constant 0 : i32
      %dma_start3A_121 = tpu.memref_slice %arg10[%dma_start3A_119, %dma_start3A_120] : memref<100x128xf32, #tpu.memory_space<vmem>> -> memref<40x128xf32, #tpu.memory_space<vmem>>
      tpu.enqueue_dma source(%dma_start3A_121 : memref<40x128xf32, #tpu.memory_space<vmem>>) target(%dma_start3A_118 : memref<40x128xf32, #tpu.memory_space<vmem_shared>>) target_semaphore(%run_scoped3A_111 : memref<!tpu.dma_semaphore, #tpu.memory_space<semaphore_mem>>)
      %dma_wait3A = arith.constant 0 : i32
      %dma_wait3A_122 = arith.constant 0 : i32
      %dma_wait3A_123 = tpu.memref_slice %arg10[%dma_wait3A, %dma_wait3A_122] : memref<100x128xf32, #tpu.memory_space<vmem>> -> memref<40x128xf32, #tpu.memory_space<vmem>>
      %dma_wait3A_124 = arith.constant 0 : i32
      %dma_wait3A_125 = tpu.memref_slice %arg7[%add3A_64, %dma_wait3A_124] : memref<10240x128xf32, #tpu.memory_space<vmem_shared>> -> memref<40x128xf32, #tpu.memory_space<vmem_shared>>
      %dma_wait3A_126 = arith.constant 0 : i32
      %dma_wait3A_127 = tpu.memref_slice %arg7[%add3A_64, %dma_wait3A_126] : memref<10240x128xf32, #tpu.memory_space<vmem_shared>> -> memref<40x128xf32, #tpu.memory_space<vmem_shared>>
      %dma_wait3A_128 = arith.constant 0 : i32
      %dma_wait3A_129 = arith.constant 0 : i32
      %dma_wait3A_130 = tpu.memref_slice %arg10[%dma_wait3A_128, %dma_wait3A_129] : memref<100x128xf32, #tpu.memory_space<vmem>> -> memref<40x128xf32, #tpu.memory_space<vmem>>
      tpu.wait_dma2 semaphore(%run_scoped3A_111 : memref<!tpu.dma_semaphore, #tpu.memory_space<semaphore_mem>>) src(%dma_wait3A_130 : memref<40x128xf32, #tpu.memory_space<vmem>>) dst(%dma_wait3A_127 : memref<40x128xf32, #tpu.memory_space<vmem_shared>>)
      tpu.yield
    }) : () -> ()
    %barrier3A = arith.constant 0 : index
    tpu.barrier barrier_id(%barrier3A)
    %run_scoped3A = arith.constant 0 : i32
    "tpu.region"() ({
      %run_scoped3A_111 = tpu.sem_alloc : memref<!tpu.dma_semaphore, #tpu.memory_space<semaphore_mem>>
      %dma_start3A_112 = arith.constant 0 : i32
      %dma_start3A_113 = arith.constant 0 : i32
      %dma_start3A_114 = tpu.memref_slice %arg3[%add3A, %run_scoped3A, %dma_start3A_112, %dma_start3A_113] : memref<32x2x50x100xi32, #tpu.memory_space<hbm>> -> memref<1x1x50x100xi32, #tpu.memory_space<hbm>>
      %dma_start3A_115 = tpu.memref_squeeze %dma_start3A_114 : memref<1x1x50x100xi32, #tpu.memory_space<hbm>> -> memref<50x100xi32, #tpu.memory_space<hbm>>
      %dma_start3A_116 = arith.constant 0 : i32
      %dma_start3A_117 = arith.constant 0 : i32
      %dma_start3A_118 = tpu.memref_slice %arg3[%add3A, %run_scoped3A, %dma_start3A_116, %dma_start3A_117] : memref<32x2x50x100xi32, #tpu.memory_space<hbm>> -> memref<1x1x50x100xi32, #tpu.memory_space<hbm>>
      %dma_start3A_119 = tpu.memref_squeeze %dma_start3A_118 : memref<1x1x50x100xi32, #tpu.memory_space<hbm>> -> memref<50x100xi32, #tpu.memory_space<hbm>>
      tpu.enqueue_dma source(%dma_start3A_119 : memref<50x100xi32, #tpu.memory_space<hbm>>) target(%arg8 : memref<50x100xi32, #tpu.memory_space<vmem>>) target_semaphore(%run_scoped3A_111 : memref<!tpu.dma_semaphore, #tpu.memory_space<semaphore_mem>>)
      %dma_wait3A = arith.constant 0 : i32
      %dma_wait3A_120 = arith.constant 0 : i32
      %dma_wait3A_121 = tpu.memref_slice %arg3[%add3A, %run_scoped3A, %dma_wait3A, %dma_wait3A_120] : memref<32x2x50x100xi32, #tpu.memory_space<hbm>> -> memref<1x1x50x100xi32, #tpu.memory_space<hbm>>
      %dma_wait3A_122 = tpu.memref_squeeze %dma_wait3A_121 : memref<1x1x50x100xi32, #tpu.memory_space<hbm>> -> memref<50x100xi32, #tpu.memory_space<hbm>>
      %dma_wait3A_123 = arith.constant 0 : i32
      %dma_wait3A_124 = arith.constant 0 : i32
      %dma_wait3A_125 = tpu.memref_slice %arg3[%add3A, %run_scoped3A, %dma_wait3A_123, %dma_wait3A_124] : memref<32x2x50x100xi32, #tpu.memory_space<hbm>> -> memref<1x1x50x100xi32, #tpu.memory_space<hbm>>
      %dma_wait3A_126 = tpu.memref_squeeze %dma_wait3A_125 : memref<1x1x50x100xi32, #tpu.memory_space<hbm>> -> memref<50x100xi32, #tpu.memory_space<hbm>>
      tpu.wait_dma2 semaphore(%run_scoped3A_111 : memref<!tpu.dma_semaphore, #tpu.memory_space<semaphore_mem>>) src(%dma_wait3A_126 : memref<50x100xi32, #tpu.memory_space<hbm>>) dst(%arg8 : memref<50x100xi32, #tpu.memory_space<vmem>>)
      tpu.yield
    }) : () -> ()
    %run_scoped3A_65 = arith.constant 0 : i32
    "tpu.region"() ({
      %run_scoped3A_111 = tpu.sem_alloc : memref<!tpu.dma_semaphore, #tpu.memory_space<semaphore_mem>>
      %dma_start3A_112 = arith.constant 0 : i32
      %dma_start3A_113 = arith.constant 0 : i32
      %dma_start3A_114 = tpu.memref_slice %arg4[%add3A, %run_scoped3A_65, %dma_start3A_112, %dma_start3A_113] : memref<32x2x50x100xi32, #tpu.memory_space<hbm>> -> memref<1x1x50x100xi32, #tpu.memory_space<hbm>>
      %dma_start3A_115 = tpu.memref_squeeze %dma_start3A_114 : memref<1x1x50x100xi32, #tpu.memory_space<hbm>> -> memref<50x100xi32, #tpu.memory_space<hbm>>
      %dma_start3A_116 = arith.constant 0 : i32
      %dma_start3A_117 = arith.constant 0 : i32
      %dma_start3A_118 = tpu.memref_slice %arg4[%add3A, %run_scoped3A_65, %dma_start3A_116, %dma_start3A_117] : memref<32x2x50x100xi32, #tpu.memory_space<hbm>> -> memref<1x1x50x100xi32, #tpu.memory_space<hbm>>
      %dma_start3A_119 = tpu.memref_squeeze %dma_start3A_118 : memref<1x1x50x100xi32, #tpu.memory_space<hbm>> -> memref<50x100xi32, #tpu.memory_space<hbm>>
      tpu.enqueue_dma source(%dma_start3A_119 : memref<50x100xi32, #tpu.memory_space<hbm>>) target(%arg9 : memref<50x100xi32, #tpu.memory_space<vmem>>) target_semaphore(%run_scoped3A_111 : memref<!tpu.dma_semaphore, #tpu.memory_space<semaphore_mem>>)
      %dma_wait3A = arith.constant 0 : i32
      %dma_wait3A_120 = arith.constant 0 : i32
      %dma_wait3A_121 = tpu.memref_slice %arg4[%add3A, %run_scoped3A_65, %dma_wait3A, %dma_wait3A_120] : memref<32x2x50x100xi32, #tpu.memory_space<hbm>> -> memref<1x1x50x100xi32, #tpu.memory_space<hbm>>
      %dma_wait3A_122 = tpu.memref_squeeze %dma_wait3A_121 : memref<1x1x50x100xi32, #tpu.memory_space<hbm>> -> memref<50x100xi32, #tpu.memory_space<hbm>>
      %dma_wait3A_123 = arith.constant 0 : i32
      %dma_wait3A_124 = arith.constant 0 : i32
      %dma_wait3A_125 = tpu.memref_slice %arg4[%add3A, %run_scoped3A_65, %dma_wait3A_123, %dma_wait3A_124] : memref<32x2x50x100xi32, #tpu.memory_space<hbm>> -> memref<1x1x50x100xi32, #tpu.memory_space<hbm>>
      %dma_wait3A_126 = tpu.memref_squeeze %dma_wait3A_125 : memref<1x1x50x100xi32, #tpu.memory_space<hbm>> -> memref<50x100xi32, #tpu.memory_space<hbm>>
      tpu.wait_dma2 semaphore(%run_scoped3A_111 : memref<!tpu.dma_semaphore, #tpu.memory_space<semaphore_mem>>) src(%dma_wait3A_126 : memref<50x100xi32, #tpu.memory_space<hbm>>) dst(%arg9 : memref<50x100xi32, #tpu.memory_space<vmem>>)
      tpu.yield
    }) : () -> ()
    %dma_start3A = arith.constant 0 : i32
    %dma_start3A_66 = arith.constant 0 : i32
    %dma_start3A_67 = tpu.memref_slice %arg8[%dma_start3A, %dma_start3A_66] : memref<50x100xi32, #tpu.memory_space<vmem>> -> memref<1x100xi32, #tpu.memory_space<vmem>>
    %dma_start3A_68 = tpu.memref_squeeze %dma_start3A_67 : memref<1x100xi32, #tpu.memory_space<vmem>> -> memref<100xi32, #tpu.memory_space<vmem>>
    %dma_start3A_69 = arith.constant 0 : i32
    %dma_start3A_70 = arith.constant 0 : i32
    %dma_start3A_71 = tpu.memref_slice %arg2[%dma_start3A_69, %dma_start3A_70] : memref<10000x128xf32, #tpu.memory_space<hbm>> -> memref<10000x128xf32, #tpu.memory_space<hbm>>
    tpu.enqueue_indirect_dma source(%dma_start3A_71 : memref<10000x128xf32, #tpu.memory_space<hbm>>) target(%arg10 : memref<100x128xf32, #tpu.memory_space<vmem>>) offsets(%dma_start3A_68 : memref<100xi32, #tpu.memory_space<vmem>>) semaphore(%arg12 : memref<!tpu.dma_semaphore, #tpu.memory_space<semaphore_mem>>)
    %dma_start3A_72 = arith.constant 1 : i32
    %dma_start3A_73 = arith.constant 0 : i32
    %dma_start3A_74 = tpu.memref_slice %arg8[%dma_start3A_72, %dma_start3A_73] : memref<50x100xi32, #tpu.memory_space<vmem>> -> memref<1x100xi32, #tpu.memory_space<vmem>>
    %dma_start3A_75 = tpu.memref_squeeze %dma_start3A_74 : memref<1x100xi32, #tpu.memory_space<vmem>> -> memref<100xi32, #tpu.memory_space<vmem>>
    %dma_start3A_76 = arith.constant 0 : i32
    %dma_start3A_77 = arith.constant 0 : i32
    %dma_start3A_78 = tpu.memref_slice %arg2[%dma_start3A_76, %dma_start3A_77] : memref<10000x128xf32, #tpu.memory_space<hbm>> -> memref<10000x128xf32, #tpu.memory_space<hbm>>
    tpu.enqueue_indirect_dma source(%dma_start3A_78 : memref<10000x128xf32, #tpu.memory_space<hbm>>) target(%arg11 : memref<100x128xf32, #tpu.memory_space<vmem>>) offsets(%dma_start3A_75 : memref<100xi32, #tpu.memory_space<vmem>>) semaphore(%arg13 : memref<!tpu.dma_semaphore, #tpu.memory_space<semaphore_mem>>)
    %scan3A = arith.constant 0 : i32
    %scan3A_79 = arith.constant 0 : i32
    %scan3A_80 = arith.constant 25 : i32
    %scan3A_81 = arith.addi %scan3A_79, %scan3A_80 : i32
    %scan3A_82 = arith.constant 1 : i32
    scf.for %scan3A_111 = %scan3A_79 to %scan3A_81 step %scan3A_82  : i32 {
      %mul3A_112 = arith.constant 2 : i32
      %mul3A_113 = arith.muli %scan3A_111, %mul3A_112 : i32
      %add3A_114 = arith.constant 0 : i32
      %add3A_115 = arith.addi %mul3A_113, %add3A_114 : i32
      %dma_wait3A = arith.constant 0 : i32
      %dma_wait3A_116 = tpu.memref_slice %arg8[%add3A_115, %dma_wait3A] : memref<50x100xi32, #tpu.memory_space<vmem>> -> memref<1x100xi32, #tpu.memory_space<vmem>>
      %dma_wait3A_117 = tpu.memref_squeeze %dma_wait3A_116 : memref<1x100xi32, #tpu.memory_space<vmem>> -> memref<100xi32, #tpu.memory_space<vmem>>
      %dma_wait3A_118 = arith.constant 0 : i32
      %dma_wait3A_119 = arith.constant 0 : i32
      %dma_wait3A_120 = tpu.memref_slice %arg2[%dma_wait3A_118, %dma_wait3A_119] : memref<10000x128xf32, #tpu.memory_space<hbm>> -> memref<10000x128xf32, #tpu.memory_space<hbm>>
      tpu.wait_indirect_dma semaphore(%arg12 : memref<!tpu.dma_semaphore, #tpu.memory_space<semaphore_mem>>) src(%dma_wait3A_120 : memref<10000x128xf32, #tpu.memory_space<hbm>>) dst(%arg10 : memref<100x128xf32, #tpu.memory_space<vmem>>)
      %add3A_121 = arith.constant 2 : i32
      %add3A_122 = arith.addi %add3A_115, %add3A_121 : i32
      %lt3A = arith.constant 50 : i32
      %lt3A_123 = arith.cmpi slt, %add3A_122, %lt3A : i32
      %convert_element_type3A = arith.extui %lt3A_123 : i1 to i32
      %cond3A = arith.constant 0 : i32
      %cond3A_124 = arith.cmpi ne, %convert_element_type3A, %cond3A : i32
      scf.if %cond3A_124 {
        %add3A_142 = arith.constant 2 : i32
        %add3A_143 = arith.addi %add3A_115, %add3A_142 : i32
        %dma_start3A_144 = arith.constant 0 : i32
        %dma_start3A_145 = tpu.memref_slice %arg8[%add3A_143, %dma_start3A_144] : memref<50x100xi32, #tpu.memory_space<vmem>> -> memref<1x100xi32, #tpu.memory_space<vmem>>
        %dma_start3A_146 = tpu.memref_squeeze %dma_start3A_145 : memref<1x100xi32, #tpu.memory_space<vmem>> -> memref<100xi32, #tpu.memory_space<vmem>>
        %dma_start3A_147 = arith.constant 0 : i32
        %dma_start3A_148 = arith.constant 0 : i32
        %dma_start3A_149 = tpu.memref_slice %arg2[%dma_start3A_147, %dma_start3A_148] : memref<10000x128xf32, #tpu.memory_space<hbm>> -> memref<10000x128xf32, #tpu.memory_space<hbm>>
        tpu.enqueue_indirect_dma source(%dma_start3A_149 : memref<10000x128xf32, #tpu.memory_space<hbm>>) target(%arg10 : memref<100x128xf32, #tpu.memory_space<vmem>>) offsets(%dma_start3A_146 : memref<100xi32, #tpu.memory_space<vmem>>) semaphore(%arg12 : memref<!tpu.dma_semaphore, #tpu.memory_space<semaphore_mem>>)
      } else {
      }
      "tpu.region"() ({
        %run_scoped3A_142 = tpu.sem_alloc : memref<!tpu.dma_semaphore, #tpu.memory_space<semaphore_mem>>
        %dma_start3A_143 = arith.constant 0 : i32
        %dma_start3A_144 = tpu.memref_slice %arg9[%add3A_115, %dma_start3A_143] : memref<50x100xi32, #tpu.memory_space<vmem>> -> memref<1x100xi32, #tpu.memory_space<vmem>>
        %dma_start3A_145 = tpu.memref_squeeze %dma_start3A_144 : memref<1x100xi32, #tpu.memory_space<vmem>> -> memref<100xi32, #tpu.memory_space<vmem>>
        %dma_start3A_146 = arith.constant 0 : i32
        %dma_start3A_147 = arith.constant 0 : i32
        %dma_start3A_148 = tpu.memref_slice %arg7[%dma_start3A_146, %dma_start3A_147] : memref<10240x128xf32, #tpu.memory_space<vmem_shared>> -> memref<10240x128xf32, #tpu.memory_space<vmem_shared>>
        tpu.enqueue_indirect_dma source(%arg10 : memref<100x128xf32, #tpu.memory_space<vmem>>) target(%dma_start3A_148 : memref<10240x128xf32, #tpu.memory_space<vmem_shared>>) offsets(%dma_start3A_145 : memref<100xi32, #tpu.memory_space<vmem>>) semaphore(%run_scoped3A_142 : memref<!tpu.dma_semaphore, #tpu.memory_space<semaphore_mem>>) {add = true}
        %dma_wait3A_149 = arith.constant 0 : i32
        %dma_wait3A_150 = tpu.memref_slice %arg9[%add3A_115, %dma_wait3A_149] : memref<50x100xi32, #tpu.memory_space<vmem>> -> memref<1x100xi32, #tpu.memory_space<vmem>>
        %dma_wait3A_151 = tpu.memref_squeeze %dma_wait3A_150 : memref<1x100xi32, #tpu.memory_space<vmem>> -> memref<100xi32, #tpu.memory_space<vmem>>
        %dma_wait3A_152 = arith.constant 0 : i32
        %dma_wait3A_153 = arith.constant 0 : i32
        %dma_wait3A_154 = tpu.memref_slice %arg7[%dma_wait3A_152, %dma_wait3A_153] : memref<10240x128xf32, #tpu.memory_space<vmem_shared>> -> memref<10240x128xf32, #tpu.memory_space<vmem_shared>>
        tpu.wait_indirect_dma semaphore(%run_scoped3A_142 : memref<!tpu.dma_semaphore, #tpu.memory_space<semaphore_mem>>) src(%arg10 : memref<100x128xf32, #tpu.memory_space<vmem>>) dst(%dma_wait3A_154 : memref<10240x128xf32, #tpu.memory_space<vmem_shared>>)
        tpu.yield
      }) : () -> ()
      %mul3A_125 = arith.constant 2 : i32
      %mul3A_126 = arith.muli %scan3A_111, %mul3A_125 : i32
      %add3A_127 = arith.constant 1 : i32
      %add3A_128 = arith.addi %mul3A_126, %add3A_127 : i32
      %dma_wait3A_129 = arith.constant 0 : i32
      %dma_wait3A_130 = tpu.memref_slice %arg8[%add3A_128, %dma_wait3A_129] : memref<50x100xi32, #tpu.memory_space<vmem>> -> memref<1x100xi32, #tpu.memory_space<vmem>>
      %dma_wait3A_131 = tpu.memref_squeeze %dma_wait3A_130 : memref<1x100xi32, #tpu.memory_space<vmem>> -> memref<100xi32, #tpu.memory_space<vmem>>
      %dma_wait3A_132 = arith.constant 0 : i32
      %dma_wait3A_133 = arith.constant 0 : i32
      %dma_wait3A_134 = tpu.memref_slice %arg2[%dma_wait3A_132, %dma_wait3A_133] : memref<10000x128xf32, #tpu.memory_space<hbm>> -> memref<10000x128xf32, #tpu.memory_space<hbm>>
      tpu.wait_indirect_dma semaphore(%arg13 : memref<!tpu.dma_semaphore, #tpu.memory_space<semaphore_mem>>) src(%dma_wait3A_134 : memref<10000x128xf32, #tpu.memory_space<hbm>>) dst(%arg11 : memref<100x128xf32, #tpu.memory_space<vmem>>)
      %add3A_135 = arith.constant 2 : i32
      %add3A_136 = arith.addi %add3A_128, %add3A_135 : i32
      %lt3A_137 = arith.constant 50 : i32
      %lt3A_138 = arith.cmpi slt, %add3A_136, %lt3A_137 : i32
      %convert_element_type3A_139 = arith.extui %lt3A_138 : i1 to i32
      %cond3A_140 = arith.constant 0 : i32
      %cond3A_141 = arith.cmpi ne, %convert_element_type3A_139, %cond3A_140 : i32
      scf.if %cond3A_141 {
        %add3A_142 = arith.constant 2 : i32
        %add3A_143 = arith.addi %add3A_128, %add3A_142 : i32
        %dma_start3A_144 = arith.constant 0 : i32
        %dma_start3A_145 = tpu.memref_slice %arg8[%add3A_143, %dma_start3A_144] : memref<50x100xi32, #tpu.memory_space<vmem>> -> memref<1x100xi32, #tpu.memory_space<vmem>>
        %dma_start3A_146 = tpu.memref_squeeze %dma_start3A_145 : memref<1x100xi32, #tpu.memory_space<vmem>> -> memref<100xi32, #tpu.memory_space<vmem>>
        %dma_start3A_147 = arith.constant 0 : i32
        %dma_start3A_148 = arith.constant 0 : i32
        %dma_start3A_149 = tpu.memref_slice %arg2[%dma_start3A_147, %dma_start3A_148] : memref<10000x128xf32, #tpu.memory_space<hbm>> -> memref<10000x128xf32, #tpu.memory_space<hbm>>
        tpu.enqueue_indirect_dma source(%dma_start3A_149 : memref<10000x128xf32, #tpu.memory_space<hbm>>) target(%arg11 : memref<100x128xf32, #tpu.memory_space<vmem>>) offsets(%dma_start3A_146 : memref<100xi32, #tpu.memory_space<vmem>>) semaphore(%arg13 : memref<!tpu.dma_semaphore, #tpu.memory_space<semaphore_mem>>)
      } else {
      }
      "tpu.region"() ({
        %run_scoped3A_142 = tpu.sem_alloc : memref<!tpu.dma_semaphore, #tpu.memory_space<semaphore_mem>>
        %dma_start3A_143 = arith.constant 0 : i32
        %dma_start3A_144 = tpu.memref_slice %arg9[%add3A_128, %dma_start3A_143] : memref<50x100xi32, #tpu.memory_space<vmem>> -> memref<1x100xi32, #tpu.memory_space<vmem>>
        %dma_start3A_145 = tpu.memref_squeeze %dma_start3A_144 : memref<1x100xi32, #tpu.memory_space<vmem>> -> memref<100xi32, #tpu.memory_space<vmem>>
        %dma_start3A_146 = arith.constant 0 : i32
        %dma_start3A_147 = arith.constant 0 : i32
        %dma_start3A_148 = tpu.memref_slice %arg7[%dma_start3A_146, %dma_start3A_147] : memref<10240x128xf32, #tpu.memory_space<vmem_shared>> -> memref<10240x128xf32, #tpu.memory_space<vmem_shared>>
        tpu.enqueue_indirect_dma source(%arg11 : memref<100x128xf32, #tpu.memory_space<vmem>>) target(%dma_start3A_148 : memref<10240x128xf32, #tpu.memory_space<vmem_shared>>) offsets(%dma_start3A_145 : memref<100xi32, #tpu.memory_space<vmem>>) semaphore(%run_scoped3A_142 : memref<!tpu.dma_semaphore, #tpu.memory_space<semaphore_mem>>) {add = true}
        %dma_wait3A_149 = arith.constant 0 : i32
        %dma_wait3A_150 = tpu.memref_slice %arg9[%add3A_128, %dma_wait3A_149] : memref<50x100xi32, #tpu.memory_space<vmem>> -> memref<1x100xi32, #tpu.memory_space<vmem>>
        %dma_wait3A_151 = tpu.memref_squeeze %dma_wait3A_150 : memref<1x100xi32, #tpu.memory_space<vmem>> -> memref<100xi32, #tpu.memory_space<vmem>>
        %dma_wait3A_152 = arith.constant 0 : i32
        %dma_wait3A_153 = arith.constant 0 : i32
        %dma_wait3A_154 = tpu.memref_slice %arg7[%dma_wait3A_152, %dma_wait3A_153] : memref<10240x128xf32, #tpu.memory_space<vmem_shared>> -> memref<10240x128xf32, #tpu.memory_space<vmem_shared>>
        tpu.wait_indirect_dma semaphore(%run_scoped3A_142 : memref<!tpu.dma_semaphore, #tpu.memory_space<semaphore_mem>>) src(%arg11 : memref<100x128xf32, #tpu.memory_space<vmem>>) dst(%dma_wait3A_154 : memref<10240x128xf32, #tpu.memory_space<vmem_shared>>)
        tpu.yield
      }) : () -> ()
    }
    %scan3A_83 = arith.constant 25 : i32
    %run_scoped3A_84 = arith.constant 1 : i32
    "tpu.region"() ({
      %run_scoped3A_111 = tpu.sem_alloc : memref<!tpu.dma_semaphore, #tpu.memory_space<semaphore_mem>>
      %dma_start3A_112 = arith.constant 0 : i32
      %dma_start3A_113 = arith.constant 0 : i32
      %dma_start3A_114 = tpu.memref_slice %arg3[%add3A, %run_scoped3A_84, %dma_start3A_112, %dma_start3A_113] : memref<32x2x50x100xi32, #tpu.memory_space<hbm>> -> memref<1x1x50x100xi32, #tpu.memory_space<hbm>>
      %dma_start3A_115 = tpu.memref_squeeze %dma_start3A_114 : memref<1x1x50x100xi32, #tpu.memory_space<hbm>> -> memref<50x100xi32, #tpu.memory_space<hbm>>
      %dma_start3A_116 = arith.constant 0 : i32
      %dma_start3A_117 = arith.constant 0 : i32
      %dma_start3A_118 = tpu.memref_slice %arg3[%add3A, %run_scoped3A_84, %dma_start3A_116, %dma_start3A_117] : memref<32x2x50x100xi32, #tpu.memory_space<hbm>> -> memref<1x1x50x100xi32, #tpu.memory_space<hbm>>
      %dma_start3A_119 = tpu.memref_squeeze %dma_start3A_118 : memref<1x1x50x100xi32, #tpu.memory_space<hbm>> -> memref<50x100xi32, #tpu.memory_space<hbm>>
      tpu.enqueue_dma source(%dma_start3A_119 : memref<50x100xi32, #tpu.memory_space<hbm>>) target(%arg8 : memref<50x100xi32, #tpu.memory_space<vmem>>) target_semaphore(%run_scoped3A_111 : memref<!tpu.dma_semaphore, #tpu.memory_space<semaphore_mem>>)
      %dma_wait3A = arith.constant 0 : i32
      %dma_wait3A_120 = arith.constant 0 : i32
      %dma_wait3A_121 = tpu.memref_slice %arg3[%add3A, %run_scoped3A_84, %dma_wait3A, %dma_wait3A_120] : memref<32x2x50x100xi32, #tpu.memory_space<hbm>> -> memref<1x1x50x100xi32, #tpu.memory_space<hbm>>
      %dma_wait3A_122 = tpu.memref_squeeze %dma_wait3A_121 : memref<1x1x50x100xi32, #tpu.memory_space<hbm>> -> memref<50x100xi32, #tpu.memory_space<hbm>>
      %dma_wait3A_123 = arith.constant 0 : i32
      %dma_wait3A_124 = arith.constant 0 : i32
      %dma_wait3A_125 = tpu.memref_slice %arg3[%add3A, %run_scoped3A_84, %dma_wait3A_123, %dma_wait3A_124] : memref<32x2x50x100xi32, #tpu.memory_space<hbm>> -> memref<1x1x50x100xi32, #tpu.memory_space<hbm>>
      %dma_wait3A_126 = tpu.memref_squeeze %dma_wait3A_125 : memref<1x1x50x100xi32, #tpu.memory_space<hbm>> -> memref<50x100xi32, #tpu.memory_space<hbm>>
      tpu.wait_dma2 semaphore(%run_scoped3A_111 : memref<!tpu.dma_semaphore, #tpu.memory_space<semaphore_mem>>) src(%dma_wait3A_126 : memref<50x100xi32, #tpu.memory_space<hbm>>) dst(%arg8 : memref<50x100xi32, #tpu.memory_space<vmem>>)
      tpu.yield
    }) : () -> ()
    %run_scoped3A_85 = arith.constant 1 : i32
    "tpu.region"() ({
      %run_scoped3A_111 = tpu.sem_alloc : memref<!tpu.dma_semaphore, #tpu.memory_space<semaphore_mem>>
      %dma_start3A_112 = arith.constant 0 : i32
      %dma_start3A_113 = arith.constant 0 : i32
      %dma_start3A_114 = tpu.memref_slice %arg4[%add3A, %run_scoped3A_85, %dma_start3A_112, %dma_start3A_113] : memref<32x2x50x100xi32, #tpu.memory_space<hbm>> -> memref<1x1x50x100xi32, #tpu.memory_space<hbm>>
      %dma_start3A_115 = tpu.memref_squeeze %dma_start3A_114 : memref<1x1x50x100xi32, #tpu.memory_space<hbm>> -> memref<50x100xi32, #tpu.memory_space<hbm>>
      %dma_start3A_116 = arith.constant 0 : i32
      %dma_start3A_117 = arith.constant 0 : i32
      %dma_start3A_118 = tpu.memref_slice %arg4[%add3A, %run_scoped3A_85, %dma_start3A_116, %dma_start3A_117] : memref<32x2x50x100xi32, #tpu.memory_space<hbm>> -> memref<1x1x50x100xi32, #tpu.memory_space<hbm>>
      %dma_start3A_119 = tpu.memref_squeeze %dma_start3A_118 : memref<1x1x50x100xi32, #tpu.memory_space<hbm>> -> memref<50x100xi32, #tpu.memory_space<hbm>>
      tpu.enqueue_dma source(%dma_start3A_119 : memref<50x100xi32, #tpu.memory_space<hbm>>) target(%arg9 : memref<50x100xi32, #tpu.memory_space<vmem>>) target_semaphore(%run_scoped3A_111 : memref<!tpu.dma_semaphore, #tpu.memory_space<semaphore_mem>>)
      %dma_wait3A = arith.constant 0 : i32
      %dma_wait3A_120 = arith.constant 0 : i32
      %dma_wait3A_121 = tpu.memref_slice %arg4[%add3A, %run_scoped3A_85, %dma_wait3A, %dma_wait3A_120] : memref<32x2x50x100xi32, #tpu.memory_space<hbm>> -> memref<1x1x50x100xi32, #tpu.memory_space<hbm>>
      %dma_wait3A_122 = tpu.memref_squeeze %dma_wait3A_121 : memref<1x1x50x100xi32, #tpu.memory_space<hbm>> -> memref<50x100xi32, #tpu.memory_space<hbm>>
      %dma_wait3A_123 = arith.constant 0 : i32
      %dma_wait3A_124 = arith.constant 0 : i32
      %dma_wait3A_125 = tpu.memref_slice %arg4[%add3A, %run_scoped3A_85, %dma_wait3A_123, %dma_wait3A_124] : memref<32x2x50x100xi32, #tpu.memory_space<hbm>> -> memref<1x1x50x100xi32, #tpu.memory_space<hbm>>
      %dma_wait3A_126 = tpu.memref_squeeze %dma_wait3A_125 : memref<1x1x50x100xi32, #tpu.memory_space<hbm>> -> memref<50x100xi32, #tpu.memory_space<hbm>>
      tpu.wait_dma2 semaphore(%run_scoped3A_111 : memref<!tpu.dma_semaphore, #tpu.memory_space<semaphore_mem>>) src(%dma_wait3A_126 : memref<50x100xi32, #tpu.memory_space<hbm>>) dst(%arg9 : memref<50x100xi32, #tpu.memory_space<vmem>>)
      tpu.yield
    }) : () -> ()
    %dma_start3A_86 = arith.constant 0 : i32
    %dma_start3A_87 = arith.constant 0 : i32
    %dma_start3A_88 = tpu.memref_slice %arg8[%dma_start3A_86, %dma_start3A_87] : memref<50x100xi32, #tpu.memory_space<vmem>> -> memref<1x100xi32, #tpu.memory_space<vmem>>
    %dma_start3A_89 = tpu.memref_squeeze %dma_start3A_88 : memref<1x100xi32, #tpu.memory_space<vmem>> -> memref<100xi32, #tpu.memory_space<vmem>>
    %dma_start3A_90 = arith.constant 0 : i32
    %dma_start3A_91 = arith.constant 0 : i32
    %dma_start3A_92 = tpu.memref_slice %arg2[%dma_start3A_90, %dma_start3A_91] : memref<10000x128xf32, #tpu.memory_space<hbm>> -> memref<10000x128xf32, #tpu.memory_space<hbm>>
    tpu.enqueue_indirect_dma source(%dma_start3A_92 : memref<10000x128xf32, #tpu.memory_space<hbm>>) target(%arg10 : memref<100x128xf32, #tpu.memory_space<vmem>>) offsets(%dma_start3A_89 : memref<100xi32, #tpu.memory_space<vmem>>) semaphore(%arg12 : memref<!tpu.dma_semaphore, #tpu.memory_space<semaphore_mem>>)
    %dma_start3A_93 = arith.constant 1 : i32
    %dma_start3A_94 = arith.constant 0 : i32
    %dma_start3A_95 = tpu.memref_slice %arg8[%dma_start3A_93, %dma_start3A_94] : memref<50x100xi32, #tpu.memory_space<vmem>> -> memref<1x100xi32, #tpu.memory_space<vmem>>
    %dma_start3A_96 = tpu.memref_squeeze %dma_start3A_95 : memref<1x100xi32, #tpu.memory_space<vmem>> -> memref<100xi32, #tpu.memory_space<vmem>>
    %dma_start3A_97 = arith.constant 0 : i32
    %dma_start3A_98 = arith.constant 0 : i32
    %dma_start3A_99 = tpu.memref_slice %arg2[%dma_start3A_97, %dma_start3A_98] : memref<10000x128xf32, #tpu.memory_space<hbm>> -> memref<10000x128xf32, #tpu.memory_space<hbm>>
    tpu.enqueue_indirect_dma source(%dma_start3A_99 : memref<10000x128xf32, #tpu.memory_space<hbm>>) target(%arg11 : memref<100x128xf32, #tpu.memory_space<vmem>>) offsets(%dma_start3A_96 : memref<100xi32, #tpu.memory_space<vmem>>) semaphore(%arg13 : memref<!tpu.dma_semaphore, #tpu.memory_space<semaphore_mem>>)
    %scan3A_100 = arith.constant 0 : i32
    %scan3A_101 = arith.constant 0 : i32
    %scan3A_102 = arith.constant 25 : i32
    %scan3A_103 = arith.addi %scan3A_101, %scan3A_102 : i32
    %scan3A_104 = arith.constant 1 : i32
    scf.for %scan3A_111 = %scan3A_101 to %scan3A_103 step %scan3A_104  : i32 {
      %mul3A_112 = arith.constant 2 : i32
      %mul3A_113 = arith.muli %scan3A_111, %mul3A_112 : i32
      %add3A_114 = arith.constant 0 : i32
      %add3A_115 = arith.addi %mul3A_113, %add3A_114 : i32
      %dma_wait3A = arith.constant 0 : i32
      %dma_wait3A_116 = tpu.memref_slice %arg8[%add3A_115, %dma_wait3A] : memref<50x100xi32, #tpu.memory_space<vmem>> -> memref<1x100xi32, #tpu.memory_space<vmem>>
      %dma_wait3A_117 = tpu.memref_squeeze %dma_wait3A_116 : memref<1x100xi32, #tpu.memory_space<vmem>> -> memref<100xi32, #tpu.memory_space<vmem>>
      %dma_wait3A_118 = arith.constant 0 : i32
      %dma_wait3A_119 = arith.constant 0 : i32
      %dma_wait3A_120 = tpu.memref_slice %arg2[%dma_wait3A_118, %dma_wait3A_119] : memref<10000x128xf32, #tpu.memory_space<hbm>> -> memref<10000x128xf32, #tpu.memory_space<hbm>>
      tpu.wait_indirect_dma semaphore(%arg12 : memref<!tpu.dma_semaphore, #tpu.memory_space<semaphore_mem>>) src(%dma_wait3A_120 : memref<10000x128xf32, #tpu.memory_space<hbm>>) dst(%arg10 : memref<100x128xf32, #tpu.memory_space<vmem>>)
      %add3A_121 = arith.constant 2 : i32
      %add3A_122 = arith.addi %add3A_115, %add3A_121 : i32
      %lt3A = arith.constant 50 : i32
      %lt3A_123 = arith.cmpi slt, %add3A_122, %lt3A : i32
      %convert_element_type3A = arith.extui %lt3A_123 : i1 to i32
      %cond3A = arith.constant 0 : i32
      %cond3A_124 = arith.cmpi ne, %convert_element_type3A, %cond3A : i32
      scf.if %cond3A_124 {
        %add3A_142 = arith.constant 2 : i32
        %add3A_143 = arith.addi %add3A_115, %add3A_142 : i32
        %dma_start3A_144 = arith.constant 0 : i32
        %dma_start3A_145 = tpu.memref_slice %arg8[%add3A_143, %dma_start3A_144] : memref<50x100xi32, #tpu.memory_space<vmem>> -> memref<1x100xi32, #tpu.memory_space<vmem>>
        %dma_start3A_146 = tpu.memref_squeeze %dma_start3A_145 : memref<1x100xi32, #tpu.memory_space<vmem>> -> memref<100xi32, #tpu.memory_space<vmem>>
        %dma_start3A_147 = arith.constant 0 : i32
        %dma_start3A_148 = arith.constant 0 : i32
        %dma_start3A_149 = tpu.memref_slice %arg2[%dma_start3A_147, %dma_start3A_148] : memref<10000x128xf32, #tpu.memory_space<hbm>> -> memref<10000x128xf32, #tpu.memory_space<hbm>>
        tpu.enqueue_indirect_dma source(%dma_start3A_149 : memref<10000x128xf32, #tpu.memory_space<hbm>>) target(%arg10 : memref<100x128xf32, #tpu.memory_space<vmem>>) offsets(%dma_start3A_146 : memref<100xi32, #tpu.memory_space<vmem>>) semaphore(%arg12 : memref<!tpu.dma_semaphore, #tpu.memory_space<semaphore_mem>>)
      } else {
      }
      "tpu.region"() ({
        %run_scoped3A_142 = tpu.sem_alloc : memref<!tpu.dma_semaphore, #tpu.memory_space<semaphore_mem>>
        %dma_start3A_143 = arith.constant 0 : i32
        %dma_start3A_144 = tpu.memref_slice %arg9[%add3A_115, %dma_start3A_143] : memref<50x100xi32, #tpu.memory_space<vmem>> -> memref<1x100xi32, #tpu.memory_space<vmem>>
        %dma_start3A_145 = tpu.memref_squeeze %dma_start3A_144 : memref<1x100xi32, #tpu.memory_space<vmem>> -> memref<100xi32, #tpu.memory_space<vmem>>
        %dma_start3A_146 = arith.constant 0 : i32
        %dma_start3A_147 = arith.constant 0 : i32
        %dma_start3A_148 = tpu.memref_slice %arg7[%dma_start3A_146, %dma_start3A_147] : memref<10240x128xf32, #tpu.memory_space<vmem_shared>> -> memref<10240x128xf32, #tpu.memory_space<vmem_shared>>
        tpu.enqueue_indirect_dma source(%arg10 : memref<100x128xf32, #tpu.memory_space<vmem>>) target(%dma_start3A_148 : memref<10240x128xf32, #tpu.memory_space<vmem_shared>>) offsets(%dma_start3A_145 : memref<100xi32, #tpu.memory_space<vmem>>) semaphore(%run_scoped3A_142 : memref<!tpu.dma_semaphore, #tpu.memory_space<semaphore_mem>>) {add = true}
        %dma_wait3A_149 = arith.constant 0 : i32
        %dma_wait3A_150 = tpu.memref_slice %arg9[%add3A_115, %dma_wait3A_149] : memref<50x100xi32, #tpu.memory_space<vmem>> -> memref<1x100xi32, #tpu.memory_space<vmem>>
        %dma_wait3A_151 = tpu.memref_squeeze %dma_wait3A_150 : memref<1x100xi32, #tpu.memory_space<vmem>> -> memref<100xi32, #tpu.memory_space<vmem>>
        %dma_wait3A_152 = arith.constant 0 : i32
        %dma_wait3A_153 = arith.constant 0 : i32
        %dma_wait3A_154 = tpu.memref_slice %arg7[%dma_wait3A_152, %dma_wait3A_153] : memref<10240x128xf32, #tpu.memory_space<vmem_shared>> -> memref<10240x128xf32, #tpu.memory_space<vmem_shared>>
        tpu.wait_indirect_dma semaphore(%run_scoped3A_142 : memref<!tpu.dma_semaphore, #tpu.memory_space<semaphore_mem>>) src(%arg10 : memref<100x128xf32, #tpu.memory_space<vmem>>) dst(%dma_wait3A_154 : memref<10240x128xf32, #tpu.memory_space<vmem_shared>>)
        tpu.yield
      }) : () -> ()
      %mul3A_125 = arith.constant 2 : i32
      %mul3A_126 = arith.muli %scan3A_111, %mul3A_125 : i32
      %add3A_127 = arith.constant 1 : i32
      %add3A_128 = arith.addi %mul3A_126, %add3A_127 : i32
      %dma_wait3A_129 = arith.constant 0 : i32
      %dma_wait3A_130 = tpu.memref_slice %arg8[%add3A_128, %dma_wait3A_129] : memref<50x100xi32, #tpu.memory_space<vmem>> -> memref<1x100xi32, #tpu.memory_space<vmem>>
      %dma_wait3A_131 = tpu.memref_squeeze %dma_wait3A_130 : memref<1x100xi32, #tpu.memory_space<vmem>> -> memref<100xi32, #tpu.memory_space<vmem>>
      %dma_wait3A_132 = arith.constant 0 : i32
      %dma_wait3A_133 = arith.constant 0 : i32
      %dma_wait3A_134 = tpu.memref_slice %arg2[%dma_wait3A_132, %dma_wait3A_133] : memref<10000x128xf32, #tpu.memory_space<hbm>> -> memref<10000x128xf32, #tpu.memory_space<hbm>>
      tpu.wait_indirect_dma semaphore(%arg13 : memref<!tpu.dma_semaphore, #tpu.memory_space<semaphore_mem>>) src(%dma_wait3A_134 : memref<10000x128xf32, #tpu.memory_space<hbm>>) dst(%arg11 : memref<100x128xf32, #tpu.memory_space<vmem>>)
      %add3A_135 = arith.constant 2 : i32
      %add3A_136 = arith.addi %add3A_128, %add3A_135 : i32
      %lt3A_137 = arith.constant 50 : i32
      %lt3A_138 = arith.cmpi slt, %add3A_136, %lt3A_137 : i32
      %convert_element_type3A_139 = arith.extui %lt3A_138 : i1 to i32
      %cond3A_140 = arith.constant 0 : i32
      %cond3A_141 = arith.cmpi ne, %convert_element_type3A_139, %cond3A_140 : i32
      scf.if %cond3A_141 {
        %add3A_142 = arith.constant 2 : i32
        %add3A_143 = arith.addi %add3A_128, %add3A_142 : i32
        %dma_start3A_144 = arith.constant 0 : i32
        %dma_start3A_145 = tpu.memref_slice %arg8[%add3A_143, %dma_start3A_144] : memref<50x100xi32, #tpu.memory_space<vmem>> -> memref<1x100xi32, #tpu.memory_space<vmem>>
        %dma_start3A_146 = tpu.memref_squeeze %dma_start3A_145 : memref<1x100xi32, #tpu.memory_space<vmem>> -> memref<100xi32, #tpu.memory_space<vmem>>
        %dma_start3A_147 = arith.constant 0 : i32
        %dma_start3A_148 = arith.constant 0 : i32
        %dma_start3A_149 = tpu.memref_slice %arg2[%dma_start3A_147, %dma_start3A_148] : memref<10000x128xf32, #tpu.memory_space<hbm>> -> memref<10000x128xf32, #tpu.memory_space<hbm>>
        tpu.enqueue_indirect_dma source(%dma_start3A_149 : memref<10000x128xf32, #tpu.memory_space<hbm>>) target(%arg11 : memref<100x128xf32, #tpu.memory_space<vmem>>) offsets(%dma_start3A_146 : memref<100xi32, #tpu.memory_space<vmem>>) semaphore(%arg13 : memref<!tpu.dma_semaphore, #tpu.memory_space<semaphore_mem>>)
      } else {
      }
      "tpu.region"() ({
        %run_scoped3A_142 = tpu.sem_alloc : memref<!tpu.dma_semaphore, #tpu.memory_space<semaphore_mem>>
        %dma_start3A_143 = arith.constant 0 : i32
        %dma_start3A_144 = tpu.memref_slice %arg9[%add3A_128, %dma_start3A_143] : memref<50x100xi32, #tpu.memory_space<vmem>> -> memref<1x100xi32, #tpu.memory_space<vmem>>
        %dma_start3A_145 = tpu.memref_squeeze %dma_start3A_144 : memref<1x100xi32, #tpu.memory_space<vmem>> -> memref<100xi32, #tpu.memory_space<vmem>>
        %dma_start3A_146 = arith.constant 0 : i32
        %dma_start3A_147 = arith.constant 0 : i32
        %dma_start3A_148 = tpu.memref_slice %arg7[%dma_start3A_146, %dma_start3A_147] : memref<10240x128xf32, #tpu.memory_space<vmem_shared>> -> memref<10240x128xf32, #tpu.memory_space<vmem_shared>>
        tpu.enqueue_indirect_dma source(%arg11 : memref<100x128xf32, #tpu.memory_space<vmem>>) target(%dma_start3A_148 : memref<10240x128xf32, #tpu.memory_space<vmem_shared>>) offsets(%dma_start3A_145 : memref<100xi32, #tpu.memory_space<vmem>>) semaphore(%run_scoped3A_142 : memref<!tpu.dma_semaphore, #tpu.memory_space<semaphore_mem>>) {add = true}
        %dma_wait3A_149 = arith.constant 0 : i32
        %dma_wait3A_150 = tpu.memref_slice %arg9[%add3A_128, %dma_wait3A_149] : memref<50x100xi32, #tpu.memory_space<vmem>> -> memref<1x100xi32, #tpu.memory_space<vmem>>
        %dma_wait3A_151 = tpu.memref_squeeze %dma_wait3A_150 : memref<1x100xi32, #tpu.memory_space<vmem>> -> memref<100xi32, #tpu.memory_space<vmem>>
        %dma_wait3A_152 = arith.constant 0 : i32
        %dma_wait3A_153 = arith.constant 0 : i32
        %dma_wait3A_154 = tpu.memref_slice %arg7[%dma_wait3A_152, %dma_wait3A_153] : memref<10240x128xf32, #tpu.memory_space<vmem_shared>> -> memref<10240x128xf32, #tpu.memory_space<vmem_shared>>
        tpu.wait_indirect_dma semaphore(%run_scoped3A_142 : memref<!tpu.dma_semaphore, #tpu.memory_space<semaphore_mem>>) src(%arg11 : memref<100x128xf32, #tpu.memory_space<vmem>>) dst(%dma_wait3A_154 : memref<10240x128xf32, #tpu.memory_space<vmem_shared>>)
        tpu.yield
      }) : () -> ()
    }
    %scan3A_105 = arith.constant 25 : i32
    %barrier3A_106 = arith.constant 0 : index
    tpu.barrier barrier_id(%barrier3A_106)
    %mul3A_107 = arith.constant 640 : i32
    %mul3A_108 = arith.muli %arg1, %mul3A_107 : i32
    %mul3A_109 = arith.constant 640 : i32
    %mul3A_110 = arith.muli %arg1, %mul3A_109 : i32
    "tpu.region"() ({
      %run_scoped3A_111 = tpu.sem_alloc : memref<!tpu.dma_semaphore, #tpu.memory_space<semaphore_mem>>
      %dma_start3A_112 = arith.constant 0 : i32
      %dma_start3A_113 = tpu.memref_slice %arg6[%arg0, %mul3A_110, %dma_start3A_112] : memref<2x10240x128xf32, #tpu.memory_space<hbm>> -> memref<1x640x128xf32, #tpu.memory_space<hbm>>
      %dma_start3A_114 = tpu.memref_squeeze %dma_start3A_113 : memref<1x640x128xf32, #tpu.memory_space<hbm>> -> memref<640x128xf32, #tpu.memory_space<hbm>>
      %dma_start3A_115 = arith.constant 0 : i32
      %dma_start3A_116 = tpu.memref_slice %arg7[%mul3A_108, %dma_start3A_115] : memref<10240x128xf32, #tpu.memory_space<vmem_shared>> -> memref<640x128xf32, #tpu.memory_space<vmem_shared>>
      tpu.enqueue_dma source(%dma_start3A_116 : memref<640x128xf32, #tpu.memory_space<vmem_shared>>) target(%dma_start3A_114 : memref<640x128xf32, #tpu.memory_space<hbm>>) target_semaphore(%run_scoped3A_111 : memref<!tpu.dma_semaphore, #tpu.memory_space<semaphore_mem>>)
      %dma_wait3A = arith.constant 0 : i32
      %dma_wait3A_117 = tpu.memref_slice %arg6[%arg0, %mul3A_110, %dma_wait3A] : memref<2x10240x128xf32, #tpu.memory_space<hbm>> -> memref<1x640x128xf32, #tpu.memory_space<hbm>>
      %dma_wait3A_118 = tpu.memref_squeeze %dma_wait3A_117 : memref<1x640x128xf32, #tpu.memory_space<hbm>> -> memref<640x128xf32, #tpu.memory_space<hbm>>
      %dma_wait3A_119 = arith.constant 0 : i32
      %dma_wait3A_120 = tpu.memref_slice %arg7[%mul3A_108, %dma_wait3A_119] : memref<10240x128xf32, #tpu.memory_space<vmem_shared>> -> memref<640x128xf32, #tpu.memory_space<vmem_shared>>
      tpu.wait_dma2 semaphore(%run_scoped3A_111 : memref<!tpu.dma_semaphore, #tpu.memory_space<semaphore_mem>>) src(%dma_wait3A_120 : memref<640x128xf32, #tpu.memory_space<vmem_shared>>) dst(%dma_wait3A_118 : memref<640x128xf32, #tpu.memory_space<hbm>>)
      tpu.yield
    }) : () -> ()
    return
  }
}

module attributes {stable_mosaic.version = 14 : i64} {
  func.func @_dinv_reduce_body(%arg0: memref<32x80x128xf32, #tpu.memory_space<vmem>>, %arg1: memref<80x128xf32, #tpu.memory_space<vmem>>) attributes {dimension_semantics = [], scalar_prefetch = 0 : i64, scratch_operands = 0 : i64, tpu.core_type = #tpu.core_type<tc>} {
    %get3A = arith.constant 0 : index
    %get3A_0 = arith.constant 0 : index
    %get3A_1 = arith.constant 0 : index
    %get3A_2 = vector.load %arg0[%get3A, %get3A_0, %get3A_1] : memref<32x80x128xf32, #tpu.memory_space<vmem>>, vector<32x80x128xf32>
    %reduce_sum3A = arith.constant dense<0.000000e+00> : vector<80x128xf32>
    %reduce_sum3A_3 = vector.multi_reduction <add>, %get3A_2, %reduce_sum3A [0] : vector<32x80x128xf32> to vector<80x128xf32>
    %add3A = arith.constant 1.000000e+00 : f32
    %add3A_4 = vector.broadcast %add3A : f32 to vector<80x128xf32>
    %add3A_5 = arith.addf %reduce_sum3A_3, %add3A_4 : vector<80x128xf32>
    %rsqrt3A = math.rsqrt %add3A_5 : vector<80x128xf32>
    %swap3A = arith.constant 0 : index
    %swap3A_6 = arith.constant 0 : index
    %swap3A_7 = vector.load %arg1[%swap3A, %swap3A_6] : memref<80x128xf32, #tpu.memory_space<vmem>>, vector<80x128xf32>
    tpu.vector_store %arg1[%swap3A, %swap3A_6], %rsqrt3A {strides = array<i32>} : memref<80x128xf32, #tpu.memory_space<vmem>>, vector<80x128xf32>,
    return
  }
}

module attributes {stable_mosaic.version = 14 : i64} {
  func.func @_dense1_body(%arg0: i32, %arg1: memref<1000x128xf32, #tpu.memory_space<vmem>>, %arg2: memref<128x128xf32, #tpu.memory_space<vmem>>, %arg3: memref<1000x1xf32, #tpu.memory_space<vmem>>, %arg4: memref<1000x128xf32, #tpu.memory_space<vmem>>) attributes {dimension_semantics = [#tpu.dimension_semantics<arbitrary>], iteration_bounds = array<i64: 10>, scalar_prefetch = 0 : i64, scratch_operands = 0 : i64, tpu.core_type = #tpu.core_type<tc>, window_params = [{transform_indices = @transform_0, window_bounds = array<i64: 1000, 128>}, {pipeline_mode = #tpu.pipeline_mode<synchronous>, transform_indices = @transform_1, window_bounds = array<i64: 128, 128>}, {transform_indices = @transform_2, window_bounds = array<i64: 1000, 1>}, {transform_indices = @transform_3, window_bounds = array<i64: 1000, 128>}]} {
    %get3A = arith.constant 0 : index
    %get3A_0 = arith.constant 0 : index
    %get3A_1 = vector.load %arg1[%get3A, %get3A_0] : memref<1000x128xf32, #tpu.memory_space<vmem>>, vector<1000x128xf32>
    %get3A_2 = arith.constant 0 : index
    %get3A_3 = arith.constant 0 : index
    %get3A_4 = vector.load %arg2[%get3A_2, %get3A_3] : memref<128x128xf32, #tpu.memory_space<vmem>>, vector<128x128xf32>
    %dot_general3A = arith.constant dense<0.000000e+00> : vector<1000x128xf32>
    %dot_general3A_5 = tpu.matmul %get3A_1, %get3A_4, %dot_general3A {dimension_numbers = #tpu.dot_dimension_numbers<[1], [0], [0], [1], [0, 0, 1, 1], [], []>, transpose_lhs_hint = false} : vector<1000x128xf32>, vector<128x128xf32>, vector<1000x128xf32> -> vector<1000x128xf32>
    %get3A_6 = arith.constant 0 : index
    %get3A_7 = arith.constant 0 : index
    %get3A_8 = vector.load %arg3[%get3A_6, %get3A_7] : memref<1000x1xf32, #tpu.memory_space<vmem>>, vector<1000x1xf32>
    %mul3A = vector.broadcast %get3A_8 : vector<1000x1xf32> to vector<1000x128xf32>
    %mul3A_9 = arith.mulf %dot_general3A_5, %mul3A : vector<1000x128xf32>
    %swap3A = arith.constant 0 : index
    %swap3A_10 = arith.constant 0 : index
    %swap3A_11 = vector.load %arg4[%swap3A, %swap3A_10] : memref<1000x128xf32, #tpu.memory_space<vmem>>, vector<1000x128xf32>
    tpu.vector_store %arg4[%swap3A, %swap3A_10], %mul3A_9 {strides = array<i32>} : memref<1000x128xf32, #tpu.memory_space<vmem>>, vector<1000x128xf32>,
    return
  }
  func.func @transform_0(%arg0: i32) -> (i32, i32) {
    %c0_i32 = arith.constant 0 : i32
    %c0_i32_0 = arith.constant 0 : i32
    return %arg0, %c0_i32 : i32, i32
  }
  func.func @transform_1(%arg0: i32) -> (i32, i32) {
    %c0_i32 = arith.constant 0 : i32
    %c0_i32_0 = arith.constant 0 : i32
    %c0_i32_1 = arith.constant 0 : i32
    return %c0_i32, %c0_i32_0 : i32, i32
  }
  func.func @transform_2(%arg0: i32) -> (i32, i32) {
    %c0_i32 = arith.constant 0 : i32
    %c0_i32_0 = arith.constant 0 : i32
    return %arg0, %c0_i32 : i32, i32
  }
  func.func @transform_3(%arg0: i32) -> (i32, i32) {
    %c0_i32 = arith.constant 0 : i32
    %c0_i32_0 = arith.constant 0 : i32
    return %arg0, %c0_i32 : i32, i32
  }
}

module attributes {stable_mosaic.version = 14 : i64} {
  func.func @_dense2_body(%arg0: i32, %arg1: memref<2x1000x128xf32, #tpu.memory_space<vmem>>, %arg2: memref<1000x128xf32, #tpu.memory_space<vmem>>, %arg3: memref<1000x1xf32, #tpu.memory_space<vmem>>, %arg4: memref<1x128xf32, #tpu.memory_space<vmem>>, %arg5: memref<128x128xf32, #tpu.memory_space<vmem>>, %arg6: memref<1000x128xf32, #tpu.memory_space<vmem>>) attributes {dimension_semantics = [#tpu.dimension_semantics<arbitrary>], iteration_bounds = array<i64: 10>, scalar_prefetch = 0 : i64, scratch_operands = 0 : i64, tpu.core_type = #tpu.core_type<tc>, window_params = [{transform_indices = @transform_0, window_bounds = array<i64: 2, 1000, 128>}, {transform_indices = @transform_1, window_bounds = array<i64: 1000, 128>}, {transform_indices = @transform_2, window_bounds = array<i64: 1000, 1>}, {pipeline_mode = #tpu.pipeline_mode<synchronous>, transform_indices = @transform_3, window_bounds = array<i64: 1, 128>}, {pipeline_mode = #tpu.pipeline_mode<synchronous>, transform_indices = @transform_4, window_bounds = array<i64: 128, 128>}, {transform_indices = @transform_5, window_bounds = array<i64: 1000, 128>}]} {
    %get3A = arith.constant 0 : index
    %get3A_0 = arith.constant 0 : index
    %get3A_1 = vector.load %arg3[%get3A, %get3A_0] : memref<1000x1xf32, #tpu.memory_space<vmem>>, vector<1000x1xf32>
    %get3A_2 = arith.constant 0 : index
    %get3A_3 = arith.constant 0 : index
    %get3A_4 = arith.constant 0 : index
    %get3A_5 = vector.load %arg1[%get3A_2, %get3A_3, %get3A_4] : memref<2x1000x128xf32, #tpu.memory_space<vmem>>, vector<1x1000x128xf32>
    %get3A_6 = vector.shape_cast %get3A_5 : vector<1x1000x128xf32> to vector<1000x128xf32>
    %get3A_7 = arith.constant 1 : index
    %get3A_8 = arith.constant 0 : index
    %get3A_9 = arith.constant 0 : index
    %get3A_10 = vector.load %arg1[%get3A_7, %get3A_8, %get3A_9] : memref<2x1000x128xf32, #tpu.memory_space<vmem>>, vector<1x1000x128xf32>
    %get3A_11 = vector.shape_cast %get3A_10 : vector<1x1000x128xf32> to vector<1000x128xf32>
    %add3A = arith.addf %get3A_6, %get3A_11 : vector<1000x128xf32>
    %get3A_12 = arith.constant 0 : index
    %get3A_13 = arith.constant 0 : index
    %get3A_14 = vector.load %arg2[%get3A_12, %get3A_13] : memref<1000x128xf32, #tpu.memory_space<vmem>>, vector<1000x128xf32>
    %add3A_15 = arith.addf %add3A, %get3A_14 : vector<1000x128xf32>
    %mul3A = vector.broadcast %get3A_1 : vector<1000x1xf32> to vector<1000x128xf32>
    %mul3A_16 = arith.mulf %mul3A, %add3A_15 : vector<1000x128xf32>
    %get3A_17 = arith.constant 0 : index
    %get3A_18 = arith.constant 0 : index
    %get3A_19 = vector.load %arg4[%get3A_17, %get3A_18] : memref<1x128xf32, #tpu.memory_space<vmem>>, vector<1x128xf32>
    %add3A_20 = vector.broadcast %get3A_19 : vector<1x128xf32> to vector<1000x128xf32>
    %add3A_21 = arith.addf %mul3A_16, %add3A_20 : vector<1000x128xf32>
    %max3A = arith.constant 0.000000e+00 : f32
    %max3A_22 = vector.broadcast %max3A : f32 to vector<1000x128xf32>
    %max3A_23 = arith.maximumf %add3A_21, %max3A_22 : vector<1000x128xf32>
    %get3A_24 = arith.constant 0 : index
    %get3A_25 = arith.constant 0 : index
    %get3A_26 = vector.load %arg5[%get3A_24, %get3A_25] : memref<128x128xf32, #tpu.memory_space<vmem>>, vector<128x128xf32>
    %dot_general3A = arith.constant dense<0.000000e+00> : vector<1000x128xf32>
    %dot_general3A_27 = tpu.matmul %max3A_23, %get3A_26, %dot_general3A {dimension_numbers = #tpu.dot_dimension_numbers<[1], [0], [0], [1], [0, 0, 1, 1], [], []>, transpose_lhs_hint = false} : vector<1000x128xf32>, vector<128x128xf32>, vector<1000x128xf32> -> vector<1000x128xf32>
    %mul3A_28 = vector.broadcast %get3A_1 : vector<1000x1xf32> to vector<1000x128xf32>
    %mul3A_29 = arith.mulf %dot_general3A_27, %mul3A_28 : vector<1000x128xf32>
    %swap3A = arith.constant 0 : index
    %swap3A_30 = arith.constant 0 : index
    %swap3A_31 = vector.load %arg6[%swap3A, %swap3A_30] : memref<1000x128xf32, #tpu.memory_space<vmem>>, vector<1000x128xf32>
    tpu.vector_store %arg6[%swap3A, %swap3A_30], %mul3A_29 {strides = array<i32>} : memref<1000x128xf32, #tpu.memory_space<vmem>>, vector<1000x128xf32>,
    return
  }
  func.func @transform_0(%arg0: i32) -> (i32, i32, i32) {
    %c0_i32 = arith.constant 0 : i32
    %c0_i32_0 = arith.constant 0 : i32
    %c0_i32_1 = arith.constant 0 : i32
    return %c0_i32, %arg0, %c0_i32_0 : i32, i32, i32
  }
  func.func @transform_1(%arg0: i32) -> (i32, i32) {
    %c0_i32 = arith.constant 0 : i32
    %c0_i32_0 = arith.constant 0 : i32
    return %arg0, %c0_i32 : i32, i32
  }
  func.func @transform_2(%arg0: i32) -> (i32, i32) {
    %c0_i32 = arith.constant 0 : i32
    %c0_i32_0 = arith.constant 0 : i32
    return %arg0, %c0_i32 : i32, i32
  }
  func.func @transform_3(%arg0: i32) -> (i32, i32) {
    %c0_i32 = arith.constant 0 : i32
    %c0_i32_0 = arith.constant 0 : i32
    %c0_i32_1 = arith.constant 0 : i32
    return %c0_i32, %c0_i32_0 : i32, i32
  }
  func.func @transform_4(%arg0: i32) -> (i32, i32) {
    %c0_i32 = arith.constant 0 : i32
    %c0_i32_0 = arith.constant 0 : i32
    %c0_i32_1 = arith.constant 0 : i32
    return %c0_i32, %c0_i32_0 : i32, i32
  }
  func.func @transform_5(%arg0: i32) -> (i32, i32) {
    %c0_i32 = arith.constant 0 : i32
    %c0_i32_0 = arith.constant 0 : i32
    return %arg0, %c0_i32 : i32, i32
  }
}

module attributes {stable_mosaic.version = 14 : i64} {
  func.func @_dense3_body(%arg0: i32, %arg1: memref<2x1000x128xf32, #tpu.memory_space<vmem>>, %arg2: memref<1000x128xf32, #tpu.memory_space<vmem>>, %arg3: memref<1000x1xf32, #tpu.memory_space<vmem>>, %arg4: memref<1x128xf32, #tpu.memory_space<vmem>>, %arg5: memref<128x1xf32, #tpu.memory_space<vmem>>, %arg6: memref<1x1xf32, #tpu.memory_space<vmem>>, %arg7: memref<1000x1xf32, #tpu.memory_space<vmem>>) attributes {dimension_semantics = [#tpu.dimension_semantics<arbitrary>], iteration_bounds = array<i64: 10>, scalar_prefetch = 0 : i64, scratch_operands = 0 : i64, tpu.core_type = #tpu.core_type<tc>, window_params = [{transform_indices = @transform_0, window_bounds = array<i64: 2, 1000, 128>}, {transform_indices = @transform_1, window_bounds = array<i64: 1000, 128>}, {transform_indices = @transform_2, window_bounds = array<i64: 1000, 1>}, {pipeline_mode = #tpu.pipeline_mode<synchronous>, transform_indices = @transform_3, window_bounds = array<i64: 1, 128>}, {pipeline_mode = #tpu.pipeline_mode<synchronous>, transform_indices = @transform_4, window_bounds = array<i64: 128, 1>}, {pipeline_mode = #tpu.pipeline_mode<synchronous>, transform_indices = @transform_5, window_bounds = array<i64: 1, 1>}, {transform_indices = @transform_6, window_bounds = array<i64: 1000, 1>}]} {
    %get3A = arith.constant 0 : index
    %get3A_0 = arith.constant 0 : index
    %get3A_1 = vector.load %arg3[%get3A, %get3A_0] : memref<1000x1xf32, #tpu.memory_space<vmem>>, vector<1000x1xf32>
    %get3A_2 = arith.constant 0 : index
    %get3A_3 = arith.constant 0 : index
    %get3A_4 = arith.constant 0 : index
    %get3A_5 = vector.load %arg1[%get3A_2, %get3A_3, %get3A_4] : memref<2x1000x128xf32, #tpu.memory_space<vmem>>, vector<1x1000x128xf32>
    %get3A_6 = vector.shape_cast %get3A_5 : vector<1x1000x128xf32> to vector<1000x128xf32>
    %get3A_7 = arith.constant 1 : index
    %get3A_8 = arith.constant 0 : index
    %get3A_9 = arith.constant 0 : index
    %get3A_10 = vector.load %arg1[%get3A_7, %get3A_8, %get3A_9] : memref<2x1000x128xf32, #tpu.memory_space<vmem>>, vector<1x1000x128xf32>
    %get3A_11 = vector.shape_cast %get3A_10 : vector<1x1000x128xf32> to vector<1000x128xf32>
    %add3A = arith.addf %get3A_6, %get3A_11 : vector<1000x128xf32>
    %get3A_12 = arith.constant 0 : index
    %get3A_13 = arith.constant 0 : index
    %get3A_14 = vector.load %arg2[%get3A_12, %get3A_13] : memref<1000x128xf32, #tpu.memory_space<vmem>>, vector<1000x128xf32>
    %add3A_15 = arith.addf %add3A, %get3A_14 : vector<1000x128xf32>
    %mul3A = vector.broadcast %get3A_1 : vector<1000x1xf32> to vector<1000x128xf32>
    %mul3A_16 = arith.mulf %mul3A, %add3A_15 : vector<1000x128xf32>
    %get3A_17 = arith.constant 0 : index
    %get3A_18 = arith.constant 0 : index
    %get3A_19 = vector.load %arg4[%get3A_17, %get3A_18] : memref<1x128xf32, #tpu.memory_space<vmem>>, vector<1x128xf32>
    %add3A_20 = vector.broadcast %get3A_19 : vector<1x128xf32> to vector<1000x128xf32>
    %add3A_21 = arith.addf %mul3A_16, %add3A_20 : vector<1000x128xf32>
    %get3A_22 = arith.constant 0 : index
    %get3A_23 = arith.constant 0 : index
    %get3A_24 = vector.load %arg5[%get3A_22, %get3A_23] : memref<128x1xf32, #tpu.memory_space<vmem>>, vector<128x1xf32>
    %dot_general3A = arith.constant dense<0.000000e+00> : vector<1000x1xf32>
    %dot_general3A_25 = tpu.matmul %add3A_21, %get3A_24, %dot_general3A {dimension_numbers = #tpu.dot_dimension_numbers<[1], [0], [0], [1], [0, 0, 1, 1], [], []>, transpose_lhs_hint = false} : vector<1000x128xf32>, vector<128x1xf32>, vector<1000x1xf32> -> vector<1000x1xf32>
    %get3A_26 = arith.constant 0 : index
    %get3A_27 = arith.constant 0 : index
    %get3A_28 = vector.load %arg6[%get3A_26, %get3A_27] : memref<1x1xf32, #tpu.memory_space<vmem>>, vector<1x1xf32>
    %add3A_29 = vector.broadcast %get3A_28 : vector<1x1xf32> to vector<1000x1xf32>
    %add3A_30 = arith.addf %dot_general3A_25, %add3A_29 : vector<1000x1xf32>
    %swap3A = arith.constant 0 : index
    %swap3A_31 = arith.constant 0 : index
    %swap3A_32 = vector.load %arg7[%swap3A, %swap3A_31] : memref<1000x1xf32, #tpu.memory_space<vmem>>, vector<1000x1xf32>
    tpu.vector_store %arg7[%swap3A, %swap3A_31], %add3A_30 {strides = array<i32>} : memref<1000x1xf32, #tpu.memory_space<vmem>>, vector<1000x1xf32>,
    return
  }
  func.func @transform_0(%arg0: i32) -> (i32, i32, i32) {
    %c0_i32 = arith.constant 0 : i32
    %c0_i32_0 = arith.constant 0 : i32
    %c0_i32_1 = arith.constant 0 : i32
    return %c0_i32, %arg0, %c0_i32_0 : i32, i32, i32
  }
  func.func @transform_1(%arg0: i32) -> (i32, i32) {
    %c0_i32 = arith.constant 0 : i32
    %c0_i32_0 = arith.constant 0 : i32
    return %arg0, %c0_i32 : i32, i32
  }
  func.func @transform_2(%arg0: i32) -> (i32, i32) {
    %c0_i32 = arith.constant 0 : i32
    %c0_i32_0 = arith.constant 0 : i32
    return %arg0, %c0_i32 : i32, i32
  }
  func.func @transform_3(%arg0: i32) -> (i32, i32) {
    %c0_i32 = arith.constant 0 : i32
    %c0_i32_0 = arith.constant 0 : i32
    %c0_i32_1 = arith.constant 0 : i32
    return %c0_i32, %c0_i32_0 : i32, i32
  }
  func.func @transform_4(%arg0: i32) -> (i32, i32) {
    %c0_i32 = arith.constant 0 : i32
    %c0_i32_0 = arith.constant 0 : i32
    %c0_i32_1 = arith.constant 0 : i32
    return %c0_i32, %c0_i32_0 : i32, i32
  }
  func.func @transform_5(%arg0: i32) -> (i32, i32) {
    %c0_i32 = arith.constant 0 : i32
    %c0_i32_0 = arith.constant 0 : i32
    %c0_i32_1 = arith.constant 0 : i32
    return %c0_i32, %c0_i32_0 : i32, i32
  }
  func.func @transform_6(%arg0: i32) -> (i32, i32) {
    %c0_i32 = arith.constant 0 : i32
    %c0_i32_0 = arith.constant 0 : i32
    return %arg0, %c0_i32 : i32, i32
  }
}

</mosaic_0001>

<sc_bundles>
// kernel: kernel.12.cloned.1.call-start
scs
__scs_entry_jumppad:
0x0: {  	(pc) =	sbr.rel $0x88, $3  }
0x1: {  	(tag) =	ssettag $0x0;
	lr =	simm.s32 $0x1  }
0x2: {  	[smem:$0x3F99] =	sst lr;
	_ =	strace $0xD0000000  }
0x3: {  	_ = 	snop  }
0x4: {  	_ = 	snop  }
0x5: {  	_ = 	snop  }
0x6: {  	_ = 	snop  }
0x7: {  	_ = 	snop  }
__scs_overlays_trampoline_lowered:
0x8: {  	[smem:$0x3FA8] =	sst s0  }
0x9: {  	[smem:$0x3FA9] =	sst s1  }
0xa: {  	[smem:$0x3FAA] =	sst s2  }
0xb: {  	[smem:$0x3FAB] =	sst s3  }
0xc: {  	[smem:$0x3FAC] =	sst s4  }
0xd: {  	[smem:$0x3FAD] =	sst s5  }
0xe: {  	[smem:$0x3FAE] =	sst s6  }
0xf: {  	[smem:$0x3FAF] =	sst s7  }
0x10: {  	[smem:$0x3FB0] =	sst s8  }
0x11: {  	[smem:$0x3FB1] =	sst s9;
	s0 =	simm.s32 @!p0 $0x0  }
0x12: {  	s1 =	sld [smem:$0x3F97];
	s0 =	simm.s32 @p0 $0x1  }
0x13: {  	[smem:$0x3FB2] =	sst s0;
	s0 =	simm.s32 @!p1 $0x0  }
0x14: {  	s2 =	sld [smem:$0x3F96];
	s0 =	simm.s32 @p1 $0x1  }
0x15: {  	[smem:$0x3FB3] =	sst s0;
	s0 =	simm.s32 @!p2 $0x0  }
0x16: {  	s3 =	sld [smem:$0x3FDB];
	s0 =	simm.s32 @p2 $0x1  }
0x17: {  	s4 =	simm.s32 $0x1BF5;
	[smem:$0x3FB5] =	sst s0  }
0x18: {  	s0 =	sld [smem:$0x3F98];
	_ =	swait.ge [sflag:s4], $0x0  }
0x19: {  	s7 =	sld [smem:$0x3F99]  }
0x1a: {  	s8 =	sadd.s32 $0xFFFFE003, lr  }
0x1b: {  	s9 =	sadd.s32 $0xFFFFFEF7, lr;
	s5 =	simm.s32 $0xFFFFFFFF;
	p2 =	slt.u32 s8, $0xFFFFF086  }
0x1c: {  	p1 =	slt.u32 s9, $0xF7A;
	s5 =	simm.s32 @!p2 $0x0  }
0x1d: {  	s5 =	simm.s32 @p1 $0x1;
	p0 =	seq.s32 s7, s2  }
0x1e: {  	s7 =	smul.u32 @!p0 $0xF7A, s2;
	p2 =	seq.s32 @!p0 s5, $0x0  }
0x1f: {  	s9 =	smul.u32 $0xF7A, s1;
	s8 =	simm.s32 @!p0 $0x1BF5;
	p2 =	por !p2, p0  }
0x20: {  	[sflag:s8] =	ssyncset.s32 @!p0 $0xFFFFF086;
	s6 =	sadd.s32 @!p0 s3, s7;
	s7 =	simm.s32 @!p0 $0x108  }
0x21: {  	s3 =	sadd.s32 s3, s9;
	s6 =	sadd.s32 @!p0 $0x88, s6;
	s7 =	simm.s32 @p2 $0x1082  }
0x22: {  	[simem:s7], [sflag:s8] =	dma.local @!p0 [hbm:s6], $0xF7A  }
0x23: {  	s9 =	sor.u32 $0xD0000000, s2;
	s6 =	simm.s32 $0x108;
	_ =	swait.ge @!p0 [sflag:s8], $0x0  }
0x24: {  	s3 =	sadd.s32 $0x88, s3;
	s6 =	simm.s32 @!p1 $0x1082;
	[sflag:s4] =	ssyncset.s32 $0xFFFFF086  }
0x25: {  	[simem:s6], [sflag:s4] =	dma.local [hbm:s3], $0xF7A  }
0x26: {  	[smem:$0x3F99] =	sst s1;
	(tag) =	ssettag s2;
	_ =	strace s9  }
0x27: {  	s1 =	sld [smem:$0x3FA9]  }
0x28: {  	s2 =	sld [smem:$0x3FAA]  }
0x29: {  	s4 =	sld [smem:$0x3FAC]  }
0x2a: {  	p0 =	seq.s32 s5, $0x0;
	s5 =	sld [smem:$0x3FAD]  }
0x2b: {  	s6 =	sld [smem:$0x3FAE]  }
0x2c: {  	s7 =	sld [smem:$0x3FAF]  }
0x2d: {  	s3 =	simm.s32 $0x108;
	s8 =	sld [smem:$0x3FB0]  }
0x2e: {  	s3 =	simm.s32 @!p0 $0x1082;
	s9 =	sld [smem:$0x3FB1]  }
0x2f: {  	lr =	sadd.s32 s0, s3;
	s0 =	sld [smem:$0x3FA8]  }
0x30: {  	s3 =	sld [smem:$0x3FAB]  }
0x31: {  	[smem:$0x3FB4] =	sst s10  }
0x32: {  	s10 =	sld [smem:$0x3FB2];
	_ =	sdelay $0x3  }
0x33: {  	p0 =	seq.s32 s10, $0x1;
	s10 =	sld [smem:$0x3FB4];
	_ =	sdelay $0x3  }
0x34: {  	[smem:$0x3FB4] =	sst s10  }
0x35: {  	s10 =	sld [smem:$0x3FB3];
	_ =	sdelay $0x3  }
0x36: {  	p1 =	seq.s32 s10, $0x1;
	s10 =	sld [smem:$0x3FB4];
	_ =	sdelay $0x3  }
0x37: {  	[smem:$0x3FB4] =	sst s10  }
0x38: {  	s10 =	sld [smem:$0x3FB5]  }
0x39: {  	_ = 	snop;
	(pc) =	sbr.ind lr, $3  }
0x3a: {  	_ = 	snop  }
0x3b: {  	_ = 	snop  }
0x3c: {  	p2 =	seq.s32 s10, $0x1;
	s10 =	sld [smem:$0x3FB4]  }
0x3d: {  	_ =	shalt  }
0x3e: {  	_ =	shalt  }
0x3f: {  	_ =	shalt  }
0x40: {  	_ =	shalt  }
0x41: {  	_ =	shalt  }
0x42: {  	_ =	shalt  }
0x43: {  	_ =	shalt  }
0x44: {  	_ =	shalt  }
0x45: {  	_ =	shalt  }
0x46: {  	_ =	shalt  }
0x47: {  	_ =	shalt  }
0x48: {  	_ =	shalt  }
0x49: {  	_ =	shalt  }
0x4a: {  	_ =	shalt  }
0x4b: {  	_ =	shalt  }
0x4c: {  	_ =	shalt  }
0x4d: {  	_ =	shalt  }
0x4e: {  	_ =	shalt  }
0x4f: {  	_ =	shalt  }
0x50: {  	_ =	shalt  }
0x51: {  	_ =	shalt  }
0x52: {  	_ =	shalt  }
0x53: {  	_ =	shalt  }
0x54: {  	_ =	shalt  }
0x55: {  	_ =	shalt  }
0x56: {  	_ =	shalt  }
0x57: {  	_ =	shalt  }
0x58: {  	_ =	shalt  }
0x59: {  	_ =	shalt  }
0x5a: {  	_ =	shalt  }
0x5b: {  	_ =	shalt  }
0x5c: {  	_ =	shalt  }
0x5d: {  	_ =	shalt  }
0x5e: {  	_ =	shalt  }
0x5f: {  	_ =	shalt  }
0x60: {  	_ =	shalt  }
0x61: {  	_ =	shalt  }
0x62: {  	_ =	shalt  }
0x63: {  	_ =	shalt  }
0x64: {  	_ =	shalt  }
0x65: {  	_ =	shalt  }
0x66: {  	_ =	shalt  }
0x67: {  	_ =	shalt  }
0x68: {  	_ =	shalt  }
0x69: {  	_ =	shalt  }
0x6a: {  	_ =	shalt  }
0x6b: {  	_ =	shalt  }
0x6c: {  	_ =	shalt  }
0x6d: {  	_ =	shalt  }
0x6e: {  	_ =	shalt  }
0x6f: {  	_ =	shalt  }
0x70: {  	_ =	shalt  }
0x71: {  	_ =	shalt  }
0x72: {  	_ =	shalt  }
0x73: {  	_ =	shalt  }
0x74: {  	_ =	shalt  }
0x75: {  	_ =	shalt  }
0x76: {  	_ =	shalt  }
0x77: {  	_ =	shalt  }
0x78: {  	_ =	shalt  }
0x79: {  	_ =	shalt  }
0x7a: {  	_ =	shalt  }
0x7b: {  	_ =	shalt  }
0x7c: {  	_ =	shalt  }
0x7d: {  	_ =	shalt  }
0x7e: {  	_ =	shalt  }
0x7f: {  	_ =	shalt  }
0x80: {  	_ =	shalt  }
0x81: {  	_ =	shalt  }
0x82: {  	_ =	shalt  }
0x83: {  	_ =	shalt  }
0x84: {  	_ =	shalt  }
0x85: {  	_ =	shalt  }
0x86: {  	_ =	shalt  }
0x87: {  	_ =	shalt  }
.Lfunc_end0:
.L_simem_size_0:
called_computation.1_lowered:
.L_overlay_start_0:
0x88: {  	s2 =	sld [smem:$0x3FD9]  }
0x89: {  	s3 =	sld [smem:$0x3FFE];
	_ =	sdelay $0x1  }
0x8a: {  	s1 =	srdreg.scid  }
0x8b: {  	s0 =	sand.u32 $0x1, s1  }
0x8c: {  	s16 =	sshll.u32 s0, $0xA;
	s2 =	sadd.s32 s3, s2  }
0x8d: {  	s2 =	sadd.s32 s2, s16  }
0x8e: {  	[smem:$0x3FC0] =	sst s2  }
0x8f: {  	_ = 	snop  }
0x90: {  	(tm) =	ssettm $0x1  }
0x91: {  	s17 =	sld [smem:$0x3FFB];
	_ =	sdelay $0x3  }
0x92: {  	_ =	strace s17  }
0x93: {  	s2 =	sld [smem:$0x3FFC];
	_ =	sdelay $0x3  }
0x94: {  	_ =	strace s2  }
0x95: {  	s2 =	sld [smem:$0x3FFD];
	_ =	sdelay $0x3  }
0x96: {  	_ =	strace s2  }
0x97: {  	_ =	strace $0x8FFFFFFF  }
0x98: {  	s18 =	sld [smem:$0x3FDB];
	_ =	sdelay $0x1  }
0x99: {  	s19 =	simm.s32 $_scs_section_size  }
0x9a: {  	s4 =	simm.s32 $_size__tile_overlayer_lowered;
	s5 =	simm.s32 $_tile_overlayer_lowered  }
0x9b: {  	s22 =	simm.s32 $0x1BFF;
	s21 =	sshll.u32 s5, $0x1;
	s2 =	sadd.s32 s19, s18  }
0x9c: {  	s6 =	simm.s32 $0x0;
	s20 =	sshll.u32 s4, $0x1;
	s4 =	sadd.s32 s21, s2  }
0x9d: {  	[timem:s6], [sflag:s22] =	dma.local [hbm:s4], s20  }
0x9e: {  	_ =	swait.ge [sflag:s22], s20  }
0x9f: {  	s3 =	ssub.s32 $0x0, s20;
	[sflag:s22] =	ssyncset.done $0x0  }
0xa0: {  	[sflag:s22] =	ssyncadd.s32 s3;
	_ =	sdelay $0x1  }
0xa1: {  	s23 =	simm.s32 $0x1B8B  }
0xa2: {  	_ =	swait.ge [sflag:s23], $0x1  }
0xa3: {  	[sflag:s23] =	ssyncset.done $0x0  }
0xa4: {  	s25 =	simm.s32 $0x1B8E;
	s24 =	sld [smem:$0x3FFE];
	[sflag:s23] =	ssyncadd.s32 $0xFFFFFFFF  }
0xa5: {  	s26 =	simm.s32 $execute0_lowered;
	[smem:$0x3FD2] =	sst s25  }
0xa6: {  	s4 =	sshll.u32 s26, $0x1;
	_ =	strace $0x80000049;
	[dreg:$0x1] =	wrdreg $0xFFFFFFFF  }
0xa7: {  	s28 =	simm.s32 $_size_execute0_lowered;
	s2 =	sadd.s32 s2, s4;
	[dreg:$0x0] =	wrdreg $0x0  }
0xa8: {  	s4 =	sshll.u32 s28, $0x1;
	[dreg:$0x2] =	wrdreg s2  }
0xa9: {  	[dreg:$0x3] =	wrdreg s4  }
0xaa: {  	[dreg:$0x4] =	wrdreg $0xC0  }
0xab: {  	_ =	task [dreg:s6], $0x5FFFF  }
0xac: {  	[dreg:$0x1] =	wrdreg $0xFFFFFFFF  }
0xad: {  	[dreg:$0x0] =	wrdreg $0x60  }
0xae: {  	[dreg:$0x2] =	wrdreg s24  }
0xaf: {  	[dreg:$0x3] =	wrdreg $0x0  }
0xb0: {  	[dreg:$0x4] =	wrdreg $0x9  }
0xb1: {  	_ =	task.clear_ibuf [dreg:s6], $0x5FFFF;
	_ =	strace $0x90000049  }
0xb2: {  	s29 =	simm.s32 $0x9;
	_ =	strace $0x8000004B  }
0xb3: {  	_ =	swait.ge [sflag:s29], $0x1  }
0xb4: {  	[sflag:s29] =	ssyncadd.s32 $0xFFFFFFFF  }
0xb5: {  	_ =	strace $0x9000004B  }
0xb6: {  	_ =	sfence  }
0xb7: {  	s30 =	sld [smem:$0x0];
	_ =	sdelay $0x2  }
0xb8: {  	s31 =	sshll.u32 s1, $0xD;
	s1 =	sshrl.u32 s1, $0x2  }
0xb9: {  	s3 =	sand.u32 $0x4000, s31;
	s1 =	sadd.s32 s1, s30  }
0xba: {  	s0 =	sor.u32 s3, s0;
	s1 =	sshll.u32 s1, $0x11  }
0xbb: {  	s0 =	sor.u32 s1, s0  }
0xbc: {  	s0 =	sadd.s32 $0x8F2B, s0  }
0xbd: {  	[sflag:s0] =	ssyncadd.remote.s32 $0x1  }
0xbe: {  	_ =	sfence.sel $0xFFFF  }
0xbf: {  	[dreg:$0x0] =	wrdreg $0xFFFFFFFF;
	(pc) =	sbr.abs _section_cstart, $3  }
0xc0: {  	[dreg:$0x1] =	wrdreg $0xFFFFFFFF  }
0xc1: {  	_ =	task.clear_ibuf [dreg:s6], $0x2FFFF;
	_ =	strace $0x9FFFFFFF  }
0xc2: {  	(tm) =	ssettm $0x7FFFFFFF  }
0xc3: {  	_ =	shalt  }
tec
execute0_lowered:
.L_overlay_start_1:
0x0: {  	(tag) =	ssettag $0x1  }
0x1: {  	s0 =	rddreg [dreg:$0x0]  }
0x2: {  	s1 =	rddreg [dreg:$0x1]  }
0x3: {  	s2 =	srdreg.scid;
	s3 =	simm.s32 $0x0;
	s10 =	stileid.u32  }
0x4: {  	s29 =	simm.s32 $0x17800;
	s30 =	simm.s32 $0x3;
	s31 =	simm.s32 $0x14000  }
0x5: {  	s11 =	simm.s32 $0x17480;
	s12 =	simm.s32 $0x0;
	s6 =	smul.u32 $0x14000, s10  }
0x6: {  	s2 =	sand.u32 $0x1, s2;
	[smem:$0x7FF] =	sst s3;
	s14 =	smul.u32 $0x50000, s10  }
0x7: {  	s4 =	sadd.s32 $0x32C00, s0;
	s7 =	sadd.s32 $0x24C00, s0;
	s5 =	smul.u32 $0x140000, s2  }
0x8: {  	s8 =	sadd.s32 $0x16C00, s0;
	s9 =	sadd.s32 $0x2600, s0;
	_ =	strace $0x8000004A  }
0x9: {  	[dreg:$0x3] =	wrdreg s9;
	s5 =	sadd.s32 s6, s5;
	s6 =	sshrl.u32 s14, $0x2  }
0xa: {  	s15 =	ssub.s32 $0x2, s2;
	s2 =	sshll.u32 s2, $0x4;
	s6 =	sadd.s32 s6, s1  }
0xb: {  	s9 =	simm.s32 $0x2;
	s16 =	sshrl.u32 s15, $0x1;
	s17 =	sadd.s32 $0x1400, s6  }
0xc: {  	s2 =	sor.u32 s10, s2;
	s18 =	sadd.s32 $0x2800, s6;
	[dreg:$0x4] =	wrdreg s17  }
0xd: {  	s10 =	simm.s32 $0x17400;
	s19 =	sadd.s32 $0x3C00, s6;
	[dreg:$0x5] =	wrdreg s18  }
0xe: {  	s2 =	smul.u32 $0x3800, s2;
	s20 =	sadd.s32 $0x5000, s6;
	[dreg:$0x6] =	wrdreg s19  }
0xf: {  	s5 =	sshrl.u32 s5, $0x3;
	s21 =	sadd.s32 $0x6400, s6;
	[dreg:$0x7] =	wrdreg s20  }
0x10: {  	s0 =	sadd.s32 s5, s0;
	s22 =	sadd.s32 $0x7800, s6;
	[dreg:$0x8] =	wrdreg s21  }
0x11: {  	s5 =	ssub.s32 s15, s16;
	s23 =	sadd.s32 $0x8C00, s6;
	[dreg:$0x9] =	wrdreg s22  }
0x12: {  	s24 =	sadd.s32 $0xA000, s6;
	s25 =	sadd.s32 $0xB400, s6;
	[dreg:$0xa] =	wrdreg s23  }
0x13: {  	s16 =	sadd.s32 $0xC800, s6;
	s2 =	sshrl.u32 s2, $0x3;
	[dreg:$0xb] =	wrdreg s24  }
0x14: {  	s28 =	sadd.s32 $0x12C00, s6;
	[dreg:$0xc] =	wrdreg s25;
	s17 =	sadd.s32 $0xDC00, s6  }
0x15: {  	s18 =	sadd.s32 $0xF000, s6;
	s26 =	sadd.s32 $0x380, s2;
	s19 =	sadd.s32 s7, s2  }
0x16: {  	s20 =	sadd.s32 s8, s2;
	s23 =	sadd.s32 $0x10400, s6;
	s24 =	sadd.s32 $0x59E00, s0  }
0x17: {  	s25 =	smax.u32 s5, $0x1;
	s0 =	simm.s32 $0x15C00;
	s2 =	simm.s32 $0x64  }
0x18: {  	s5 =	simm.s32 $0x14080;
	s21 =	sadd.s32 s7, s26;
	s22 =	sadd.s32 s8, s26  }
0x19: {  	s26 =	sadd.s32 $0x11800, s6;
	s7 =	simm.s32 $0x1AC00;
	s8 =	simm.s32 $0x1  }
.LBB2_1:
0x1a: {  	s13 =	rddreg [dreg:$0x3]  }
0x1b: {  	[tilespmem:s29], [sflag:$0x3] =	stream.linear.gather [hbm4b:s13+s3], $0x3200, $0x38;
	[tilespmem:$0x1E000] =	vst v63  }
0x1c: {  	_ =	swait.ge [sflag:s30], $0x3200  }
0x1d: {  	[sflag:s30] =	ssyncset.done $0x0  }
0x1e: {  	[sflag:s30] =	ssyncadd.s32 $0xFFFFCE00  }
0x1f: {  	[spmem:s6] =	stream.linear.scatter [tilespmem:s29], [sflag:$0x3], $0x1400, $0x38;
	[tilespmem:$0x1E000] =	vst v63  }
0x20: {  	_ =	swait.ge [sflag:s30], $0x1400  }
0x21: {  	[sflag:s30] =	ssyncset.done $0x0  }
0x22: {  	s15 =	rddreg [dreg:$0x4];
	[sflag:s30] =	ssyncadd.s32 $0xFFFFEC00  }
0x23: {  	[spmem:s15] =	stream.linear.scatter [tilespmem:s29], [sflag:$0x3], $0x1400, $0x38;
	[tilespmem:$0x1E000] =	vst v63  }
0x24: {  	_ =	swait.ge [sflag:s30], $0x1400  }
0x25: {  	[sflag:s30] =	ssyncset.done $0x0  }
0x26: {  	s14 =	rddreg [dreg:$0x5];
	[sflag:s30] =	ssyncadd.s32 $0xFFFFEC00  }
0x27: {  	[spmem:s14] =	stream.linear.scatter [tilespmem:s29], [sflag:$0x3], $0x1400, $0x38;
	[tilespmem:$0x1E000] =	vst v63  }
0x28: {  	_ =	swait.ge [sflag:s30], $0x1400  }
0x29: {  	[sflag:s30] =	ssyncset.done $0x0  }
0x2a: {  	s15 =	rddreg [dreg:$0x6];
	[sflag:s30] =	ssyncadd.s32 $0xFFFFEC00  }
0x2b: {  	[spmem:s15] =	stream.linear.scatter [tilespmem:s29], [sflag:$0x3], $0x1400, $0x38;
	[tilespmem:$0x1E000] =	vst v63  }
0x2c: {  	_ =	swait.ge [sflag:s30], $0x1400  }
0x2d: {  	[sflag:s30] =	ssyncset.done $0x0  }
0x2e: {  	s14 =	rddreg [dreg:$0x7];
	[sflag:s30] =	ssyncadd.s32 $0xFFFFEC00  }
0x2f: {  	[spmem:s14] =	stream.linear.scatter [tilespmem:s29], [sflag:$0x3], $0x1400, $0x38;
	[tilespmem:$0x1E000] =	vst v63  }
0x30: {  	_ =	swait.ge [sflag:s30], $0x1400  }
0x31: {  	[sflag:s30] =	ssyncset.done $0x0  }
0x32: {  	s15 =	rddreg [dreg:$0x8];
	[sflag:s30] =	ssyncadd.s32 $0xFFFFEC00  }
0x33: {  	[spmem:s15] =	stream.linear.scatter [tilespmem:s29], [sflag:$0x3], $0x1400, $0x38;
	[tilespmem:$0x1E000] =	vst v63  }
0x34: {  	_ =	swait.ge [sflag:s30], $0x1400  }
0x35: {  	[sflag:s30] =	ssyncset.done $0x0  }
0x36: {  	s14 =	rddreg [dreg:$0x9];
	[sflag:s30] =	ssyncadd.s32 $0xFFFFEC00  }
0x37: {  	[spmem:s14] =	stream.linear.scatter [tilespmem:s29], [sflag:$0x3], $0x1400, $0x38;
	[tilespmem:$0x1E000] =	vst v63  }
0x38: {  	_ =	swait.ge [sflag:s30], $0x1400  }
0x39: {  	[sflag:s30] =	ssyncset.done $0x0  }
0x3a: {  	s15 =	rddreg [dreg:$0xa];
	[sflag:s30] =	ssyncadd.s32 $0xFFFFEC00  }
0x3b: {  	[spmem:s15] =	stream.linear.scatter [tilespmem:s29], [sflag:$0x3], $0x1400, $0x38;
	[tilespmem:$0x1E000] =	vst v63  }
0x3c: {  	_ =	swait.ge [sflag:s30], $0x1400  }
0x3d: {  	[sflag:s30] =	ssyncset.done $0x0  }
0x3e: {  	s14 =	rddreg [dreg:$0xb];
	[sflag:s30] =	ssyncadd.s32 $0xFFFFEC00  }
0x3f: {  	[spmem:s14] =	stream.linear.scatter [tilespmem:s29], [sflag:$0x3], $0x1400, $0x38;
	[tilespmem:$0x1E000] =	vst v63  }
0x40: {  	_ =	swait.ge [sflag:s30], $0x1400  }
0x41: {  	[sflag:s30] =	ssyncset.done $0x0  }
0x42: {  	s15 =	rddreg [dreg:$0xc];
	[sflag:s30] =	ssyncadd.s32 $0xFFFFEC00  }
0x43: {  	[spmem:s15] =	stream.linear.scatter [tilespmem:s29], [sflag:$0x3], $0x1400, $0x38;
	[tilespmem:$0x1E000] =	vst v63  }
0x44: {  	_ =	swait.ge [sflag:s30], $0x1400  }
0x45: {  	[sflag:s30] =	ssyncset.done $0x0  }
0x46: {  	[sflag:s30] =	ssyncadd.s32 $0xFFFFEC00  }
0x47: {  	[spmem:s16] =	stream.linear.scatter [tilespmem:s29], [sflag:$0x3], $0x1400, $0x38;
	[tilespmem:$0x1E000] =	vst v63  }
0x48: {  	_ =	swait.ge [sflag:s30], $0x1400  }
0x49: {  	[sflag:s30] =	ssyncset.done $0x0  }
0x4a: {  	[sflag:s30] =	ssyncadd.s32 $0xFFFFEC00  }
0x4b: {  	[spmem:s17] =	stream.linear.scatter [tilespmem:s29], [sflag:$0x3], $0x1400, $0x38;
	[tilespmem:$0x1E000] =	vst v63  }
0x4c: {  	_ =	swait.ge [sflag:s30], $0x1400  }
0x4d: {  	[sflag:s30] =	ssyncset.done $0x0  }
0x4e: {  	[sflag:s30] =	ssyncadd.s32 $0xFFFFEC00  }
0x4f: {  	[spmem:s18] =	stream.linear.scatter [tilespmem:s29], [sflag:$0x3], $0x1400, $0x38;
	[tilespmem:$0x1E000] =	vst v63  }
0x50: {  	_ =	swait.ge [sflag:s30], $0x1400  }
0x51: {  	[sflag:s30] =	ssyncset.done $0x0  }
0x52: {  	[sflag:s30] =	ssyncadd.s32 $0xFFFFEC00  }
0x53: {  	[spmem:s23] =	stream.linear.scatter [tilespmem:s29], [sflag:$0x3], $0x1400, $0x38;
	[tilespmem:$0x1E000] =	vst v63  }
0x54: {  	_ =	swait.ge [sflag:s30], $0x1400  }
0x55: {  	[sflag:s30] =	ssyncset.done $0x0  }
0x56: {  	[sflag:s30] =	ssyncadd.s32 $0xFFFFEC00  }
0x57: {  	[spmem:s26] =	stream.linear.scatter [tilespmem:s29], [sflag:$0x3], $0x1400, $0x38;
	[tilespmem:$0x1E000] =	vst v63  }
0x58: {  	_ =	swait.ge [sflag:s30], $0x1400  }
0x59: {  	[sflag:s30] =	ssyncset.done $0x0  }
0x5a: {  	[sflag:s30] =	ssyncadd.s32 $0xFFFFEC00  }
0x5b: {  	[spmem:s28] =	stream.linear.scatter [tilespmem:s29], [sflag:$0x3], $0x1400, $0x38;
	[tilespmem:$0x1E000] =	vst v63  }
0x5c: {  	_ =	swait.ge [sflag:s30], $0x1400  }
0x5d: {  	[sflag:s30] =	ssyncset.done $0x0  }
0x5e: {  	[sflag:s30] =	ssyncadd.s32 $0xFFFFEC00  }
0x5f: {  	[bflag:$0x0] =	sbarrier.arrive $0xFFFF  }
0x60: {  	[tilespmem:s31], [sflag:$0x3] =	stream.linear.gather [hbm4b:s19+s3], $0x1900, $0x38;
	[tilespmem:$0x1E000] =	vst v63  }
0x61: {  	_ =	swait.ge [sflag:s30], $0x1900  }
0x62: {  	[sflag:s30] =	ssyncset.done $0x0  }
0x63: {  	[sflag:s30] =	ssyncadd.s32 $0xFFFFE700  }
0x64: {  	[tilespmem:s0], [sflag:$0x3] =	stream.linear.gather [hbm4b:s20+s3], $0x1900, $0x38;
	[tilespmem:$0x1E000] =	vst v63  }
0x65: {  	_ =	swait.ge [sflag:s30], $0x1900  }
0x66: {  	[sflag:s30] =	ssyncset.done $0x0  }
0x67: {  	[sflag:s30] =	ssyncadd.s32 $0xFFFFE700  }
0x68: {  	[tilespmem:s29], [sflag:$0x1] =	stream.indirect.gather [hbm4b:s4+s2], $0x80, s31, s2, $0xb8;
	[tilespmem:$0x1E000] =	vst v63  }
0x69: {  	_ = 	snop  }
0x6a: {  	[tilespmem:s7], [sflag:$0x2] =	stream.indirect.gather [hbm4b:s4+s2], $0x80, s5, s2, $0xb8;
	[tilespmem:$0x1E000] =	vst v63  }
0x6b: {  	_ =	swait.ge [sflag:s8], $0x3200  }
0x6c: {  	[sflag:s8] =	ssyncset.done $0x0  }
0x6d: {  	s14 =	simm.s32 $0x14100;
	[sflag:s8] =	ssyncadd.s32 $0xFFFFCE00  }
0x6e: {  	[tilespmem:s29], [sflag:$0x1] =	stream.indirect.gather [hbm4b:s4+s2], $0x80, s14, s2, $0xb8;
	[tilespmem:$0x1E000] =	vst v63  }
0x6f: {  	s15 =	simm.s32 $0x15C00  }
0x70: {  	[spmem:s1] =	stream.indirect.scatter.add.f32 [tilespmem:s29], [sflag:$0x3], $0x80, s15, s2, $0xb8;
	[tilespmem:$0x1E000] =	vst v63  }
0x71: {  	_ =	swait.ge [sflag:s30], $0x3200  }
0x72: {  	[sflag:s30] =	ssyncset.done $0x0  }
0x73: {  	[sflag:s30] =	ssyncadd.s32 $0xFFFFCE00  }
0x74: {  	_ =	swait.ge [sflag:s9], $0x3200  }
0x75: {  	[sflag:s9] =	ssyncset.done $0x0  }
0x76: {  	s14 =	simm.s32 $0x14180;
	[sflag:s9] =	ssyncadd.s32 $0xFFFFCE00  }
0x77: {  	[tilespmem:s7], [sflag:$0x2] =	stream.indirect.gather [hbm4b:s4+s2], $0x80, s14, s2, $0xb8;
	[tilespmem:$0x1E000] =	vst v63  }
0x78: {  	s15 =	simm.s32 $0x15C80  }
0x79: {  	[spmem:s1] =	stream.indirect.scatter.add.f32 [tilespmem:s7], [sflag:$0x3], $0x80, s15, s2, $0xb8;
	[tilespmem:$0x1E000] =	vst v63  }
0x7a: {  	_ =	swait.ge [sflag:s30], $0x3200  }
0x7b: {  	s13 =	simm.s32 $0x400;
	[sflag:s30] =	ssyncset.done $0x0  }
.LBB2_2:
0x7c: {  	p0 =	sne.s32 s13, $0x5C00  }
0x7d: {  	[sflag:s30] =	ssyncadd.s32 $0xFFFFCE00;
	s14 =	smov.u32 s13;
	s13 =	sadd.s32 $0x400, s13  }
0x7e: {  	_ = 	snop  }
0x7f: {  	_ =	swait.ge [sflag:s8], $0x3200  }
0x80: {  	s14 =	sshra.s32 s14, $0x2;
	[sflag:s8] =	ssyncset.done $0x0  }
0x81: {  	s15 =	sadd.s32 $0x14100, s14;
	[sflag:s8] =	ssyncadd.s32 $0xFFFFCE00  }
0x82: {  	[tilespmem:s29], [sflag:$0x1] =	stream.indirect.gather [hbm4b:s4+s2], $0x80, s15, s2, $0xb8;
	[tilespmem:$0x1E000] =	vst v63  }
0x83: {  	s15 =	sadd.s32 $0x15C00, s14  }
0x84: {  	[spmem:s1] =	stream.indirect.scatter.add.f32 [tilespmem:s29], [sflag:$0x3], $0x80, s15, s2, $0xb8;
	[tilespmem:$0x1E000] =	vst v63  }
0x85: {  	_ =	swait.ge [sflag:s30], $0x3200  }
0x86: {  	[sflag:s30] =	ssyncset.done $0x0  }
0x87: {  	[sflag:s30] =	ssyncadd.s32 $0xFFFFCE00  }
0x88: {  	_ =	swait.ge [sflag:s9], $0x3200  }
0x89: {  	[sflag:s9] =	ssyncset.done $0x0  }
0x8a: {  	s15 =	sadd.s32 $0x14180, s14;
	[sflag:s9] =	ssyncadd.s32 $0xFFFFCE00  }
0x8b: {  	[tilespmem:s7], [sflag:$0x2] =	stream.indirect.gather [hbm4b:s4+s2], $0x80, s15, s2, $0xb8;
	[tilespmem:$0x1E000] =	vst v63  }
.Ltmp0:
0x8c: {  	_ = 	snop;
	(pc) =	sbr.rel @p0 .LBB2_2-.Ltmp0, $4  }
0x8d: {  	s14 =	sadd.s32 $0x15C80, s14  }
0x8e: {  	[spmem:s1] =	stream.indirect.scatter.add.f32 [tilespmem:s7], [sflag:$0x3], $0x80, s14, s2, $0xb8;
	[tilespmem:$0x1E000] =	vst v63  }
0x8f: {  	_ =	swait.ge [sflag:s30], $0x3200  }
0x90: {  	[sflag:s30] =	ssyncset.done $0x0  }
0x91: {  	[sflag:s30] =	ssyncadd.s32 $0xFFFFCE00  }
0x92: {  	_ =	swait.ge [sflag:s8], $0x3200  }
0x93: {  	[sflag:s8] =	ssyncset.done $0x0  }
0x94: {  	[sflag:s8] =	ssyncadd.s32 $0xFFFFCE00  }
0x95: {  	[spmem:s1] =	stream.indirect.scatter.add.f32 [tilespmem:s29], [sflag:$0x3], $0x80, s10, s2, $0xb8;
	[tilespmem:$0x1E000] =	vst v63  }
0x96: {  	_ =	swait.ge [sflag:s30], $0x3200  }
0x97: {  	[sflag:s30] =	ssyncset.done $0x0  }
0x98: {  	[sflag:s30] =	ssyncadd.s32 $0xFFFFCE00  }
0x99: {  	_ =	swait.ge [sflag:s9], $0x3200  }
0x9a: {  	[sflag:s9] =	ssyncset.done $0x0  }
0x9b: {  	[sflag:s9] =	ssyncadd.s32 $0xFFFFCE00  }
0x9c: {  	[spmem:s1] =	stream.indirect.scatter.add.f32 [tilespmem:s7], [sflag:$0x3], $0x80, s11, s2, $0xb8;
	[tilespmem:$0x1E000] =	vst v63  }
0x9d: {  	_ =	swait.ge [sflag:s30], $0x3200  }
0x9e: {  	[sflag:s30] =	ssyncset.done $0x0  }
0x9f: {  	s13 =	simm.s32 $0x0;
	[sflag:s30] =	ssyncadd.s32 $0xFFFFCE00  }
0xa0: {  	[tilespmem:s31], [sflag:$0x3] =	stream.linear.gather [hbm4b:s21+s13], $0x1900, $0x38;
	[tilespmem:$0x1E000] =	vst v63  }
0xa1: {  	_ =	swait.ge [sflag:s30], $0x1900  }
0xa2: {  	[sflag:s30] =	ssyncset.done $0x0  }
0xa3: {  	[sflag:s30] =	ssyncadd.s32 $0xFFFFE700  }
0xa4: {  	[tilespmem:s0], [sflag:$0x3] =	stream.linear.gather [hbm4b:s22+s13], $0x1900, $0x38;
	[tilespmem:$0x1E000] =	vst v63  }
0xa5: {  	_ =	swait.ge [sflag:s30], $0x1900  }
0xa6: {  	[sflag:s30] =	ssyncset.done $0x0  }
0xa7: {  	[sflag:s30] =	ssyncadd.s32 $0xFFFFE700  }
0xa8: {  	[tilespmem:s29], [sflag:$0x1] =	stream.indirect.gather [hbm4b:s4+s2], $0x80, s31, s2, $0xb8;
	[tilespmem:$0x1E000] =	vst v63  }
0xa9: {  	_ = 	snop  }
0xaa: {  	[tilespmem:s7], [sflag:$0x2] =	stream.indirect.gather [hbm4b:s4+s2], $0x80, s5, s2, $0xb8;
	[tilespmem:$0x1E000] =	vst v63  }
0xab: {  	_ =	swait.ge [sflag:s8], $0x3200  }
0xac: {  	[sflag:s8] =	ssyncset.done $0x0  }
0xad: {  	s14 =	simm.s32 $0x14100;
	[sflag:s8] =	ssyncadd.s32 $0xFFFFCE00  }
0xae: {  	[tilespmem:s29], [sflag:$0x1] =	stream.indirect.gather [hbm4b:s4+s2], $0x80, s14, s2, $0xb8;
	[tilespmem:$0x1E000] =	vst v63  }
0xaf: {  	s15 =	simm.s32 $0x15C00  }
0xb0: {  	[spmem:s1] =	stream.indirect.scatter.add.f32 [tilespmem:s29], [sflag:$0x3], $0x80, s15, s2, $0xb8;
	[tilespmem:$0x1E000] =	vst v63  }
0xb1: {  	_ =	swait.ge [sflag:s30], $0x3200  }
0xb2: {  	[sflag:s30] =	ssyncset.done $0x0  }
0xb3: {  	[sflag:s30] =	ssyncadd.s32 $0xFFFFCE00  }
0xb4: {  	_ =	swait.ge [sflag:s9], $0x3200  }
0xb5: {  	[sflag:s9] =	ssyncset.done $0x0  }
0xb6: {  	s14 =	simm.s32 $0x14180;
	[sflag:s9] =	ssyncadd.s32 $0xFFFFCE00  }
0xb7: {  	[tilespmem:s7], [sflag:$0x2] =	stream.indirect.gather [hbm4b:s4+s2], $0x80, s14, s2, $0xb8;
	[tilespmem:$0x1E000] =	vst v63  }
0xb8: {  	s15 =	simm.s32 $0x15C80  }
0xb9: {  	[spmem:s1] =	stream.indirect.scatter.add.f32 [tilespmem:s7], [sflag:$0x3], $0x80, s15, s2, $0xb8;
	[tilespmem:$0x1E000] =	vst v63  }
0xba: {  	_ =	swait.ge [sflag:s30], $0x3200  }
0xbb: {  	s13 =	simm.s32 $0x400;
	[sflag:s30] =	ssyncset.done $0x0  }
.LBB2_4:
0xbc: {  	p0 =	sne.s32 s13, $0x5C00  }
0xbd: {  	[sflag:s30] =	ssyncadd.s32 $0xFFFFCE00;
	s14 =	smov.u32 s13;
	s13 =	sadd.s32 $0x400, s13  }
0xbe: {  	_ = 	snop  }
0xbf: {  	_ =	swait.ge [sflag:s8], $0x3200  }
0xc0: {  	s14 =	sshra.s32 s14, $0x2;
	[sflag:s8] =	ssyncset.done $0x0  }
0xc1: {  	s15 =	sadd.s32 $0x14100, s14;
	[sflag:s8] =	ssyncadd.s32 $0xFFFFCE00  }
0xc2: {  	[tilespmem:s29], [sflag:$0x1] =	stream.indirect.gather [hbm4b:s4+s2], $0x80, s15, s2, $0xb8;
	[tilespmem:$0x1E000] =	vst v63  }
0xc3: {  	s15 =	sadd.s32 $0x15C00, s14  }
0xc4: {  	[spmem:s1] =	stream.indirect.scatter.add.f32 [tilespmem:s29], [sflag:$0x3], $0x80, s15, s2, $0xb8;
	[tilespmem:$0x1E000] =	vst v63  }
0xc5: {  	_ =	swait.ge [sflag:s30], $0x3200  }
0xc6: {  	[sflag:s30] =	ssyncset.done $0x0  }
0xc7: {  	[sflag:s30] =	ssyncadd.s32 $0xFFFFCE00  }
0xc8: {  	_ =	swait.ge [sflag:s9], $0x3200  }
0xc9: {  	[sflag:s9] =	ssyncset.done $0x0  }
0xca: {  	s15 =	sadd.s32 $0x14180, s14;
	[sflag:s9] =	ssyncadd.s32 $0xFFFFCE00  }
0xcb: {  	[tilespmem:s7], [sflag:$0x2] =	stream.indirect.gather [hbm4b:s4+s2], $0x80, s15, s2, $0xb8;
	[tilespmem:$0x1E000] =	vst v63  }
.Ltmp1:
0xcc: {  	_ = 	snop;
	(pc) =	sbr.rel @p0 .LBB2_4-.Ltmp1, $4  }
0xcd: {  	s14 =	sadd.s32 $0x15C80, s14  }
0xce: {  	[spmem:s1] =	stream.indirect.scatter.add.f32 [tilespmem:s7], [sflag:$0x3], $0x80, s14, s2, $0xb8;
	[tilespmem:$0x1E000] =	vst v63  }
0xcf: {  	_ =	swait.ge [sflag:s30], $0x3200  }
0xd0: {  	[sflag:s30] =	ssyncset.done $0x0  }
0xd1: {  	[sflag:s30] =	ssyncadd.s32 $0xFFFFCE00  }
0xd2: {  	_ =	swait.ge [sflag:s8], $0x3200  }
0xd3: {  	[sflag:s8] =	ssyncset.done $0x0  }
0xd4: {  	[sflag:s8] =	ssyncadd.s32 $0xFFFFCE00  }
0xd5: {  	[spmem:s1] =	stream.indirect.scatter.add.f32 [tilespmem:s29], [sflag:$0x3], $0x80, s10, s2, $0xb8;
	[tilespmem:$0x1E000] =	vst v63  }
0xd6: {  	_ =	swait.ge [sflag:s30], $0x3200  }
0xd7: {  	[sflag:s30] =	ssyncset.done $0x0  }
0xd8: {  	[sflag:s30] =	ssyncadd.s32 $0xFFFFCE00  }
0xd9: {  	_ =	swait.ge [sflag:s9], $0x3200  }
0xda: {  	[sflag:s9] =	ssyncset.done $0x0  }
0xdb: {  	[sflag:s9] =	ssyncadd.s32 $0xFFFFCE00  }
0xdc: {  	[spmem:s1] =	stream.indirect.scatter.add.f32 [tilespmem:s7], [sflag:$0x3], $0x80, s11, s2, $0xb8;
	[tilespmem:$0x1E000] =	vst v63  }
0xdd: {  	s13 =	stileid.u32;
	_ =	swait.ge [sflag:s30], $0x3200  }
0xde: {  	s14 =	sshrl.u32 s6, $0x3;
	s12 =	sadd.s32 $0x1, s12;
	[sflag:s30] =	ssyncset.done $0x0  }
0xdf: {  	s13 =	sshll.u32 s13, $0x6;
	p0 =	sne.s32 s12, s25;
	[sflag:s30] =	ssyncadd.s32 $0xFFFFCE00  }
.Ltmp2:
0xe0: {  	s13 =	sor.u32 $0x1C03, s13;
	[bflag:$0x0] =	sbarrier.arrive $0xFFFF;
	(pc) =	sbr.rel @p0 .LBB2_1-.Ltmp2, $4  }
0xe1: {  	[hbm:s24], [sflag:s13] =	dma.local [spmem:s14], $0x2800  }
0xe2: {  	_ =	swait.ge [sflag:s30], $0x2800  }
0xe3: {  	[sflag:s30] =	ssyncset.done $0x0  }
0xe4: {  	[sflag:s30] =	ssyncadd.s32 $0xFFFFD800  }
0xe5: {  	_ =	sfence.sel $0x180000  }
0xe6: {  	[bflag:$0x0] =	sbarrier.arrive $0xFFFF  }
0xe7: {  	_ =	strace $0x9000004A  }
0xe8: {  	s0 =	stileid.u32;
	[bflag:$0x2] =	sbarrier.arrive $0xFFFF  }
0xe9: {  	p0 =	sne.s32 s0, $0x0;
	s0 =	rddreg [dreg:$0x2]  }
0xea: {  	s0 =	sadd.s32 @!p0 $0x100000, s0  }
0xeb: {  	[sflag:s0] =	ssyncadd.tile.s32 @!p0 $0x1;
	_ =	shalt  }
.Lfunc_end2:
_tile_overlayer_lowered:
.L_overlay_start_2:
0xec: {  	(tag) =	ssettag $0x2  }
0xed: {  	s0 =	rddreg [dreg:$0x0];
	s2 =	stileid.u32  }
0xee: {  	s1 =	rddreg [dreg:$0x1];
	p0 =	sne.s32 s2, $0x0  }
0xef: {  	s3 =	rddreg [dreg:$0x2];
	[bflag:$0x3] =	sbarrier.arrive $0xFFFF;
	s2 =	simm.s32 @!p0 $0x1C03  }
0xf0: {  	[timem:s3], [sflag:s2] =	dma.local @!p0 [hbm:s0], s1  }
0xf1: {  	s0 =	simm.s32 @!p0 $0x3  }
0xf2: {  	_ =	swait.ge @!p0 [sflag:s0], s1  }
0xf3: {  	s1 =	ssub.s32 @!p0 $0x0, s1;
	[sflag:s0] =	ssyncset.done @!p0 $0x0  }
0xf4: {  	[sflag:s0] =	ssyncadd.s32 @!p0 s1  }
0xf5: {  	[bflag:$0x3] =	sbarrier.arrive $0xFFFF  }
0xf6: {  	_ =	shalt  }

// kernel: kernel.15.cloned.1.call-start
scs
__scs_entry_jumppad:
0x0: {  	(pc) =	sbr.rel $0x88, $3  }
0x1: {  	(tag) =	ssettag $0x0;
	lr =	simm.s32 $0x1  }
0x2: {  	[smem:$0x3F99] =	sst lr;
	_ =	strace $0xD0000000  }
0x3: {  	_ = 	snop  }
0x4: {  	_ = 	snop  }
0x5: {  	_ = 	snop  }
0x6: {  	_ = 	snop  }
0x7: {  	_ = 	snop  }
__scs_overlays_trampoline_lowered:
0x8: {  	[smem:$0x3FA8] =	sst s0  }
0x9: {  	[smem:$0x3FA9] =	sst s1  }
0xa: {  	[smem:$0x3FAA] =	sst s2  }
0xb: {  	[smem:$0x3FAB] =	sst s3  }
0xc: {  	[smem:$0x3FAC] =	sst s4  }
0xd: {  	[smem:$0x3FAD] =	sst s5  }
0xe: {  	[smem:$0x3FAE] =	sst s6  }
0xf: {  	[smem:$0x3FAF] =	sst s7  }
0x10: {  	[smem:$0x3FB0] =	sst s8  }
0x11: {  	[smem:$0x3FB1] =	sst s9;
	s0 =	simm.s32 @!p0 $0x0  }
0x12: {  	s1 =	sld [smem:$0x3F97];
	s0 =	simm.s32 @p0 $0x1  }
0x13: {  	[smem:$0x3FB2] =	sst s0;
	s0 =	simm.s32 @!p1 $0x0  }
0x14: {  	s2 =	sld [smem:$0x3F96];
	s0 =	simm.s32 @p1 $0x1  }
0x15: {  	[smem:$0x3FB3] =	sst s0;
	s0 =	simm.s32 @!p2 $0x0  }
0x16: {  	s3 =	sld [smem:$0x3FDB];
	s0 =	simm.s32 @p2 $0x1  }
0x17: {  	s4 =	simm.s32 $0x1BF5;
	[smem:$0x3FB5] =	sst s0  }
0x18: {  	s0 =	sld [smem:$0x3F98];
	_ =	swait.ge [sflag:s4], $0x0  }
0x19: {  	s7 =	sld [smem:$0x3F99]  }
0x1a: {  	s8 =	sadd.s32 $0xFFFFE003, lr  }
0x1b: {  	s9 =	sadd.s32 $0xFFFFFEF7, lr;
	s5 =	simm.s32 $0xFFFFFFFF;
	p2 =	slt.u32 s8, $0xFFFFF086  }
0x1c: {  	p1 =	slt.u32 s9, $0xF7A;
	s5 =	simm.s32 @!p2 $0x0  }
0x1d: {  	s5 =	simm.s32 @p1 $0x1;
	p0 =	seq.s32 s7, s2  }
0x1e: {  	s7 =	smul.u32 @!p0 $0xF7A, s2;
	p2 =	seq.s32 @!p0 s5, $0x0  }
0x1f: {  	s9 =	smul.u32 $0xF7A, s1;
	s8 =	simm.s32 @!p0 $0x1BF5;
	p2 =	por !p2, p0  }
0x20: {  	[sflag:s8] =	ssyncset.s32 @!p0 $0xFFFFF086;
	s6 =	sadd.s32 @!p0 s3, s7;
	s7 =	simm.s32 @!p0 $0x108  }
0x21: {  	s3 =	sadd.s32 s3, s9;
	s6 =	sadd.s32 @!p0 $0x88, s6;
	s7 =	simm.s32 @p2 $0x1082  }
0x22: {  	[simem:s7], [sflag:s8] =	dma.local @!p0 [hbm:s6], $0xF7A  }
0x23: {  	s9 =	sor.u32 $0xD0000000, s2;
	s6 =	simm.s32 $0x108;
	_ =	swait.ge @!p0 [sflag:s8], $0x0  }
0x24: {  	s3 =	sadd.s32 $0x88, s3;
	s6 =	simm.s32 @!p1 $0x1082;
	[sflag:s4] =	ssyncset.s32 $0xFFFFF086  }
0x25: {  	[simem:s6], [sflag:s4] =	dma.local [hbm:s3], $0xF7A  }
0x26: {  	[smem:$0x3F99] =	sst s1;
	(tag) =	ssettag s2;
	_ =	strace s9  }
0x27: {  	s1 =	sld [smem:$0x3FA9]  }
0x28: {  	s2 =	sld [smem:$0x3FAA]  }
0x29: {  	s4 =	sld [smem:$0x3FAC]  }
0x2a: {  	p0 =	seq.s32 s5, $0x0;
	s5 =	sld [smem:$0x3FAD]  }
0x2b: {  	s6 =	sld [smem:$0x3FAE]  }
0x2c: {  	s7 =	sld [smem:$0x3FAF]  }
0x2d: {  	s3 =	simm.s32 $0x108;
	s8 =	sld [smem:$0x3FB0]  }
0x2e: {  	s3 =	simm.s32 @!p0 $0x1082;
	s9 =	sld [smem:$0x3FB1]  }
0x2f: {  	lr =	sadd.s32 s0, s3;
	s0 =	sld [smem:$0x3FA8]  }
0x30: {  	s3 =	sld [smem:$0x3FAB]  }
0x31: {  	[smem:$0x3FB4] =	sst s10  }
0x32: {  	s10 =	sld [smem:$0x3FB2];
	_ =	sdelay $0x3  }
0x33: {  	p0 =	seq.s32 s10, $0x1;
	s10 =	sld [smem:$0x3FB4];
	_ =	sdelay $0x3  }
0x34: {  	[smem:$0x3FB4] =	sst s10  }
0x35: {  	s10 =	sld [smem:$0x3FB3];
	_ =	sdelay $0x3  }
0x36: {  	p1 =	seq.s32 s10, $0x1;
	s10 =	sld [smem:$0x3FB4];
	_ =	sdelay $0x3  }
0x37: {  	[smem:$0x3FB4] =	sst s10  }
0x38: {  	s10 =	sld [smem:$0x3FB5]  }
0x39: {  	_ = 	snop;
	(pc) =	sbr.ind lr, $3  }
0x3a: {  	_ = 	snop  }
0x3b: {  	_ = 	snop  }
0x3c: {  	p2 =	seq.s32 s10, $0x1;
	s10 =	sld [smem:$0x3FB4]  }
0x3d: {  	_ =	shalt  }
0x3e: {  	_ =	shalt  }
0x3f: {  	_ =	shalt  }
0x40: {  	_ =	shalt  }
0x41: {  	_ =	shalt  }
0x42: {  	_ =	shalt  }
0x43: {  	_ =	shalt  }
0x44: {  	_ =	shalt  }
0x45: {  	_ =	shalt  }
0x46: {  	_ =	shalt  }
0x47: {  	_ =	shalt  }
0x48: {  	_ =	shalt  }
0x49: {  	_ =	shalt  }
0x4a: {  	_ =	shalt  }
0x4b: {  	_ =	shalt  }
0x4c: {  	_ =	shalt  }
0x4d: {  	_ =	shalt  }
0x4e: {  	_ =	shalt  }
0x4f: {  	_ =	shalt  }
0x50: {  	_ =	shalt  }
0x51: {  	_ =	shalt  }
0x52: {  	_ =	shalt  }
0x53: {  	_ =	shalt  }
0x54: {  	_ =	shalt  }
0x55: {  	_ =	shalt  }
0x56: {  	_ =	shalt  }
0x57: {  	_ =	shalt  }
0x58: {  	_ =	shalt  }
0x59: {  	_ =	shalt  }
0x5a: {  	_ =	shalt  }
0x5b: {  	_ =	shalt  }
0x5c: {  	_ =	shalt  }
0x5d: {  	_ =	shalt  }
0x5e: {  	_ =	shalt  }
0x5f: {  	_ =	shalt  }
0x60: {  	_ =	shalt  }
0x61: {  	_ =	shalt  }
0x62: {  	_ =	shalt  }
0x63: {  	_ =	shalt  }
0x64: {  	_ =	shalt  }
0x65: {  	_ =	shalt  }
0x66: {  	_ =	shalt  }
0x67: {  	_ =	shalt  }
0x68: {  	_ =	shalt  }
0x69: {  	_ =	shalt  }
0x6a: {  	_ =	shalt  }
0x6b: {  	_ =	shalt  }
0x6c: {  	_ =	shalt  }
0x6d: {  	_ =	shalt  }
0x6e: {  	_ =	shalt  }
0x6f: {  	_ =	shalt  }
0x70: {  	_ =	shalt  }
0x71: {  	_ =	shalt  }
0x72: {  	_ =	shalt  }
0x73: {  	_ =	shalt  }
0x74: {  	_ =	shalt  }
0x75: {  	_ =	shalt  }
0x76: {  	_ =	shalt  }
0x77: {  	_ =	shalt  }
0x78: {  	_ =	shalt  }
0x79: {  	_ =	shalt  }
0x7a: {  	_ =	shalt  }
0x7b: {  	_ =	shalt  }
0x7c: {  	_ =	shalt  }
0x7d: {  	_ =	shalt  }
0x7e: {  	_ =	shalt  }
0x7f: {  	_ =	shalt  }
0x80: {  	_ =	shalt  }
0x81: {  	_ =	shalt  }
0x82: {  	_ =	shalt  }
0x83: {  	_ =	shalt  }
0x84: {  	_ =	shalt  }
0x85: {  	_ =	shalt  }
0x86: {  	_ =	shalt  }
0x87: {  	_ =	shalt  }
.Lfunc_end0:
.L_simem_size_0:
called_computation.2_lowered:
.L_overlay_start_0:
0x88: {  	s2 =	sld [smem:$0x3FD9]  }
0x89: {  	s3 =	sld [smem:$0x3FFE];
	_ =	sdelay $0x1  }
0x8a: {  	s1 =	srdreg.scid  }
0x8b: {  	s0 =	sand.u32 $0x1, s1  }
0x8c: {  	s16 =	sshll.u32 s0, $0xA;
	s2 =	sadd.s32 s3, s2  }
0x8d: {  	s2 =	sadd.s32 s2, s16  }
0x8e: {  	[smem:$0x3FC0] =	sst s2  }
0x8f: {  	_ = 	snop  }
0x90: {  	(tm) =	ssettm $0x1  }
0x91: {  	s17 =	sld [smem:$0x3FFB];
	_ =	sdelay $0x3  }
0x92: {  	_ =	strace s17  }
0x93: {  	s2 =	sld [smem:$0x3FFC];
	_ =	sdelay $0x3  }
0x94: {  	_ =	strace s2  }
0x95: {  	s2 =	sld [smem:$0x3FFD];
	_ =	sdelay $0x3  }
0x96: {  	_ =	strace s2  }
0x97: {  	_ =	strace $0x8FFFFFFF  }
0x98: {  	s18 =	sld [smem:$0x3FDB];
	_ =	sdelay $0x1  }
0x99: {  	s19 =	simm.s32 $_scs_section_size  }
0x9a: {  	s4 =	simm.s32 $_size__tile_overlayer_lowered;
	s5 =	simm.s32 $_tile_overlayer_lowered  }
0x9b: {  	s22 =	simm.s32 $0x1BFF;
	s21 =	sshll.u32 s5, $0x1;
	s2 =	sadd.s32 s19, s18  }
0x9c: {  	s6 =	simm.s32 $0x0;
	s20 =	sshll.u32 s4, $0x1;
	s4 =	sadd.s32 s21, s2  }
0x9d: {  	[timem:s6], [sflag:s22] =	dma.local [hbm:s4], s20  }
0x9e: {  	_ =	swait.ge [sflag:s22], s20  }
0x9f: {  	s3 =	ssub.s32 $0x0, s20;
	[sflag:s22] =	ssyncset.done $0x0  }
0xa0: {  	[sflag:s22] =	ssyncadd.s32 s3;
	_ =	sdelay $0x1  }
0xa1: {  	s23 =	simm.s32 $0x1B8B  }
0xa2: {  	_ =	swait.ge [sflag:s23], $0x1  }
0xa3: {  	[sflag:s23] =	ssyncset.done $0x0  }
0xa4: {  	s25 =	simm.s32 $0x1B8E;
	s24 =	sld [smem:$0x3FFE];
	[sflag:s23] =	ssyncadd.s32 $0xFFFFFFFF  }
0xa5: {  	s26 =	simm.s32 $execute0_lowered;
	[smem:$0x3FD2] =	sst s25  }
0xa6: {  	s4 =	sshll.u32 s26, $0x1;
	_ =	strace $0x8000004C;
	[dreg:$0x1] =	wrdreg $0xFFFFFFFF  }
0xa7: {  	s28 =	simm.s32 $_size_execute0_lowered;
	s2 =	sadd.s32 s2, s4;
	[dreg:$0x0] =	wrdreg $0x0  }
0xa8: {  	s4 =	sshll.u32 s28, $0x1;
	[dreg:$0x2] =	wrdreg s2  }
0xa9: {  	[dreg:$0x3] =	wrdreg s4  }
0xaa: {  	[dreg:$0x4] =	wrdreg $0xC0  }
0xab: {  	_ =	task [dreg:s6], $0x5FFFF  }
0xac: {  	[dreg:$0x1] =	wrdreg $0xFFFFFFFF  }
0xad: {  	[dreg:$0x0] =	wrdreg $0x60  }
0xae: {  	[dreg:$0x2] =	wrdreg s24  }
0xaf: {  	[dreg:$0x3] =	wrdreg $0x0  }
0xb0: {  	[dreg:$0x4] =	wrdreg $0x9  }
0xb1: {  	_ =	task.clear_ibuf [dreg:s6], $0x5FFFF;
	_ =	strace $0x9000004C  }
0xb2: {  	s29 =	simm.s32 $0x9;
	_ =	strace $0x8000004E  }
0xb3: {  	_ =	swait.ge [sflag:s29], $0x1  }
0xb4: {  	[sflag:s29] =	ssyncadd.s32 $0xFFFFFFFF  }
0xb5: {  	_ =	strace $0x9000004E  }
0xb6: {  	_ =	sfence  }
0xb7: {  	s30 =	sld [smem:$0x0];
	_ =	sdelay $0x2  }
0xb8: {  	s31 =	sshll.u32 s1, $0xD;
	s1 =	sshrl.u32 s1, $0x2  }
0xb9: {  	s3 =	sand.u32 $0x4000, s31;
	s1 =	sadd.s32 s1, s30  }
0xba: {  	s0 =	sor.u32 s3, s0;
	s1 =	sshll.u32 s1, $0x11  }
0xbb: {  	s0 =	sor.u32 s1, s0  }
0xbc: {  	s0 =	sadd.s32 $0x8F2B, s0  }
0xbd: {  	[sflag:s0] =	ssyncadd.remote.s32 $0x1  }
0xbe: {  	_ =	sfence.sel $0xFFFF  }
0xbf: {  	[dreg:$0x0] =	wrdreg $0xFFFFFFFF;
	(pc) =	sbr.abs _section_cstart, $3  }
0xc0: {  	[dreg:$0x1] =	wrdreg $0xFFFFFFFF  }
0xc1: {  	_ =	task.clear_ibuf [dreg:s6], $0x2FFFF;
	_ =	strace $0x9FFFFFFF  }
0xc2: {  	(tm) =	ssettm $0x7FFFFFFF  }
0xc3: {  	_ =	shalt  }
tec
execute0_lowered:
.L_overlay_start_1:
0x0: {  	(tag) =	ssettag $0x1  }
0x1: {  	s0 =	rddreg [dreg:$0x0]  }
0x2: {  	s1 =	rddreg [dreg:$0x1]  }
0x3: {  	s2 =	srdreg.scid;
	s3 =	simm.s32 $0x0;
	s10 =	stileid.u32  }
0x4: {  	s29 =	simm.s32 $0x17800;
	s30 =	simm.s32 $0x3;
	s31 =	simm.s32 $0x14000  }
0x5: {  	s11 =	simm.s32 $0x17480;
	s12 =	simm.s32 $0x0;
	s6 =	smul.u32 $0x14000, s10  }
0x6: {  	s2 =	sand.u32 $0x1, s2;
	[smem:$0x7FF] =	sst s3;
	s14 =	smul.u32 $0x50000, s10  }
0x7: {  	s4 =	sadd.s32 $0x32C00, s0;
	s7 =	sadd.s32 $0x24C00, s0;
	s5 =	smul.u32 $0x140000, s2  }
0x8: {  	s8 =	sadd.s32 $0x16C00, s0;
	s9 =	sadd.s32 $0x2600, s0;
	_ =	strace $0x8000004D  }
0x9: {  	[dreg:$0x3] =	wrdreg s9;
	s5 =	sadd.s32 s6, s5;
	s6 =	sshrl.u32 s14, $0x2  }
0xa: {  	s15 =	ssub.s32 $0x2, s2;
	s2 =	sshll.u32 s2, $0x4;
	s6 =	sadd.s32 s6, s1  }
0xb: {  	s9 =	simm.s32 $0x2;
	s16 =	sshrl.u32 s15, $0x1;
	s17 =	sadd.s32 $0x1400, s6  }
0xc: {  	s2 =	sor.u32 s10, s2;
	s18 =	sadd.s32 $0x2800, s6;
	[dreg:$0x4] =	wrdreg s17  }
0xd: {  	s10 =	simm.s32 $0x17400;
	s19 =	sadd.s32 $0x3C00, s6;
	[dreg:$0x5] =	wrdreg s18  }
0xe: {  	s2 =	smul.u32 $0x3800, s2;
	s20 =	sadd.s32 $0x5000, s6;
	[dreg:$0x6] =	wrdreg s19  }
0xf: {  	s5 =	sshrl.u32 s5, $0x3;
	s21 =	sadd.s32 $0x6400, s6;
	[dreg:$0x7] =	wrdreg s20  }
0x10: {  	s0 =	sadd.s32 s5, s0;
	s22 =	sadd.s32 $0x7800, s6;
	[dreg:$0x8] =	wrdreg s21  }
0x11: {  	s5 =	ssub.s32 s15, s16;
	s23 =	sadd.s32 $0x8C00, s6;
	[dreg:$0x9] =	wrdreg s22  }
0x12: {  	s24 =	sadd.s32 $0xA000, s6;
	s25 =	sadd.s32 $0xB400, s6;
	[dreg:$0xa] =	wrdreg s23  }
0x13: {  	s16 =	sadd.s32 $0xC800, s6;
	s2 =	sshrl.u32 s2, $0x3;
	[dreg:$0xb] =	wrdreg s24  }
0x14: {  	s28 =	sadd.s32 $0x12C00, s6;
	[dreg:$0xc] =	wrdreg s25;
	s17 =	sadd.s32 $0xDC00, s6  }
0x15: {  	s18 =	sadd.s32 $0xF000, s6;
	s26 =	sadd.s32 $0x380, s2;
	s19 =	sadd.s32 s7, s2  }
0x16: {  	s20 =	sadd.s32 s8, s2;
	s23 =	sadd.s32 $0x10400, s6;
	s24 =	sadd.s32 $0x59E00, s0  }
0x17: {  	s25 =	smax.u32 s5, $0x1;
	s0 =	simm.s32 $0x15C00;
	s2 =	simm.s32 $0x64  }
0x18: {  	s5 =	simm.s32 $0x14080;
	s21 =	sadd.s32 s7, s26;
	s22 =	sadd.s32 s8, s26  }
0x19: {  	s26 =	sadd.s32 $0x11800, s6;
	s7 =	simm.s32 $0x1AC00;
	s8 =	simm.s32 $0x1  }
.LBB2_1:
0x1a: {  	s13 =	rddreg [dreg:$0x3]  }
0x1b: {  	[tilespmem:s29], [sflag:$0x3] =	stream.linear.gather [hbm4b:s13+s3], $0x3200, $0x38;
	[tilespmem:$0x1E000] =	vst v63  }
0x1c: {  	_ =	swait.ge [sflag:s30], $0x3200  }
0x1d: {  	[sflag:s30] =	ssyncset.done $0x0  }
0x1e: {  	[sflag:s30] =	ssyncadd.s32 $0xFFFFCE00  }
0x1f: {  	[spmem:s6] =	stream.linear.scatter [tilespmem:s29], [sflag:$0x3], $0x1400, $0x38;
	[tilespmem:$0x1E000] =	vst v63  }
0x20: {  	_ =	swait.ge [sflag:s30], $0x1400  }
0x21: {  	[sflag:s30] =	ssyncset.done $0x0  }
0x22: {  	s15 =	rddreg [dreg:$0x4];
	[sflag:s30] =	ssyncadd.s32 $0xFFFFEC00  }
0x23: {  	[spmem:s15] =	stream.linear.scatter [tilespmem:s29], [sflag:$0x3], $0x1400, $0x38;
	[tilespmem:$0x1E000] =	vst v63  }
0x24: {  	_ =	swait.ge [sflag:s30], $0x1400  }
0x25: {  	[sflag:s30] =	ssyncset.done $0x0  }
0x26: {  	s14 =	rddreg [dreg:$0x5];
	[sflag:s30] =	ssyncadd.s32 $0xFFFFEC00  }
0x27: {  	[spmem:s14] =	stream.linear.scatter [tilespmem:s29], [sflag:$0x3], $0x1400, $0x38;
	[tilespmem:$0x1E000] =	vst v63  }
0x28: {  	_ =	swait.ge [sflag:s30], $0x1400  }
0x29: {  	[sflag:s30] =	ssyncset.done $0x0  }
0x2a: {  	s15 =	rddreg [dreg:$0x6];
	[sflag:s30] =	ssyncadd.s32 $0xFFFFEC00  }
0x2b: {  	[spmem:s15] =	stream.linear.scatter [tilespmem:s29], [sflag:$0x3], $0x1400, $0x38;
	[tilespmem:$0x1E000] =	vst v63  }
0x2c: {  	_ =	swait.ge [sflag:s30], $0x1400  }
0x2d: {  	[sflag:s30] =	ssyncset.done $0x0  }
0x2e: {  	s14 =	rddreg [dreg:$0x7];
	[sflag:s30] =	ssyncadd.s32 $0xFFFFEC00  }
0x2f: {  	[spmem:s14] =	stream.linear.scatter [tilespmem:s29], [sflag:$0x3], $0x1400, $0x38;
	[tilespmem:$0x1E000] =	vst v63  }
0x30: {  	_ =	swait.ge [sflag:s30], $0x1400  }
0x31: {  	[sflag:s30] =	ssyncset.done $0x0  }
0x32: {  	s15 =	rddreg [dreg:$0x8];
	[sflag:s30] =	ssyncadd.s32 $0xFFFFEC00  }
0x33: {  	[spmem:s15] =	stream.linear.scatter [tilespmem:s29], [sflag:$0x3], $0x1400, $0x38;
	[tilespmem:$0x1E000] =	vst v63  }
0x34: {  	_ =	swait.ge [sflag:s30], $0x1400  }
0x35: {  	[sflag:s30] =	ssyncset.done $0x0  }
0x36: {  	s14 =	rddreg [dreg:$0x9];
	[sflag:s30] =	ssyncadd.s32 $0xFFFFEC00  }
0x37: {  	[spmem:s14] =	stream.linear.scatter [tilespmem:s29], [sflag:$0x3], $0x1400, $0x38;
	[tilespmem:$0x1E000] =	vst v63  }
0x38: {  	_ =	swait.ge [sflag:s30], $0x1400  }
0x39: {  	[sflag:s30] =	ssyncset.done $0x0  }
0x3a: {  	s15 =	rddreg [dreg:$0xa];
	[sflag:s30] =	ssyncadd.s32 $0xFFFFEC00  }
0x3b: {  	[spmem:s15] =	stream.linear.scatter [tilespmem:s29], [sflag:$0x3], $0x1400, $0x38;
	[tilespmem:$0x1E000] =	vst v63  }
0x3c: {  	_ =	swait.ge [sflag:s30], $0x1400  }
0x3d: {  	[sflag:s30] =	ssyncset.done $0x0  }
0x3e: {  	s14 =	rddreg [dreg:$0xb];
	[sflag:s30] =	ssyncadd.s32 $0xFFFFEC00  }
0x3f: {  	[spmem:s14] =	stream.linear.scatter [tilespmem:s29], [sflag:$0x3], $0x1400, $0x38;
	[tilespmem:$0x1E000] =	vst v63  }
0x40: {  	_ =	swait.ge [sflag:s30], $0x1400  }
0x41: {  	[sflag:s30] =	ssyncset.done $0x0  }
0x42: {  	s15 =	rddreg [dreg:$0xc];
	[sflag:s30] =	ssyncadd.s32 $0xFFFFEC00  }
0x43: {  	[spmem:s15] =	stream.linear.scatter [tilespmem:s29], [sflag:$0x3], $0x1400, $0x38;
	[tilespmem:$0x1E000] =	vst v63  }
0x44: {  	_ =	swait.ge [sflag:s30], $0x1400  }
0x45: {  	[sflag:s30] =	ssyncset.done $0x0  }
0x46: {  	[sflag:s30] =	ssyncadd.s32 $0xFFFFEC00  }
0x47: {  	[spmem:s16] =	stream.linear.scatter [tilespmem:s29], [sflag:$0x3], $0x1400, $0x38;
	[tilespmem:$0x1E000] =	vst v63  }
0x48: {  	_ =	swait.ge [sflag:s30], $0x1400  }
0x49: {  	[sflag:s30] =	ssyncset.done $0x0  }
0x4a: {  	[sflag:s30] =	ssyncadd.s32 $0xFFFFEC00  }
0x4b: {  	[spmem:s17] =	stream.linear.scatter [tilespmem:s29], [sflag:$0x3], $0x1400, $0x38;
	[tilespmem:$0x1E000] =	vst v63  }
0x4c: {  	_ =	swait.ge [sflag:s30], $0x1400  }
0x4d: {  	[sflag:s30] =	ssyncset.done $0x0  }
0x4e: {  	[sflag:s30] =	ssyncadd.s32 $0xFFFFEC00  }
0x4f: {  	[spmem:s18] =	stream.linear.scatter [tilespmem:s29], [sflag:$0x3], $0x1400, $0x38;
	[tilespmem:$0x1E000] =	vst v63  }
0x50: {  	_ =	swait.ge [sflag:s30], $0x1400  }
0x51: {  	[sflag:s30] =	ssyncset.done $0x0  }
0x52: {  	[sflag:s30] =	ssyncadd.s32 $0xFFFFEC00  }
0x53: {  	[spmem:s23] =	stream.linear.scatter [tilespmem:s29], [sflag:$0x3], $0x1400, $0x38;
	[tilespmem:$0x1E000] =	vst v63  }
0x54: {  	_ =	swait.ge [sflag:s30], $0x1400  }
0x55: {  	[sflag:s30] =	ssyncset.done $0x0  }
0x56: {  	[sflag:s30] =	ssyncadd.s32 $0xFFFFEC00  }
0x57: {  	[spmem:s26] =	stream.linear.scatter [tilespmem:s29], [sflag:$0x3], $0x1400, $0x38;
	[tilespmem:$0x1E000] =	vst v63  }
0x58: {  	_ =	swait.ge [sflag:s30], $0x1400  }
0x59: {  	[sflag:s30] =	ssyncset.done $0x0  }
0x5a: {  	[sflag:s30] =	ssyncadd.s32 $0xFFFFEC00  }
0x5b: {  	[spmem:s28] =	stream.linear.scatter [tilespmem:s29], [sflag:$0x3], $0x1400, $0x38;
	[tilespmem:$0x1E000] =	vst v63  }
0x5c: {  	_ =	swait.ge [sflag:s30], $0x1400  }
0x5d: {  	[sflag:s30] =	ssyncset.done $0x0  }
0x5e: {  	[sflag:s30] =	ssyncadd.s32 $0xFFFFEC00  }
0x5f: {  	[bflag:$0x0] =	sbarrier.arrive $0xFFFF  }
0x60: {  	[tilespmem:s31], [sflag:$0x3] =	stream.linear.gather [hbm4b:s19+s3], $0x1900, $0x38;
	[tilespmem:$0x1E000] =	vst v63  }
0x61: {  	_ =	swait.ge [sflag:s30], $0x1900  }
0x62: {  	[sflag:s30] =	ssyncset.done $0x0  }
0x63: {  	[sflag:s30] =	ssyncadd.s32 $0xFFFFE700  }
0x64: {  	[tilespmem:s0], [sflag:$0x3] =	stream.linear.gather [hbm4b:s20+s3], $0x1900, $0x38;
	[tilespmem:$0x1E000] =	vst v63  }
0x65: {  	_ =	swait.ge [sflag:s30], $0x1900  }
0x66: {  	[sflag:s30] =	ssyncset.done $0x0  }
0x67: {  	[sflag:s30] =	ssyncadd.s32 $0xFFFFE700  }
0x68: {  	[tilespmem:s29], [sflag:$0x1] =	stream.indirect.gather [hbm4b:s4+s2], $0x80, s31, s2, $0xb8;
	[tilespmem:$0x1E000] =	vst v63  }
0x69: {  	_ = 	snop  }
0x6a: {  	[tilespmem:s7], [sflag:$0x2] =	stream.indirect.gather [hbm4b:s4+s2], $0x80, s5, s2, $0xb8;
	[tilespmem:$0x1E000] =	vst v63  }
0x6b: {  	_ =	swait.ge [sflag:s8], $0x3200  }
0x6c: {  	[sflag:s8] =	ssyncset.done $0x0  }
0x6d: {  	s14 =	simm.s32 $0x14100;
	[sflag:s8] =	ssyncadd.s32 $0xFFFFCE00  }
0x6e: {  	[tilespmem:s29], [sflag:$0x1] =	stream.indirect.gather [hbm4b:s4+s2], $0x80, s14, s2, $0xb8;
	[tilespmem:$0x1E000] =	vst v63  }
0x6f: {  	s15 =	simm.s32 $0x15C00  }
0x70: {  	[spmem:s1] =	stream.indirect.scatter.add.f32 [tilespmem:s29], [sflag:$0x3], $0x80, s15, s2, $0xb8;
	[tilespmem:$0x1E000] =	vst v63  }
0x71: {  	_ =	swait.ge [sflag:s30], $0x3200  }
0x72: {  	[sflag:s30] =	ssyncset.done $0x0  }
0x73: {  	[sflag:s30] =	ssyncadd.s32 $0xFFFFCE00  }
0x74: {  	_ =	swait.ge [sflag:s9], $0x3200  }
0x75: {  	[sflag:s9] =	ssyncset.done $0x0  }
0x76: {  	s14 =	simm.s32 $0x14180;
	[sflag:s9] =	ssyncadd.s32 $0xFFFFCE00  }
0x77: {  	[tilespmem:s7], [sflag:$0x2] =	stream.indirect.gather [hbm4b:s4+s2], $0x80, s14, s2, $0xb8;
	[tilespmem:$0x1E000] =	vst v63  }
0x78: {  	s15 =	simm.s32 $0x15C80  }
0x79: {  	[spmem:s1] =	stream.indirect.scatter.add.f32 [tilespmem:s7], [sflag:$0x3], $0x80, s15, s2, $0xb8;
	[tilespmem:$0x1E000] =	vst v63  }
0x7a: {  	_ =	swait.ge [sflag:s30], $0x3200  }
0x7b: {  	s13 =	simm.s32 $0x400;
	[sflag:s30] =	ssyncset.done $0x0  }
.LBB2_2:
0x7c: {  	p0 =	sne.s32 s13, $0x5C00  }
0x7d: {  	[sflag:s30] =	ssyncadd.s32 $0xFFFFCE00;
	s14 =	smov.u32 s13;
	s13 =	sadd.s32 $0x400, s13  }
0x7e: {  	_ = 	snop  }
0x7f: {  	_ =	swait.ge [sflag:s8], $0x3200  }
0x80: {  	s14 =	sshra.s32 s14, $0x2;
	[sflag:s8] =	ssyncset.done $0x0  }
0x81: {  	s15 =	sadd.s32 $0x14100, s14;
	[sflag:s8] =	ssyncadd.s32 $0xFFFFCE00  }
0x82: {  	[tilespmem:s29], [sflag:$0x1] =	stream.indirect.gather [hbm4b:s4+s2], $0x80, s15, s2, $0xb8;
	[tilespmem:$0x1E000] =	vst v63  }
0x83: {  	s15 =	sadd.s32 $0x15C00, s14  }
0x84: {  	[spmem:s1] =	stream.indirect.scatter.add.f32 [tilespmem:s29], [sflag:$0x3], $0x80, s15, s2, $0xb8;
	[tilespmem:$0x1E000] =	vst v63  }
0x85: {  	_ =	swait.ge [sflag:s30], $0x3200  }
0x86: {  	[sflag:s30] =	ssyncset.done $0x0  }
0x87: {  	[sflag:s30] =	ssyncadd.s32 $0xFFFFCE00  }
0x88: {  	_ =	swait.ge [sflag:s9], $0x3200  }
0x89: {  	[sflag:s9] =	ssyncset.done $0x0  }
0x8a: {  	s15 =	sadd.s32 $0x14180, s14;
	[sflag:s9] =	ssyncadd.s32 $0xFFFFCE00  }
0x8b: {  	[tilespmem:s7], [sflag:$0x2] =	stream.indirect.gather [hbm4b:s4+s2], $0x80, s15, s2, $0xb8;
	[tilespmem:$0x1E000] =	vst v63  }
.Ltmp0:
0x8c: {  	_ = 	snop;
	(pc) =	sbr.rel @p0 .LBB2_2-.Ltmp0, $4  }
0x8d: {  	s14 =	sadd.s32 $0x15C80, s14  }
0x8e: {  	[spmem:s1] =	stream.indirect.scatter.add.f32 [tilespmem:s7], [sflag:$0x3], $0x80, s14, s2, $0xb8;
	[tilespmem:$0x1E000] =	vst v63  }
0x8f: {  	_ =	swait.ge [sflag:s30], $0x3200  }
0x90: {  	[sflag:s30] =	ssyncset.done $0x0  }
0x91: {  	[sflag:s30] =	ssyncadd.s32 $0xFFFFCE00  }
0x92: {  	_ =	swait.ge [sflag:s8], $0x3200  }
0x93: {  	[sflag:s8] =	ssyncset.done $0x0  }
0x94: {  	[sflag:s8] =	ssyncadd.s32 $0xFFFFCE00  }
0x95: {  	[spmem:s1] =	stream.indirect.scatter.add.f32 [tilespmem:s29], [sflag:$0x3], $0x80, s10, s2, $0xb8;
	[tilespmem:$0x1E000] =	vst v63  }
0x96: {  	_ =	swait.ge [sflag:s30], $0x3200  }
0x97: {  	[sflag:s30] =	ssyncset.done $0x0  }
0x98: {  	[sflag:s30] =	ssyncadd.s32 $0xFFFFCE00  }
0x99: {  	_ =	swait.ge [sflag:s9], $0x3200  }
0x9a: {  	[sflag:s9] =	ssyncset.done $0x0  }
0x9b: {  	[sflag:s9] =	ssyncadd.s32 $0xFFFFCE00  }
0x9c: {  	[spmem:s1] =	stream.indirect.scatter.add.f32 [tilespmem:s7], [sflag:$0x3], $0x80, s11, s2, $0xb8;
	[tilespmem:$0x1E000] =	vst v63  }
0x9d: {  	_ =	swait.ge [sflag:s30], $0x3200  }
0x9e: {  	[sflag:s30] =	ssyncset.done $0x0  }
0x9f: {  	s13 =	simm.s32 $0x0;
	[sflag:s30] =	ssyncadd.s32 $0xFFFFCE00  }
0xa0: {  	[tilespmem:s31], [sflag:$0x3] =	stream.linear.gather [hbm4b:s21+s13], $0x1900, $0x38;
	[tilespmem:$0x1E000] =	vst v63  }
0xa1: {  	_ =	swait.ge [sflag:s30], $0x1900  }
0xa2: {  	[sflag:s30] =	ssyncset.done $0x0  }
0xa3: {  	[sflag:s30] =	ssyncadd.s32 $0xFFFFE700  }
0xa4: {  	[tilespmem:s0], [sflag:$0x3] =	stream.linear.gather [hbm4b:s22+s13], $0x1900, $0x38;
	[tilespmem:$0x1E000] =	vst v63  }
0xa5: {  	_ =	swait.ge [sflag:s30], $0x1900  }
0xa6: {  	[sflag:s30] =	ssyncset.done $0x0  }
0xa7: {  	[sflag:s30] =	ssyncadd.s32 $0xFFFFE700  }
0xa8: {  	[tilespmem:s29], [sflag:$0x1] =	stream.indirect.gather [hbm4b:s4+s2], $0x80, s31, s2, $0xb8;
	[tilespmem:$0x1E000] =	vst v63  }
0xa9: {  	_ = 	snop  }
0xaa: {  	[tilespmem:s7], [sflag:$0x2] =	stream.indirect.gather [hbm4b:s4+s2], $0x80, s5, s2, $0xb8;
	[tilespmem:$0x1E000] =	vst v63  }
0xab: {  	_ =	swait.ge [sflag:s8], $0x3200  }
0xac: {  	[sflag:s8] =	ssyncset.done $0x0  }
0xad: {  	s14 =	simm.s32 $0x14100;
	[sflag:s8] =	ssyncadd.s32 $0xFFFFCE00  }
0xae: {  	[tilespmem:s29], [sflag:$0x1] =	stream.indirect.gather [hbm4b:s4+s2], $0x80, s14, s2, $0xb8;
	[tilespmem:$0x1E000] =	vst v63  }
0xaf: {  	s15 =	simm.s32 $0x15C00  }
0xb0: {  	[spmem:s1] =	stream.indirect.scatter.add.f32 [tilespmem:s29], [sflag:$0x3], $0x80, s15, s2, $0xb8;
	[tilespmem:$0x1E000] =	vst v63  }
0xb1: {  	_ =	swait.ge [sflag:s30], $0x3200  }
0xb2: {  	[sflag:s30] =	ssyncset.done $0x0  }
0xb3: {  	[sflag:s30] =	ssyncadd.s32 $0xFFFFCE00  }
0xb4: {  	_ =	swait.ge [sflag:s9], $0x3200  }
0xb5: {  	[sflag:s9] =	ssyncset.done $0x0  }
0xb6: {  	s14 =	simm.s32 $0x14180;
	[sflag:s9] =	ssyncadd.s32 $0xFFFFCE00  }
0xb7: {  	[tilespmem:s7], [sflag:$0x2] =	stream.indirect.gather [hbm4b:s4+s2], $0x80, s14, s2, $0xb8;
	[tilespmem:$0x1E000] =	vst v63  }
0xb8: {  	s15 =	simm.s32 $0x15C80  }
0xb9: {  	[spmem:s1] =	stream.indirect.scatter.add.f32 [tilespmem:s7], [sflag:$0x3], $0x80, s15, s2, $0xb8;
	[tilespmem:$0x1E000] =	vst v63  }
0xba: {  	_ =	swait.ge [sflag:s30], $0x3200  }
0xbb: {  	s13 =	simm.s32 $0x400;
	[sflag:s30] =	ssyncset.done $0x0  }
.LBB2_4:
0xbc: {  	p0 =	sne.s32 s13, $0x5C00  }
0xbd: {  	[sflag:s30] =	ssyncadd.s32 $0xFFFFCE00;
	s14 =	smov.u32 s13;
	s13 =	sadd.s32 $0x400, s13  }
0xbe: {  	_ = 	snop  }
0xbf: {  	_ =	swait.ge [sflag:s8], $0x3200  }
0xc0: {  	s14 =	sshra.s32 s14, $0x2;
	[sflag:s8] =	ssyncset.done $0x0  }
0xc1: {  	s15 =	sadd.s32 $0x14100, s14;
	[sflag:s8] =	ssyncadd.s32 $0xFFFFCE00  }
0xc2: {  	[tilespmem:s29], [sflag:$0x1] =	stream.indirect.gather [hbm4b:s4+s2], $0x80, s15, s2, $0xb8;
	[tilespmem:$0x1E000] =	vst v63  }
0xc3: {  	s15 =	sadd.s32 $0x15C00, s14  }
0xc4: {  	[spmem:s1] =	stream.indirect.scatter.add.f32 [tilespmem:s29], [sflag:$0x3], $0x80, s15, s2, $0xb8;
	[tilespmem:$0x1E000] =	vst v63  }
0xc5: {  	_ =	swait.ge [sflag:s30], $0x3200  }
0xc6: {  	[sflag:s30] =	ssyncset.done $0x0  }
0xc7: {  	[sflag:s30] =	ssyncadd.s32 $0xFFFFCE00  }
0xc8: {  	_ =	swait.ge [sflag:s9], $0x3200  }
0xc9: {  	[sflag:s9] =	ssyncset.done $0x0  }
0xca: {  	s15 =	sadd.s32 $0x14180, s14;
	[sflag:s9] =	ssyncadd.s32 $0xFFFFCE00  }
0xcb: {  	[tilespmem:s7], [sflag:$0x2] =	stream.indirect.gather [hbm4b:s4+s2], $0x80, s15, s2, $0xb8;
	[tilespmem:$0x1E000] =	vst v63  }
.Ltmp1:
0xcc: {  	_ = 	snop;
	(pc) =	sbr.rel @p0 .LBB2_4-.Ltmp1, $4  }
0xcd: {  	s14 =	sadd.s32 $0x15C80, s14  }
0xce: {  	[spmem:s1] =	stream.indirect.scatter.add.f32 [tilespmem:s7], [sflag:$0x3], $0x80, s14, s2, $0xb8;
	[tilespmem:$0x1E000] =	vst v63  }
0xcf: {  	_ =	swait.ge [sflag:s30], $0x3200  }
0xd0: {  	[sflag:s30] =	ssyncset.done $0x0  }
0xd1: {  	[sflag:s30] =	ssyncadd.s32 $0xFFFFCE00  }
0xd2: {  	_ =	swait.ge [sflag:s8], $0x3200  }
0xd3: {  	[sflag:s8] =	ssyncset.done $0x0  }
0xd4: {  	[sflag:s8] =	ssyncadd.s32 $0xFFFFCE00  }
0xd5: {  	[spmem:s1] =	stream.indirect.scatter.add.f32 [tilespmem:s29], [sflag:$0x3], $0x80, s10, s2, $0xb8;
	[tilespmem:$0x1E000] =	vst v63  }
0xd6: {  	_ =	swait.ge [sflag:s30], $0x3200  }
0xd7: {  	[sflag:s30] =	ssyncset.done $0x0  }
0xd8: {  	[sflag:s30] =	ssyncadd.s32 $0xFFFFCE00  }
0xd9: {  	_ =	swait.ge [sflag:s9], $0x3200  }
0xda: {  	[sflag:s9] =	ssyncset.done $0x0  }
0xdb: {  	[sflag:s9] =	ssyncadd.s32 $0xFFFFCE00  }
0xdc: {  	[spmem:s1] =	stream.indirect.scatter.add.f32 [tilespmem:s7], [sflag:$0x3], $0x80, s11, s2, $0xb8;
	[tilespmem:$0x1E000] =	vst v63  }
0xdd: {  	s13 =	stileid.u32;
	_ =	swait.ge [sflag:s30], $0x3200  }
0xde: {  	s14 =	sshrl.u32 s6, $0x3;
	s12 =	sadd.s32 $0x1, s12;
	[sflag:s30] =	ssyncset.done $0x0  }
0xdf: {  	s13 =	sshll.u32 s13, $0x6;
	p0 =	sne.s32 s12, s25;
	[sflag:s30] =	ssyncadd.s32 $0xFFFFCE00  }
.Ltmp2:
0xe0: {  	s13 =	sor.u32 $0x1C03, s13;
	[bflag:$0x0] =	sbarrier.arrive $0xFFFF;
	(pc) =	sbr.rel @p0 .LBB2_1-.Ltmp2, $4  }
0xe1: {  	[hbm:s24], [sflag:s13] =	dma.local [spmem:s14], $0x2800  }
0xe2: {  	_ =	swait.ge [sflag:s30], $0x2800  }
0xe3: {  	[sflag:s30] =	ssyncset.done $0x0  }
0xe4: {  	[sflag:s30] =	ssyncadd.s32 $0xFFFFD800  }
0xe5: {  	_ =	sfence.sel $0x180000  }
0xe6: {  	[bflag:$0x0] =	sbarrier.arrive $0xFFFF  }
0xe7: {  	_ =	strace $0x9000004D  }
0xe8: {  	s0 =	stileid.u32;
	[bflag:$0x2] =	sbarrier.arrive $0xFFFF  }
0xe9: {  	p0 =	sne.s32 s0, $0x0;
	s0 =	rddreg [dreg:$0x2]  }
0xea: {  	s0 =	sadd.s32 @!p0 $0x100000, s0  }
0xeb: {  	[sflag:s0] =	ssyncadd.tile.s32 @!p0 $0x1;
	_ =	shalt  }
.Lfunc_end2:
_tile_overlayer_lowered:
.L_overlay_start_2:
0xec: {  	(tag) =	ssettag $0x2  }
0xed: {  	s0 =	rddreg [dreg:$0x0];
	s2 =	stileid.u32  }
0xee: {  	s1 =	rddreg [dreg:$0x1];
	p0 =	sne.s32 s2, $0x0  }
0xef: {  	s3 =	rddreg [dreg:$0x2];
	[bflag:$0x3] =	sbarrier.arrive $0xFFFF;
	s2 =	simm.s32 @!p0 $0x1C03  }
0xf0: {  	[timem:s3], [sflag:s2] =	dma.local @!p0 [hbm:s0], s1  }
0xf1: {  	s0 =	simm.s32 @!p0 $0x3  }
0xf2: {  	_ =	swait.ge @!p0 [sflag:s0], s1  }
0xf3: {  	s1 =	ssub.s32 @!p0 $0x0, s1;
	[sflag:s0] =	ssyncset.done @!p0 $0x0  }
0xf4: {  	[sflag:s0] =	ssyncadd.s32 @!p0 s1  }
0xf5: {  	[bflag:$0x3] =	sbarrier.arrive $0xFFFF  }
0xf6: {  	_ =	shalt  }

// kernel: kernel.9.cloned.1.call-start
scs
__scs_entry_jumppad:
0x0: {  	(pc) =	sbr.rel $0x88, $3  }
0x1: {  	(tag) =	ssettag $0x0;
	lr =	simm.s32 $0x1  }
0x2: {  	[smem:$0x3F99] =	sst lr;
	_ =	strace $0xD0000000  }
0x3: {  	_ = 	snop  }
0x4: {  	_ = 	snop  }
0x5: {  	_ = 	snop  }
0x6: {  	_ = 	snop  }
0x7: {  	_ = 	snop  }
__scs_overlays_trampoline_lowered:
0x8: {  	[smem:$0x3FA8] =	sst s0  }
0x9: {  	[smem:$0x3FA9] =	sst s1  }
0xa: {  	[smem:$0x3FAA] =	sst s2  }
0xb: {  	[smem:$0x3FAB] =	sst s3  }
0xc: {  	[smem:$0x3FAC] =	sst s4  }
0xd: {  	[smem:$0x3FAD] =	sst s5  }
0xe: {  	[smem:$0x3FAE] =	sst s6  }
0xf: {  	[smem:$0x3FAF] =	sst s7  }
0x10: {  	[smem:$0x3FB0] =	sst s8  }
0x11: {  	[smem:$0x3FB1] =	sst s9;
	s0 =	simm.s32 @!p0 $0x0  }
0x12: {  	s1 =	sld [smem:$0x3F97];
	s0 =	simm.s32 @p0 $0x1  }
0x13: {  	[smem:$0x3FB2] =	sst s0;
	s0 =	simm.s32 @!p1 $0x0  }
0x14: {  	s2 =	sld [smem:$0x3F96];
	s0 =	simm.s32 @p1 $0x1  }
0x15: {  	[smem:$0x3FB3] =	sst s0;
	s0 =	simm.s32 @!p2 $0x0  }
0x16: {  	s3 =	sld [smem:$0x3FDB];
	s0 =	simm.s32 @p2 $0x1  }
0x17: {  	s4 =	simm.s32 $0x1BF5;
	[smem:$0x3FB5] =	sst s0  }
0x18: {  	s0 =	sld [smem:$0x3F98];
	_ =	swait.ge [sflag:s4], $0x0  }
0x19: {  	s7 =	sld [smem:$0x3F99]  }
0x1a: {  	s8 =	sadd.s32 $0xFFFFE003, lr  }
0x1b: {  	s9 =	sadd.s32 $0xFFFFFEF7, lr;
	s5 =	simm.s32 $0xFFFFFFFF;
	p2 =	slt.u32 s8, $0xFFFFF086  }
0x1c: {  	p1 =	slt.u32 s9, $0xF7A;
	s5 =	simm.s32 @!p2 $0x0  }
0x1d: {  	s5 =	simm.s32 @p1 $0x1;
	p0 =	seq.s32 s7, s2  }
0x1e: {  	s7 =	smul.u32 @!p0 $0xF7A, s2;
	p2 =	seq.s32 @!p0 s5, $0x0  }
0x1f: {  	s9 =	smul.u32 $0xF7A, s1;
	s8 =	simm.s32 @!p0 $0x1BF5;
	p2 =	por !p2, p0  }
0x20: {  	[sflag:s8] =	ssyncset.s32 @!p0 $0xFFFFF086;
	s6 =	sadd.s32 @!p0 s3, s7;
	s7 =	simm.s32 @!p0 $0x108  }
0x21: {  	s3 =	sadd.s32 s3, s9;
	s6 =	sadd.s32 @!p0 $0x88, s6;
	s7 =	simm.s32 @p2 $0x1082  }
0x22: {  	[simem:s7], [sflag:s8] =	dma.local @!p0 [hbm:s6], $0xF7A  }
0x23: {  	s9 =	sor.u32 $0xD0000000, s2;
	s6 =	simm.s32 $0x108;
	_ =	swait.ge @!p0 [sflag:s8], $0x0  }
0x24: {  	s3 =	sadd.s32 $0x88, s3;
	s6 =	simm.s32 @!p1 $0x1082;
	[sflag:s4] =	ssyncset.s32 $0xFFFFF086  }
0x25: {  	[simem:s6], [sflag:s4] =	dma.local [hbm:s3], $0xF7A  }
0x26: {  	[smem:$0x3F99] =	sst s1;
	(tag) =	ssettag s2;
	_ =	strace s9  }
0x27: {  	s1 =	sld [smem:$0x3FA9]  }
0x28: {  	s2 =	sld [smem:$0x3FAA]  }
0x29: {  	s4 =	sld [smem:$0x3FAC]  }
0x2a: {  	p0 =	seq.s32 s5, $0x0;
	s5 =	sld [smem:$0x3FAD]  }
0x2b: {  	s6 =	sld [smem:$0x3FAE]  }
0x2c: {  	s7 =	sld [smem:$0x3FAF]  }
0x2d: {  	s3 =	simm.s32 $0x108;
	s8 =	sld [smem:$0x3FB0]  }
0x2e: {  	s3 =	simm.s32 @!p0 $0x1082;
	s9 =	sld [smem:$0x3FB1]  }
0x2f: {  	lr =	sadd.s32 s0, s3;
	s0 =	sld [smem:$0x3FA8]  }
0x30: {  	s3 =	sld [smem:$0x3FAB]  }
0x31: {  	[smem:$0x3FB4] =	sst s10  }
0x32: {  	s10 =	sld [smem:$0x3FB2];
	_ =	sdelay $0x3  }
0x33: {  	p0 =	seq.s32 s10, $0x1;
	s10 =	sld [smem:$0x3FB4];
	_ =	sdelay $0x3  }
0x34: {  	[smem:$0x3FB4] =	sst s10  }
0x35: {  	s10 =	sld [smem:$0x3FB3];
	_ =	sdelay $0x3  }
0x36: {  	p1 =	seq.s32 s10, $0x1;
	s10 =	sld [smem:$0x3FB4];
	_ =	sdelay $0x3  }
0x37: {  	[smem:$0x3FB4] =	sst s10  }
0x38: {  	s10 =	sld [smem:$0x3FB5]  }
0x39: {  	_ = 	snop;
	(pc) =	sbr.ind lr, $3  }
0x3a: {  	_ = 	snop  }
0x3b: {  	_ = 	snop  }
0x3c: {  	p2 =	seq.s32 s10, $0x1;
	s10 =	sld [smem:$0x3FB4]  }
0x3d: {  	_ =	shalt  }
0x3e: {  	_ =	shalt  }
0x3f: {  	_ =	shalt  }
0x40: {  	_ =	shalt  }
0x41: {  	_ =	shalt  }
0x42: {  	_ =	shalt  }
0x43: {  	_ =	shalt  }
0x44: {  	_ =	shalt  }
0x45: {  	_ =	shalt  }
0x46: {  	_ =	shalt  }
0x47: {  	_ =	shalt  }
0x48: {  	_ =	shalt  }
0x49: {  	_ =	shalt  }
0x4a: {  	_ =	shalt  }
0x4b: {  	_ =	shalt  }
0x4c: {  	_ =	shalt  }
0x4d: {  	_ =	shalt  }
0x4e: {  	_ =	shalt  }
0x4f: {  	_ =	shalt  }
0x50: {  	_ =	shalt  }
0x51: {  	_ =	shalt  }
0x52: {  	_ =	shalt  }
0x53: {  	_ =	shalt  }
0x54: {  	_ =	shalt  }
0x55: {  	_ =	shalt  }
0x56: {  	_ =	shalt  }
0x57: {  	_ =	shalt  }
0x58: {  	_ =	shalt  }
0x59: {  	_ =	shalt  }
0x5a: {  	_ =	shalt  }
0x5b: {  	_ =	shalt  }
0x5c: {  	_ =	shalt  }
0x5d: {  	_ =	shalt  }
0x5e: {  	_ =	shalt  }
0x5f: {  	_ =	shalt  }
0x60: {  	_ =	shalt  }
0x61: {  	_ =	shalt  }
0x62: {  	_ =	shalt  }
0x63: {  	_ =	shalt  }
0x64: {  	_ =	shalt  }
0x65: {  	_ =	shalt  }
0x66: {  	_ =	shalt  }
0x67: {  	_ =	shalt  }
0x68: {  	_ =	shalt  }
0x69: {  	_ =	shalt  }
0x6a: {  	_ =	shalt  }
0x6b: {  	_ =	shalt  }
0x6c: {  	_ =	shalt  }
0x6d: {  	_ =	shalt  }
0x6e: {  	_ =	shalt  }
0x6f: {  	_ =	shalt  }
0x70: {  	_ =	shalt  }
0x71: {  	_ =	shalt  }
0x72: {  	_ =	shalt  }
0x73: {  	_ =	shalt  }
0x74: {  	_ =	shalt  }
0x75: {  	_ =	shalt  }
0x76: {  	_ =	shalt  }
0x77: {  	_ =	shalt  }
0x78: {  	_ =	shalt  }
0x79: {  	_ =	shalt  }
0x7a: {  	_ =	shalt  }
0x7b: {  	_ =	shalt  }
0x7c: {  	_ =	shalt  }
0x7d: {  	_ =	shalt  }
0x7e: {  	_ =	shalt  }
0x7f: {  	_ =	shalt  }
0x80: {  	_ =	shalt  }
0x81: {  	_ =	shalt  }
0x82: {  	_ =	shalt  }
0x83: {  	_ =	shalt  }
0x84: {  	_ =	shalt  }
0x85: {  	_ =	shalt  }
0x86: {  	_ =	shalt  }
0x87: {  	_ =	shalt  }
.Lfunc_end0:
.L_simem_size_0:
called_computation_lowered:
.L_overlay_start_0:
0x88: {  	s2 =	sld [smem:$0x3FD9]  }
0x89: {  	s3 =	sld [smem:$0x3FFE];
	_ =	sdelay $0x1  }
0x8a: {  	s1 =	srdreg.scid  }
0x8b: {  	s0 =	sand.u32 $0x1, s1  }
0x8c: {  	s16 =	sshll.u32 s0, $0xA;
	s2 =	sadd.s32 s3, s2  }
0x8d: {  	s2 =	sadd.s32 s2, s16  }
0x8e: {  	[smem:$0x3FC0] =	sst s2  }
0x8f: {  	_ = 	snop  }
0x90: {  	(tm) =	ssettm $0x1  }
0x91: {  	s17 =	sld [smem:$0x3FFB];
	_ =	sdelay $0x3  }
0x92: {  	_ =	strace s17  }
0x93: {  	s2 =	sld [smem:$0x3FFC];
	_ =	sdelay $0x3  }
0x94: {  	_ =	strace s2  }
0x95: {  	s2 =	sld [smem:$0x3FFD];
	_ =	sdelay $0x3  }
0x96: {  	_ =	strace s2  }
0x97: {  	_ =	strace $0x8FFFFFFF  }
0x98: {  	s18 =	sld [smem:$0x3FDB];
	_ =	sdelay $0x1  }
0x99: {  	s19 =	simm.s32 $_scs_section_size  }
0x9a: {  	s4 =	simm.s32 $_size__tile_overlayer_lowered;
	s5 =	simm.s32 $_tile_overlayer_lowered  }
0x9b: {  	s22 =	simm.s32 $0x1BFF;
	s21 =	sshll.u32 s5, $0x1;
	s2 =	sadd.s32 s19, s18  }
0x9c: {  	s6 =	simm.s32 $0x0;
	s20 =	sshll.u32 s4, $0x1;
	s4 =	sadd.s32 s21, s2  }
0x9d: {  	[timem:s6], [sflag:s22] =	dma.local [hbm:s4], s20  }
0x9e: {  	_ =	swait.ge [sflag:s22], s20  }
0x9f: {  	s3 =	ssub.s32 $0x0, s20;
	[sflag:s22] =	ssyncset.done $0x0  }
0xa0: {  	[sflag:s22] =	ssyncadd.s32 s3;
	_ =	sdelay $0x1  }
0xa1: {  	s23 =	simm.s32 $0x1B8B  }
0xa2: {  	_ =	swait.ge [sflag:s23], $0x1  }
0xa3: {  	[sflag:s23] =	ssyncset.done $0x0  }
0xa4: {  	s25 =	simm.s32 $0x1B8E;
	s24 =	sld [smem:$0x3FFE];
	[sflag:s23] =	ssyncadd.s32 $0xFFFFFFFF  }
0xa5: {  	s26 =	simm.s32 $execute0_lowered;
	[smem:$0x3FD2] =	sst s25  }
0xa6: {  	s4 =	sshll.u32 s26, $0x1;
	_ =	strace $0x80000046;
	[dreg:$0x1] =	wrdreg $0xFFFFFFFF  }
0xa7: {  	s28 =	simm.s32 $_size_execute0_lowered;
	s2 =	sadd.s32 s2, s4;
	[dreg:$0x0] =	wrdreg $0x0  }
0xa8: {  	s4 =	sshll.u32 s28, $0x1;
	[dreg:$0x2] =	wrdreg s2  }
0xa9: {  	[dreg:$0x3] =	wrdreg s4  }
0xaa: {  	[dreg:$0x4] =	wrdreg $0xC0  }
0xab: {  	_ =	task [dreg:s6], $0x5FFFF  }
0xac: {  	[dreg:$0x1] =	wrdreg $0xFFFFFFFF  }
0xad: {  	[dreg:$0x0] =	wrdreg $0x60  }
0xae: {  	[dreg:$0x2] =	wrdreg s24  }
0xaf: {  	[dreg:$0x3] =	wrdreg $0x9  }
0xb0: {  	_ =	task.clear_ibuf [dreg:s6], $0x4FFFF;
	_ =	strace $0x90000046  }
0xb1: {  	s29 =	simm.s32 $0x9;
	_ =	strace $0x80000048  }
0xb2: {  	_ =	swait.ge [sflag:s29], $0x1  }
0xb3: {  	[sflag:s29] =	ssyncadd.s32 $0xFFFFFFFF  }
0xb4: {  	_ =	strace $0x90000048  }
0xb5: {  	_ =	sfence  }
0xb6: {  	s30 =	sld [smem:$0x0];
	_ =	sdelay $0x2  }
0xb7: {  	s31 =	sshll.u32 s1, $0xD;
	s1 =	sshrl.u32 s1, $0x2  }
0xb8: {  	s3 =	sand.u32 $0x4000, s31;
	s1 =	sadd.s32 s1, s30  }
0xb9: {  	s0 =	sor.u32 s3, s0;
	s1 =	sshll.u32 s1, $0x11  }
0xba: {  	s0 =	sor.u32 s1, s0  }
0xbb: {  	s0 =	sadd.s32 $0x8F2B, s0  }
0xbc: {  	[sflag:s0] =	ssyncadd.remote.s32 $0x1  }
0xbd: {  	_ =	sfence.sel $0xFFFF  }
0xbe: {  	[dreg:$0x0] =	wrdreg $0xFFFFFFFF;
	(pc) =	sbr.abs _section_cstart, $3  }
0xbf: {  	[dreg:$0x1] =	wrdreg $0xFFFFFFFF  }
0xc0: {  	_ =	task.clear_ibuf [dreg:s6], $0x2FFFF;
	_ =	strace $0x9FFFFFFF  }
0xc1: {  	(tm) =	ssettm $0x7FFFFFFF  }
tec
execute0_lowered:
.L_overlay_start_1:
0x0: {  	(tag) =	ssettag $0x1  }
0x1: {  	s0 =	srdreg.scid  }
0x2: {  	s4 =	rddreg [dreg:$0x0];
	s1 =	stileid.u32;
	s3 =	sand.u32 $0x1, s0  }
0x3: {  	s2 =	simm.s32 $0x0;
	s8 =	simm.s32 $0x2800;
	s5 =	sshll.u32 s3, $0x4  }
0x4: {  	s9 =	simm.s32 $0x0;
	s0 =	rddreg [dreg:$0x1];
	s5 =	sor.u32 s1, s5  }
0x5: {  	[smem:$0x7FF] =	sst s2;
	s6 =	ssub.s32 $0x2, s3;
	s5 =	smul.u32 $0x500, s5  }
0x6: {  	_ =	strace $0x80000047;
	s3 =	sadd.s32 $0xC600, s4;
	s7 =	sshrl.u32 s6, $0x1  }
0x7: {  	s6 =	ssub.s32 s6, s7;
	s7 =	simm.s32 $0x1;
	s5 =	sadd.s32 s5, s4  }
0x8: {  	v0 =	vimm.f32 $1.000000000e+00;
	s6 =	smax.u32 s6, $0x1;
	s4 =	sadd.s32 $0x2600, s5;
	s5 =	sadd.s32 $0xCC00, s5  }
.LBB2_1:
0x9: {  	[tilespmem:s2], [sflag:$0x1] =	stream.linear.gather [hbm4b:s3+s2], $0x2800, $0x38;
	[tilespmem:$0x5000] =	vst v63  }
0xa: {  	_ =	swait.ge [sflag:s7], $0x2800  }
0xb: {  	[sflag:s7] =	ssyncset.done $0x0  }
0xc: {  	[sflag:s7] =	ssyncadd.s32 $0xFFFFD800  }
0xd: {  	[tilespmem:s8], [sflag:$0x1] =	stream.linear.gather [hbm4b:s4+s2], $0x2800, $0x38;
	[tilespmem:$0x5000] =	vst v63  }
0xe: {  	_ =	swait.ge [sflag:s7], $0x2800  }
0xf: {  	[sflag:s7] =	ssyncset.done $0x0  }
0x10: {  	s10 =	simm.s32 $0x0;
	[sflag:s7] =	ssyncadd.s32 $0xFFFFD800  }
.LBB2_2:
0x11: {  	s11 =	sshra.s32 s10, $0x2  }
0x12: {  	v1 =	vld [tilespmem:s11+$0x2800];
	_ =	sdelay $0x7  }
0x13: {  	[tilespmem:v1+s2+$0x0] =	vst.idx.add.f32.msk $0xffff, v0  }
0x14: {  	v1 =	vld [tilespmem:s11+$0x2810];
	_ =	sdelay $0x7  }
0x15: {  	[tilespmem:v1+s2+$0x0] =	vst.idx.add.f32.msk $0xffff, v0  }
0x16: {  	v1 =	vld [tilespmem:s11+$0x2820];
	_ =	sdelay $0x7  }
0x17: {  	[tilespmem:v1+s2+$0x0] =	vst.idx.add.f32.msk $0xffff, v0  }
0x18: {  	v1 =	vld [tilespmem:s11+$0x2830];
	_ =	sdelay $0x7  }
0x19: {  	[tilespmem:v1+s2+$0x0] =	vst.idx.add.f32.msk $0xffff, v0  }
0x1a: {  	v1 =	vld [tilespmem:s11+$0x2840];
	_ =	sdelay $0x7  }
0x1b: {  	[tilespmem:v1+s2+$0x0] =	vst.idx.add.f32.msk $0xffff, v0  }
0x1c: {  	v1 =	vld [tilespmem:s11+$0x2850];
	_ =	sdelay $0x7  }
0x1d: {  	[tilespmem:v1+s2+$0x0] =	vst.idx.add.f32.msk $0xffff, v0  }
0x1e: {  	v1 =	vld [tilespmem:s11+$0x2860];
	_ =	sdelay $0x7  }
0x1f: {  	[tilespmem:v1+s2+$0x0] =	vst.idx.add.f32.msk $0xffff, v0  }
0x20: {  	v1 =	vld [tilespmem:s11+$0x2870];
	_ =	sdelay $0x2  }
0x21: {  	p0 =	sne.s32 s10, $0x9E00  }
.Ltmp0:
0x22: {  	_ = 	snop;
	(pc) =	sbr.rel @p0 .LBB2_2-.Ltmp0, $2  }
0x23: {  	_ =	sdelay $0x2  }
0x24: {  	s10 =	sadd.s32 $0x200, s10;
	[tilespmem:v1+s2+$0x0] =	vst.idx.add.f32.msk $0xffff, v0  }
0x25: {  	s9 =	sadd.s32 $0x1, s9  }
0x26: {  	p0 =	sne.s32 s9, s6  }
.Ltmp1:
0x27: {  	_ = 	snop;
	(pc) =	sbr.rel @p0 .LBB2_1-.Ltmp1, $4  }
0x28: {  	[hbm4b:s5+s2] =	stream.linear.scatter [tilespmem:s2], [sflag:$0x1], $0x2800, $0x38;
	[tilespmem:$0x5000] =	vst v63  }
0x29: {  	_ =	swait.ge [sflag:s7], $0x2800  }
0x2a: {  	[sflag:s7] =	ssyncset.done $0x0  }
0x2b: {  	[sflag:s7] =	ssyncadd.s32 $0xFFFFD800  }
0x2c: {  	_ =	sfence.sel $0x180000  }
0x2d: {  	[bflag:$0x0] =	sbarrier.arrive $0xFFFF  }
0x2e: {  	p0 =	sne.s32 s1, $0x0;
	_ =	strace $0x90000047  }
0x2f: {  	s0 =	sadd.s32 @!p0 $0x100000, s0;
	[bflag:$0x2] =	sbarrier.arrive $0xFFFF  }
0x30: {  	[sflag:s0] =	ssyncadd.tile.s32 @!p0 $0x1;
	_ =	shalt  }
.Lfunc_end2:
_tile_overlayer_lowered:
.L_overlay_start_2:
0x31: {  	(tag) =	ssettag $0x2  }
0x32: {  	s0 =	rddreg [dreg:$0x0];
	s2 =	stileid.u32  }
0x33: {  	s1 =	rddreg [dreg:$0x1];
	p0 =	sne.s32 s2, $0x0  }
0x34: {  	s3 =	rddreg [dreg:$0x2];
	[bflag:$0x3] =	sbarrier.arrive $0xFFFF;
	s2 =	simm.s32 @!p0 $0x1C01  }
0x35: {  	[timem:s3], [sflag:s2] =	dma.local @!p0 [hbm:s0], s1  }
0x36: {  	s0 =	simm.s32 @!p0 $0x1  }
0x37: {  	_ =	swait.ge @!p0 [sflag:s0], s1  }
0x38: {  	s1 =	ssub.s32 @!p0 $0x0, s1;
	[sflag:s0] =	ssyncset.done @!p0 $0x0  }
0x39: {  	[sflag:s0] =	ssyncadd.s32 @!p0 s1  }
0x3a: {  	[bflag:$0x3] =	sbarrier.arrive $0xFFFF  }
0x3b: {  	_ =	shalt  }

</sc_bundles>
